<compile_context>
chip_gen: v7x
topology: tpu7x:2x2x1
jax: 0.10.2.dev20260603
libtpu: 0.0.44.dev20260713+nightly
codegen_flags: <defaults>
</compile_context>

<pallas_src>
import functools

import jax
import jax.numpy as jnp
from jax.experimental import pallas as pl
from jax.experimental.pallas import tpu as pltpu

_B = 4096
_D = 2048
_H = 16
_DH = _D // _H


def _gelu_f32(x):
    return 0.5 * x * (1.0 + jax.lax.erf(x * (1.0 / jnp.sqrt(jnp.float32(2.0)))))


def _apply_act(y, act):
    if act == "gelu":
        return _gelu_f32(y)
    if act == "sigmoid":
        return jax.nn.sigmoid(y)
    return y


def _clamp_m(mi, bnd, bm):
    m_lo = bnd[0] // bm
    m_hi = jnp.maximum(m_lo, (bnd[1] + bm - 1) // bm - 1)
    return jnp.clip(mi, m_lo, m_hi)


def _out_m(mi, bnd, bm, nm):
    m_lo = bnd[0] // bm
    m_hi = jnp.maximum(m_lo, (bnd[1] + bm - 1) // bm - 1)
    return jnp.where(mi < m_lo, 0, jnp.where(mi > m_hi, nm - 1, mi))


def _mm_body(bnd_ref, x_ref, w_ref, b_ref, *rest, nk, act, out_dtype,
             bm, residual):
    if residual:
        res_ref, o_ref, acc_ref = rest
    else:
        (o_ref, acc_ref) = rest
    m = pl.program_id(0)
    k = pl.program_id(2)
    valid = jnp.logical_and(m * bm + bm > bnd_ref[0], m * bm < bnd_ref[1])

    @pl.when(valid)
    def _():
        @pl.when(k == 0)
        def _():
            acc_ref[...] = jnp.zeros_like(acc_ref)

        xb = x_ref[...].astype(jnp.bfloat16)
        wb = w_ref[...].astype(jnp.bfloat16)
        acc_ref[...] += jax.lax.dot_general(
            xb, wb, (((1,), (1,)), ((), ())),
            preferred_element_type=jnp.float32)

        @pl.when(k == nk - 1)
        def _():
            y = acc_ref[...] + b_ref[...].astype(jnp.float32)
            y = _apply_act(y, act)
            if residual:
                y = y + res_ref[...].astype(jnp.float32)
            o_ref[...] = y.astype(out_dtype)


def _matmul(x, w, b, *, act="none", out_dtype=jnp.bfloat16,
            bm=512, bn=1024, bk=2048, bounds=None, residual=None, x_off=0):
    M = x.shape[0]
    N, K = w.shape
    bn = min(bn, N)
    bk = min(bk, K)
    nm, nn, nk = M // bm, N // bn, K // bk
    assert nm * bm == M and nn * bn == N and nk * bk == K and x_off % bk == 0
    koff = x_off // bk

    if bounds is None:
        bounds = jnp.array([0, M], jnp.int32)

    in_specs = [
        pl.BlockSpec((bm, bk),
                     lambda mi, ni, ki, bnd: (_clamp_m(mi, bnd, bm), ki + koff)),
        pl.BlockSpec((bn, bk), lambda mi, ni, ki, bnd: (ni, ki)),
        pl.BlockSpec((1, bn), lambda mi, ni, ki, bnd: (0, ni)),
    ]
    args = [x, w, b.reshape(1, N)]
    if residual is not None:
        in_specs.append(
            pl.BlockSpec((bm, bn),
                         lambda mi, ni, ki, bnd: (_clamp_m(mi, bnd, bm), ni)))
        args.append(residual)

    grid_spec = pltpu.PrefetchScalarGridSpec(
        num_scalar_prefetch=1,
        grid=(nm, nn, nk),
        in_specs=in_specs,
        out_specs=pl.BlockSpec(
            (bm, bn), lambda mi, ni, ki, bnd: (_out_m(mi, bnd, bm, nm), ni)),
        scratch_shapes=[pltpu.VMEM((bm, bn), jnp.float32)],
    )
    body = functools.partial(_mm_body, nk=nk, act=act,
                             out_dtype=out_dtype, bm=bm,
                             residual=residual is not None)
    return pl.pallas_call(
        body,
        grid_spec=grid_spec,
        out_shape=jax.ShapeDtypeStruct((M, N), out_dtype),
        compiler_params=pltpu.CompilerParams(
            dimension_semantics=("parallel", "parallel", "arbitrary")),
    )(bounds, *args)


def _decide_body(hc_ref, hr_ref, wc_ref, wr_ref, bc_ref, br_ref, meta_ref, *, bm):
    lc = jnp.dot(hc_ref[...], wc_ref[...],
                 preferred_element_type=jnp.float32) + bc_ref[...]
    lr = jnp.dot(hr_ref[...], wr_ref[...],
                 preferred_element_type=jnp.float32) + br_ref[...]
    l0 = lc[:, 0:1]
    l1 = lc[:, 1:2]
    mx = jnp.maximum(l0, l1)
    e0 = jnp.exp(l0 - mx)
    e1 = jnp.exp(l1 - mx)
    s = e0 + e1
    wv = e0 / s
    wt = e1 / s
    use_hard = jnp.maximum(wv, wt) > 0.6
    r0 = lr[:, 0:1]
    r1 = lr[:, 1:2]
    r2 = lr[:, 2:3]
    grp_hard = jnp.where(jnp.logical_and(r0 >= r1, r0 >= r2), 2.0,
                         jnp.where(r1 >= r2, 3.0, 1.0))
    grp = jnp.where(use_hard, grp_hard, 0.0)
    col = jax.lax.broadcasted_iota(jnp.int32, (bm, 128), 1)
    meta = jnp.where(col == 0, wv,
                     jnp.where(col == 1, wt,
                               jnp.where(col == 2, grp, 0.0)))
    meta_ref[...] = meta


def _decide(hc, hr, wc_pad, wr_pad, bc_pad, br_pad, bm=512):
    nm = _B // bm
    return pl.pallas_call(
        functools.partial(_decide_body, bm=bm),
        grid=(nm,),
        in_specs=[
            pl.BlockSpec((bm, _D), lambda mi: (mi, 0)),
            pl.BlockSpec((bm, _D), lambda mi: (mi, 0)),
            pl.BlockSpec((_D, 128), lambda mi: (0, 0)),
            pl.BlockSpec((_D, 128), lambda mi: (0, 0)),
            pl.BlockSpec((1, 128), lambda mi: (0, 0)),
            pl.BlockSpec((1, 128), lambda mi: (0, 0)),
        ],
        out_specs=pl.BlockSpec((bm, 128), lambda mi: (mi, 0)),
        out_shape=jax.ShapeDtypeStruct((_B, 128), jnp.float32),
        compiler_params=pltpu.CompilerParams(
            dimension_semantics=("parallel",)),
    )(hc, hr, wc_pad, wr_pad, bc_pad, br_pad)


def _attn_body(bnd_ref, qkv_i_ref, qkv_t_ref, o_ref, *, bm):
    m = pl.program_id(0)
    valid = jnp.logical_and(m * bm + bm > bnd_ref[0], m * bm < bnd_ref[1])

    @pl.when(valid)
    def _():
        qi = qkv_i_ref[:, 0:_D].astype(jnp.float32)
        ki = qkv_i_ref[:, _D:2 * _D].astype(jnp.float32)
        vi = qkv_i_ref[:, 2 * _D:3 * _D].astype(jnp.float32)
        qt = qkv_t_ref[:, 0:_D].astype(jnp.float32)
        kt = qkv_t_ref[:, _D:2 * _D].astype(jnp.float32)
        vt = qkv_t_ref[:, 2 * _D:3 * _D].astype(jnp.float32)
        dk = ki - kt
        scale = 1.0 / jnp.sqrt(jnp.float32(_DH))
        d1 = (qi * dk).reshape(bm, _H, _DH).sum(axis=-1) * scale
        d2 = (qt * dk).reshape(bm, _H, _DH).sum(axis=-1) * scale
        a = 0.5 * (jax.nn.sigmoid(d1) + jax.nn.sigmoid(d2))
        dv = (vi - vt).reshape(bm, _H, _DH)
        mm = vt.reshape(bm, _H, _DH) + a[:, :, None] * dv
        o_ref[...] = mm.reshape(bm, _D).astype(o_ref.dtype)


def _attn_combine(qkv_i, qkv_t, bounds, bm=256):
    nm = _B // bm
    grid_spec = pltpu.PrefetchScalarGridSpec(
        num_scalar_prefetch=1,
        grid=(nm,),
        in_specs=[
            pl.BlockSpec((bm, 3 * _D), lambda mi, bnd: (_clamp_m(mi, bnd, bm), 0)),
            pl.BlockSpec((bm, 3 * _D), lambda mi, bnd: (_clamp_m(mi, bnd, bm), 0)),
        ],
        out_specs=pl.BlockSpec((bm, _D), lambda mi, bnd: (_out_m(mi, bnd, bm, nm), 0)),
    )
    return pl.pallas_call(
        functools.partial(_attn_body, bm=bm),
        grid_spec=grid_spec,
        out_shape=jax.ShapeDtypeStruct((_B, _D), jnp.bfloat16),
        compiler_params=pltpu.CompilerParams(
            dimension_semantics=("parallel",)),
    )(bounds, qkv_i, qkv_t)


def _mixs_body(bnd_ref, img_ref, txt_ref, meta_ref, g_ref, attn_ref,
               ln1g_ref, ln1b_ref, ln2g_ref, ln2b_ref, o_ref, *, bm):
    m = pl.program_id(0)
    n0 = bnd_ref[2]
    valid = jnp.logical_and(m * bm + bm > bnd_ref[0], m * bm < bnd_ref[1])

    @pl.when(valid)
    def _():
        rows = m * bm + jax.lax.broadcasted_iota(jnp.int32, (bm, 1), 0)
        soft = rows < n0
        img = img_ref[...]
        txt = txt_ref[...]
        attn = attn_ref[...].astype(jnp.float32)
        wv = meta_ref[:, 0:1]
        wt = meta_ref[:, 1:2]
        g = g_ref[...].astype(jnp.float32)
        base = jnp.where(soft, wv * img + wt * txt,
                         g * img + (1.0 - g) * txt) + attn
        gamma = jnp.where(soft, ln1g_ref[...], ln2g_ref[...])
        beta = jnp.where(soft, ln1b_ref[...], ln2b_ref[...])
        mu = base.mean(axis=-1, keepdims=True)
        dx = base - mu
        var = (dx * dx).mean(axis=-1, keepdims=True)
        o_ref[...] = (dx / jnp.sqrt(var + 1e-5) * gamma + beta).astype(o_ref.dtype)


def _mix_ln_sorted(cat_g, meta_g, g, attn_mean, ln1g, ln1b, ln2g, ln2b,
                   bounds, bm=256):
    nm = _B // bm
    def rowm(mi, bnd):
        return (_clamp_m(mi, bnd, bm), 0)
    def rowm_txt(mi, bnd):
        return (_clamp_m(mi, bnd, bm), 1)
    vec = lambda mi, bnd: (0, 0)
    grid_spec = pltpu.PrefetchScalarGridSpec(
        num_scalar_prefetch=1,
        grid=(nm,),
        in_specs=[
            pl.BlockSpec((bm, _D), rowm),
            pl.BlockSpec((bm, _D), rowm_txt),
            pl.BlockSpec((bm, 128), rowm),
            pl.BlockSpec((bm, _D), rowm),
            pl.BlockSpec((bm, _D), rowm),
            pl.BlockSpec((1, _D), vec),
            pl.BlockSpec((1, _D), vec),
            pl.BlockSpec((1, _D), vec),
            pl.BlockSpec((1, _D), vec),
        ],
        out_specs=pl.BlockSpec((bm, _D),
                               lambda mi, bnd: (_out_m(mi, bnd, bm, nm), 0)),
    )
    return pl.pallas_call(
        functools.partial(_mixs_body, bm=bm),
        grid_spec=grid_spec,
        out_shape=jax.ShapeDtypeStruct((_B, _D), jnp.bfloat16),
        compiler_params=pltpu.CompilerParams(
            dimension_semantics=("parallel",)),
    )(bounds, cat_g, cat_g, meta_g, g, attn_mean,
      ln1g.reshape(1, _D), ln1b.reshape(1, _D),
      ln2g.reshape(1, _D), ln2b.reshape(1, _D))


def _fin_body(bnd_ref, img_ref, txt_ref, ffn_ref, w_ref, b_ref, o_ref, *, bm):
    m = pl.program_id(0)
    n01 = bnd_ref[0]
    n012 = bnd_ref[1]
    rows = m * bm + jax.lax.broadcasted_iota(jnp.int32, (bm, 1), 0)
    need_proj = m * bm + bm > n01

    @pl.when(need_proj)
    def _():
        sel = jnp.where(rows < n012, img_ref[...], txt_ref[...])
        y = jax.lax.dot_general(
            sel.astype(jnp.bfloat16), w_ref[...].astype(jnp.bfloat16),
            (((1,), (1,)), ((), ())), preferred_element_type=jnp.float32)
        y = _gelu_f32(y + b_ref[...])
        o_ref[...] = jnp.where(rows < n01, ffn_ref[...], y)

    @pl.when(jnp.logical_not(need_proj))
    def _():
        o_ref[...] = ffn_ref[...]


def _finish(cat_g, ffn_out, proj_w, proj_b, bounds, bm=256, bn=1024):
    nm = _B // bm
    nn = _D // bn
    grid_spec = pltpu.PrefetchScalarGridSpec(
        num_scalar_prefetch=1,
        grid=(nm, nn),
        in_specs=[
            pl.BlockSpec((bm, _D), lambda mi, ni, bnd: (mi, 0)),
            pl.BlockSpec((bm, _D), lambda mi, ni, bnd: (mi, 1)),
            pl.BlockSpec((bm, bn), lambda mi, ni, bnd: (mi, ni)),
            pl.BlockSpec((bn, _D), lambda mi, ni, bnd: (ni, 0)),
            pl.BlockSpec((1, bn), lambda mi, ni, bnd: (0, ni)),
        ],
        out_specs=pl.BlockSpec((bm, bn), lambda mi, ni, bnd: (mi, ni)),
    )
    return pl.pallas_call(
        functools.partial(_fin_body, bm=bm),
        grid_spec=grid_spec,
        out_shape=jax.ShapeDtypeStruct((_B, _D), jnp.float32),
        compiler_params=pltpu.CompilerParams(
            dimension_semantics=("parallel", "parallel")),
    )(bounds, cat_g, cat_g, ffn_out, proj_w, proj_b.reshape(1, _D))


def kernel(img_emb, txt_emb, conf_w1, conf_b1, conf_w2, conf_b2,
           rout_w1, rout_b1, rout_w2, rout_b2,
           attn_in_w, attn_in_b, attn_out_w, attn_out_b,
           gate_w, gate_b, ln1_g, ln1_b, ln2_g, ln2_b,
           ffn_w1, ffn_b1, ffn_w2, ffn_b2, proj_w, proj_b):
    f32 = jnp.float32
    bf16 = jnp.bfloat16
    i32 = jnp.int32
    cat = jnp.concatenate([img_emb, txt_emb], axis=-1)
    cat_bf = cat.astype(bf16)

    hc = _matmul(cat_bf, conf_w1, conf_b1, act="gelu", out_dtype=bf16)
    hr = _matmul(cat_bf, rout_w1, rout_b1, act="gelu", out_dtype=bf16)
    wc_pad = jnp.zeros((_D, 128), f32).at[:, 0:2].set(conf_w2.T).astype(bf16)
    wr_pad = jnp.zeros((_D, 128), f32).at[:, 0:3].set(rout_w2.T).astype(bf16)
    bc_pad = jnp.zeros((1, 128), f32).at[0, 0:2].set(conf_b2)
    br_pad = jnp.zeros((1, 128), f32).at[0, 0:3].set(rout_b2)
    meta = _decide(hc, hr, wc_pad, wr_pad, bc_pad, br_pad)

    group = meta[:, 2].astype(i32)
    order = jnp.argsort(group)
    n0 = jnp.sum(group == 0).astype(i32)
    n1 = jnp.sum(group == 1).astype(i32)
    n2 = jnp.sum(group == 2).astype(i32)
    n01 = n0 + n1
    n012 = n01 + n2
    cat_g = cat[order]
    meta_g = meta[order]

    z = jnp.int32(0)
    b_attn = jnp.stack([z, n01])
    b_gate = jnp.stack([n0, n01])
    b_mix = jnp.stack([z, n01, n0])
    b_fin = jnp.stack([n01, n012])

    qkv_i = _matmul(cat_g, attn_in_w, attn_in_b, bounds=b_attn, x_off=0)
    qkv_t = _matmul(cat_g, attn_in_w, attn_in_b, bounds=b_attn, x_off=_D)
    m = _attn_combine(qkv_i, qkv_t, b_attn)
    attn_mean = _matmul(m, attn_out_w, attn_out_b, bounds=b_attn)

    g = _matmul(cat_g, gate_w, gate_b, act="sigmoid", bounds=b_gate)

    mix = _mix_ln_sorted(cat_g, meta_g, g, attn_mean,
                         ln1_g, ln1_b, ln2_g, ln2_b, b_mix)
    hs = _matmul(mix, ffn_w1, ffn_b1, act="gelu", bounds=b_attn)
    ffn_out = _matmul(hs, ffn_w2, ffn_b2, out_dtype=f32, residual=mix,
                      bounds=b_attn)

    out_sorted = _finish(cat_g, ffn_out, proj_w, proj_b, b_fin)
    inv = jnp.argsort(order)
    return out_sorted[inv]

# --- scband reference (transcript-rebuilt; emitter-appended) ---
"""Pipeline reference for scband-sho-mrfusion-74715251081763 (READ-ONLY COPY).

The authoritative reference and input builder live on the scoring server;
editing this copy changes nothing except your own understanding.
"""

import jax, jax.numpy as jnp
import numpy as np

B = 4096
D = 2048
H = 16

def _lin(x, W, b):
    return x @ W.T + b

def _gelu(x):
    return jax.nn.gelu(x, approximate=False)

def _ln(x, g, b):
    mu = x.mean(-1, keepdims=True)
    var = x.var(-1, keepdims=True)
    return (x - mu) / jnp.sqrt(var + 1e-5) * g + b

def _mha(x, in_w, in_b, out_w, out_b, heads):
    Bx, S, Dm = x.shape
    qkv = x @ in_w.T + in_b
    q, k, v = jnp.split(qkv, 3, axis=-1)
    dh = Dm // heads
    def sp(t):
        return t.reshape(Bx, S, heads, dh).transpose(0, 2, 1, 3)
    q, k, v = sp(q), sp(k), sp(v)
    attn = jax.nn.softmax((q @ k.transpose(0, 1, 3, 2)) / jnp.sqrt(jnp.float32(dh)), axis=-1)
    o = (attn @ v).transpose(0, 2, 1, 3).reshape(Bx, S, Dm)
    return o @ out_w.T + out_b

def setup_inputs(seed: int = 0):
    key = jax.random.key(seed)
    ks = jax.random.split(key, 32)
    s = 0.02
    def w(i, shape):
        return jax.random.normal(ks[i], shape, jnp.float32) * s
    inp = {
        "img_emb": jax.random.normal(ks[0], (B, D), jnp.float32),
        "txt_emb": jax.random.normal(ks[1], (B, D), jnp.float32),
        "conf_w1": w(2, (D, 2 * D)), "conf_b1": jnp.zeros((D,), jnp.float32),
        "conf_w2": w(3, (2, D)), "conf_b2": jnp.zeros((2,), jnp.float32),
        "rout_w1": w(4, (D, 2 * D)), "rout_b1": jnp.zeros((D,), jnp.float32),
        "rout_w2": w(5, (3, D)), "rout_b2": jnp.zeros((3,), jnp.float32),
        "attn_in_w": w(6, (3 * D, D)), "attn_in_b": jnp.zeros((3 * D,), jnp.float32),
        "attn_out_w": w(7, (D, D)), "attn_out_b": jnp.zeros((D,), jnp.float32),
        "gate_w": w(8, (D, 2 * D)), "gate_b": jnp.zeros((D,), jnp.float32),
        "ln1_g": jnp.ones((D,), jnp.float32), "ln1_b": jnp.zeros((D,), jnp.float32),
        "ln2_g": jnp.ones((D,), jnp.float32), "ln2_b": jnp.zeros((D,), jnp.float32),
        "ffn_w1": w(9, (4 * D, D)), "ffn_b1": jnp.zeros((4 * D,), jnp.float32),
        "ffn_w2": w(10, (D, 4 * D)), "ffn_b2": jnp.zeros((D,), jnp.float32),
        "proj_w": w(11, (D, D)), "proj_b": jnp.zeros((D,), jnp.float32),
    }
    return inp

def reference(img_emb, txt_emb, conf_w1, conf_b1, conf_w2, conf_b2, rout_w1, rout_b1, rout_w2, rout_b2, attn_in_w, attn_in_b, attn_out_w, attn_out_b, gate_w, gate_b, ln1_g, ln1_b, ln2_g, ln2_b, ffn_w1, ffn_b1, ffn_w2, ffn_b2, proj_w, proj_b):
    cat = jnp.concatenate([img_emb, txt_emb], axis=-1)
    conf_logits = _lin(_gelu(_lin(cat, conf_w1, conf_b1)), conf_w2, conf_b2)
    conf_weights = jax.nn.softmax(conf_logits, axis=-1)
    w_v = conf_weights[:, 0:1]
    w_t = conf_weights[:, 1:2]
    max_conf = conf_weights.max(axis=-1)
    use_hard = max_conf > 0.6
    route_logits = _lin(_gelu(_lin(cat, rout_w1, rout_b1)), rout_w2, rout_b2)
    route_probs = jax.nn.softmax(route_logits / 1.0, axis=-1)
    route = jnp.argmax(route_probs, axis=-1)
    attn_in = jnp.stack([img_emb, txt_emb], axis=1)
    attn_mean = _mha(attn_in, attn_in_w, attn_in_b, attn_out_w, attn_out_b, H).mean(axis=1)
    def ffn(x):
        return _lin(_gelu(_lin(x, ffn_w1, ffn_b1)), ffn_w2, ffn_b2)
    base = w_v * img_emb + w_t * txt_emb
    soft = _ln(base + attn_mean, ln1_g, ln1_b)
    soft = soft + ffn(soft)
    proj_v = _gelu(_lin(img_emb, proj_w, proj_b))
    proj_t = _gelu(_lin(txt_emb, proj_w, proj_b))
    g = jax.nn.sigmoid(_lin(cat, gate_w, gate_b))
    both = _ln(g * img_emb + (1.0 - g) * txt_emb + attn_mean, ln2_g, ln2_b)
    both = both + ffn(both)
    hard = jnp.where((route == 0)[:, None], proj_v, jnp.where((route == 1)[:, None], proj_t, both))
    fused = jnp.where(use_hard[:, None], hard, soft)
    low = (max_conf < 0.3) & (~use_hard)
    fused = jnp.where(low[:, None], (img_emb + txt_emb) / 2.0, fused)
    return fused

if __name__ == "__main__":
    import jax
    _d = setup_inputs()
    print(jax.jit(kernel)(*tuple(_d.values())))

</pallas_src>

<mosaic_0001>
module attributes {stable_mosaic.version = 14 : i64} {
  func.func @_decide_body(%arg0: i32, %arg1: memref<512x2048xbf16, #tpu.memory_space<vmem>>, %arg2: memref<512x2048xbf16, #tpu.memory_space<vmem>>, %arg3: memref<2048x128xbf16, #tpu.memory_space<vmem>>, %arg4: memref<2048x128xbf16, #tpu.memory_space<vmem>>, %arg5: memref<1x128xf32, #tpu.memory_space<vmem>>, %arg6: memref<1x128xf32, #tpu.memory_space<vmem>>, %arg7: memref<512x128xf32, #tpu.memory_space<vmem>>) attributes {dimension_semantics = [#tpu.dimension_semantics<parallel>], iteration_bounds = array<i64: 8>, scalar_prefetch = 0 : i64, scratch_operands = 0 : i64, tpu.core_type = #tpu.core_type<tc>, window_params = [{transform_indices = @transform_0, window_bounds = array<i64: 512, 2048>}, {transform_indices = @transform_1, window_bounds = array<i64: 512, 2048>}, {pipeline_mode = #tpu.pipeline_mode<synchronous>, transform_indices = @transform_2, window_bounds = array<i64: 2048, 128>}, {pipeline_mode = #tpu.pipeline_mode<synchronous>, transform_indices = @transform_3, window_bounds = array<i64: 2048, 128>}, {pipeline_mode = #tpu.pipeline_mode<synchronous>, transform_indices = @transform_4, window_bounds = array<i64: 1, 128>}, {pipeline_mode = #tpu.pipeline_mode<synchronous>, transform_indices = @transform_5, window_bounds = array<i64: 1, 128>}, {transform_indices = @transform_6, window_bounds = array<i64: 512, 128>}]} {
    %get3A = arith.constant 0 : index
    %get3A_0 = arith.constant 0 : index
    %get3A_1 = vector.load %arg1[%get3A, %get3A_0] : memref<512x2048xbf16, #tpu.memory_space<vmem>>, vector<512x2048xbf16>
    %get3A_2 = arith.constant 0 : index
    %get3A_3 = arith.constant 0 : index
    %get3A_4 = vector.load %arg3[%get3A_2, %get3A_3] : memref<2048x128xbf16, #tpu.memory_space<vmem>>, vector<2048x128xbf16>
    %dot_general3A = arith.constant dense<0.000000e+00> : vector<512x128xf32>
    %dot_general3A_5 = tpu.matmul %get3A_1, %get3A_4, %dot_general3A {dimension_numbers = #tpu.dot_dimension_numbers<[1], [0], [0], [1], [0, 0, 1, 1], [], []>, transpose_lhs_hint = false} : vector<512x2048xbf16>, vector<2048x128xbf16>, vector<512x128xf32> -> vector<512x128xf32>
    %get3A_6 = arith.constant 0 : index
    %get3A_7 = arith.constant 0 : index
    %get3A_8 = vector.load %arg5[%get3A_6, %get3A_7] : memref<1x128xf32, #tpu.memory_space<vmem>>, vector<1x128xf32>
    %add3A = vector.broadcast %get3A_8 : vector<1x128xf32> to vector<512x128xf32>
    %add3A_9 = arith.addf %dot_general3A_5, %add3A : vector<512x128xf32>
    %get3A_10 = arith.constant 0 : index
    %get3A_11 = arith.constant 0 : index
    %get3A_12 = vector.load %arg2[%get3A_10, %get3A_11] : memref<512x2048xbf16, #tpu.memory_space<vmem>>, vector<512x2048xbf16>
    %get3A_13 = arith.constant 0 : index
    %get3A_14 = arith.constant 0 : index
    %get3A_15 = vector.load %arg4[%get3A_13, %get3A_14] : memref<2048x128xbf16, #tpu.memory_space<vmem>>, vector<2048x128xbf16>
    %dot_general3A_16 = arith.constant dense<0.000000e+00> : vector<512x128xf32>
    %dot_general3A_17 = tpu.matmul %get3A_12, %get3A_15, %dot_general3A_16 {dimension_numbers = #tpu.dot_dimension_numbers<[1], [0], [0], [1], [0, 0, 1, 1], [], []>, transpose_lhs_hint = false} : vector<512x2048xbf16>, vector<2048x128xbf16>, vector<512x128xf32> -> vector<512x128xf32>
    %get3A_18 = arith.constant 0 : index
    %get3A_19 = arith.constant 0 : index
    %get3A_20 = vector.load %arg6[%get3A_18, %get3A_19] : memref<1x128xf32, #tpu.memory_space<vmem>>, vector<1x128xf32>
    %add3A_21 = vector.broadcast %get3A_20 : vector<1x128xf32> to vector<512x128xf32>
    %add3A_22 = arith.addf %dot_general3A_17, %add3A_21 : vector<512x128xf32>
    %slice3A = vector.extract_strided_slice %add3A_9 {offsets = [0, 0], sizes = [512, 1], strides = [1, 1]} : vector<512x128xf32> to vector<512x1xf32>
    %slice3A_23 = vector.extract_strided_slice %add3A_9 {offsets = [0, 1], sizes = [512, 1], strides = [1, 1]} : vector<512x128xf32> to vector<512x1xf32>
    %max3A = arith.maximumf %slice3A, %slice3A_23 : vector<512x1xf32>
    %sub3A = arith.subf %slice3A, %max3A : vector<512x1xf32>
    %exp3A = math.exp %sub3A : vector<512x1xf32>
    %sub3A_24 = arith.subf %slice3A_23, %max3A : vector<512x1xf32>
    %exp3A_25 = math.exp %sub3A_24 : vector<512x1xf32>
    %add3A_26 = arith.addf %exp3A, %exp3A_25 : vector<512x1xf32>
    %div3A = arith.divf %exp3A, %add3A_26 : vector<512x1xf32>
    %div3A_27 = arith.divf %exp3A_25, %add3A_26 : vector<512x1xf32>
    %max3A_28 = arith.maximumf %div3A, %div3A_27 : vector<512x1xf32>
    %gt3A = arith.constant 6.000000e-01 : f32
    %gt3A_29 = vector.broadcast %gt3A : f32 to vector<512x1xf32>
    %gt3A_30 = arith.cmpf ogt, %max3A_28, %gt3A_29 : vector<512x1xf32>
    %slice3A_31 = vector.extract_strided_slice %add3A_22 {offsets = [0, 0], sizes = [512, 1], strides = [1, 1]} : vector<512x128xf32> to vector<512x1xf32>
    %slice3A_32 = vector.extract_strided_slice %add3A_22 {offsets = [0, 1], sizes = [512, 1], strides = [1, 1]} : vector<512x128xf32> to vector<512x1xf32>
    %slice3A_33 = vector.extract_strided_slice %add3A_22 {offsets = [0, 2], sizes = [512, 1], strides = [1, 1]} : vector<512x128xf32> to vector<512x1xf32>
    %ge3A = arith.cmpf oge, %slice3A_31, %slice3A_32 : vector<512x1xf32>
    %ge3A_34 = arith.cmpf oge, %slice3A_31, %slice3A_33 : vector<512x1xf32>
    %and3A = arith.andi %ge3A, %ge3A_34 : vector<512x1xi1>
    %ge3A_35 = arith.cmpf oge, %slice3A_32, %slice3A_33 : vector<512x1xf32>
    %jit3A = arith.constant 3.000000e+00 : f32
    %jit3A_36 = arith.constant 1.000000e+00 : f32
    %broadcast_in_dim3A = vector.broadcast %jit3A : f32 to vector<512x1xf32>
    %broadcast_in_dim3A_37 = vector.broadcast %jit3A_36 : f32 to vector<512x1xf32>
    %select_n3A = arith.select %ge3A_35, %broadcast_in_dim3A, %broadcast_in_dim3A_37 : vector<512x1xi1>, vector<512x1xf32>
    %jit3A_38 = arith.constant 2.000000e+00 : f32
    %broadcast_in_dim3A_39 = vector.broadcast %jit3A_38 : f32 to vector<512x1xf32>
    %select_n3A_40 = arith.select %and3A, %broadcast_in_dim3A_39, %select_n3A : vector<512x1xi1>, vector<512x1xf32>
    %jit3A_41 = arith.constant 0.000000e+00 : f32
    %broadcast_in_dim3A_42 = vector.broadcast %jit3A_41 : f32 to vector<512x1xf32>
    %select_n3A_43 = arith.select %gt3A_30, %select_n3A_40, %broadcast_in_dim3A_42 : vector<512x1xi1>, vector<512x1xf32>
    %iota3A = tpu.iota {dimensions = array<i32: 1>} : vector<512x128xi32>
    %eq3A = arith.constant 0 : i32
    %eq3A_44 = vector.broadcast %eq3A : i32 to vector<512x128xi32>
    %eq3A_45 = arith.cmpi eq, %iota3A, %eq3A_44 : vector<512x128xi32>
    %eq3A_46 = arith.constant 1 : i32
    %eq3A_47 = vector.broadcast %eq3A_46 : i32 to vector<512x128xi32>
    %eq3A_48 = arith.cmpi eq, %iota3A, %eq3A_47 : vector<512x128xi32>
    %eq3A_49 = arith.constant 2 : i32
    %eq3A_50 = vector.broadcast %eq3A_49 : i32 to vector<512x128xi32>
    %eq3A_51 = arith.cmpi eq, %iota3A, %eq3A_50 : vector<512x128xi32>
    %jit3A_52 = arith.constant 0.000000e+00 : f32
    %broadcast_in_dim3A_53 = vector.shape_cast %select_n3A_43 : vector<512x1xf32> to vector<512x1xf32>
    %broadcast_in_dim3A_54 = vector.broadcast %broadcast_in_dim3A_53 : vector<512x1xf32> to vector<512x128xf32>
    %broadcast_in_dim3A_55 = vector.broadcast %jit3A_52 : f32 to vector<512x128xf32>
    %select_n3A_56 = arith.select %eq3A_51, %broadcast_in_dim3A_54, %broadcast_in_dim3A_55 : vector<512x128xi1>, vector<512x128xf32>
    %broadcast_in_dim3A_57 = vector.shape_cast %div3A_27 : vector<512x1xf32> to vector<512x1xf32>
    %broadcast_in_dim3A_58 = vector.broadcast %broadcast_in_dim3A_57 : vector<512x1xf32> to vector<512x128xf32>
    %select_n3A_59 = arith.select %eq3A_48, %broadcast_in_dim3A_58, %select_n3A_56 : vector<512x128xi1>, vector<512x128xf32>
    %broadcast_in_dim3A_60 = vector.shape_cast %div3A : vector<512x1xf32> to vector<512x1xf32>
    %broadcast_in_dim3A_61 = vector.broadcast %broadcast_in_dim3A_60 : vector<512x1xf32> to vector<512x128xf32>
    %select_n3A_62 = arith.select %eq3A_45, %broadcast_in_dim3A_61, %select_n3A_59 : vector<512x128xi1>, vector<512x128xf32>
    %swap3A = arith.constant 0 : index
    %swap3A_63 = arith.constant 0 : index
    %swap3A_64 = vector.load %arg7[%swap3A, %swap3A_63] : memref<512x128xf32, #tpu.memory_space<vmem>>, vector<512x128xf32>
    tpu.vector_store %arg7[%swap3A, %swap3A_63], %select_n3A_62 {strides = array<i32>} : memref<512x128xf32, #tpu.memory_space<vmem>>, vector<512x128xf32>,
    return
  }
  func.func @transform_0(%arg0: i32) -> (i32, i32) {
    %c0_i32 = arith.constant 0 : i32
    %c0_i32_0 = arith.constant 0 : i32
    return %arg0, %c0_i32 : i32, i32
  }
  func.func @transform_1(%arg0: i32) -> (i32, i32) {
    %c0_i32 = arith.constant 0 : i32
    %c0_i32_0 = arith.constant 0 : i32
    return %arg0, %c0_i32 : i32, i32
  }
  func.func @transform_2(%arg0: i32) -> (i32, i32) {
    %c0_i32 = arith.constant 0 : i32
    %c0_i32_0 = arith.constant 0 : i32
    %c0_i32_1 = arith.constant 0 : i32
    return %c0_i32, %c0_i32_0 : i32, i32
  }
  func.func @transform_3(%arg0: i32) -> (i32, i32) {
    %c0_i32 = arith.constant 0 : i32
    %c0_i32_0 = arith.constant 0 : i32
    %c0_i32_1 = arith.constant 0 : i32
    return %c0_i32, %c0_i32_0 : i32, i32
  }
  func.func @transform_4(%arg0: i32) -> (i32, i32) {
    %c0_i32 = arith.constant 0 : i32
    %c0_i32_0 = arith.constant 0 : i32
    %c0_i32_1 = arith.constant 0 : i32
    return %c0_i32, %c0_i32_0 : i32, i32
  }
  func.func @transform_5(%arg0: i32) -> (i32, i32) {
    %c0_i32 = arith.constant 0 : i32
    %c0_i32_0 = arith.constant 0 : i32
    %c0_i32_1 = arith.constant 0 : i32
    return %c0_i32, %c0_i32_0 : i32, i32
  }
  func.func @transform_6(%arg0: i32) -> (i32, i32) {
    %c0_i32 = arith.constant 0 : i32
    %c0_i32_0 = arith.constant 0 : i32
    return %arg0, %c0_i32 : i32, i32
  }
}

module attributes {stable_mosaic.version = 14 : i64} {
  func.func @_mm_body(%arg0: i32, %arg1: i32, %arg2: i32, %arg3: memref<2xi32, #tpu.memory_space<smem>>, %arg4: memref<512x2048xbf16, #tpu.memory_space<vmem>>, %arg5: memref<1024x2048xf32, #tpu.memory_space<vmem>>, %arg6: memref<1x1024xf32, #tpu.memory_space<vmem>>, %arg7: memref<512x1024xbf16, #tpu.memory_space<vmem>>, %arg8: memref<512x1024xf32, #tpu.memory_space<vmem>>) attributes {dimension_semantics = [#tpu.dimension_semantics<parallel>, #tpu.dimension_semantics<parallel>, #tpu.dimension_semantics<arbitrary>], iteration_bounds = array<i64: 8, 2, 2>, scalar_prefetch = 1 : i64, scratch_operands = 1 : i64, tpu.core_type = #tpu.core_type<tc>, window_params = [{transform_indices = @transform_0, window_bounds = array<i64: 512, 2048>}, {transform_indices = @transform_1, window_bounds = array<i64: 1024, 2048>}, {transform_indices = @transform_2, window_bounds = array<i64: 1, 1024>}, {transform_indices = @transform_3, window_bounds = array<i64: 512, 1024>}]} {
    %mul3A = arith.constant 512 : i32
    %mul3A_0 = arith.muli %arg0, %mul3A : i32
    %add3A = arith.constant 512 : i32
    %add3A_1 = arith.addi %mul3A_0, %add3A : i32
    %get3A = arith.constant 0 : index
    %get3A_2 = memref.load %arg3[%get3A] : memref<2xi32, #tpu.memory_space<smem>>
    %gt3A = arith.cmpi sgt, %add3A_1, %get3A_2 : i32
    %mul3A_3 = arith.constant 512 : i32
    %mul3A_4 = arith.muli %arg0, %mul3A_3 : i32
    %get3A_5 = arith.constant 1 : index
    %get3A_6 = memref.load %arg3[%get3A_5] : memref<2xi32, #tpu.memory_space<smem>>
    %lt3A = arith.cmpi slt, %mul3A_4, %get3A_6 : i32
    %and3A = arith.andi %gt3A, %lt3A : i1
    %convert_element_type3A = arith.extui %and3A : i1 to i32
    %cond3A = arith.constant 0 : i32
    %cond3A_7 = arith.cmpi ne, %convert_element_type3A, %cond3A : i32
    scf.if %cond3A_7 {
      %eq3A = arith.constant 0 : i32
      %eq3A_8 = arith.cmpi eq, %arg2, %eq3A : i32
      %convert_element_type3A_9 = arith.extui %eq3A_8 : i1 to i32
      %cond3A_10 = arith.constant 0 : i32
      %cond3A_11 = arith.cmpi ne, %convert_element_type3A_9, %cond3A_10 : i32
      scf.if %cond3A_11 {
        %broadcast_in_dim3A = arith.constant 0.000000e+00 : f32
        %broadcast_in_dim3A_31 = vector.broadcast %broadcast_in_dim3A : f32 to vector<512x1024xf32>
        %swap3A_32 = arith.constant 0 : index
        %swap3A_33 = arith.constant 0 : index
        %swap3A_34 = vector.load %arg8[%swap3A_32, %swap3A_33] : memref<512x1024xf32, #tpu.memory_space<vmem>>, vector<512x1024xf32>
        tpu.vector_store %arg8[%swap3A_32, %swap3A_33], %broadcast_in_dim3A_31 {strides = array<i32>} : memref<512x1024xf32, #tpu.memory_space<vmem>>, vector<512x1024xf32>,
      } else {
      }
      %get3A_12 = arith.constant 0 : index
      %get3A_13 = arith.constant 0 : index
      %get3A_14 = vector.load %arg4[%get3A_12, %get3A_13] : memref<512x2048xbf16, #tpu.memory_space<vmem>>, vector<512x2048xbf16>
      %get3A_15 = arith.constant 0 : index
      %get3A_16 = arith.constant 0 : index
      %get3A_17 = vector.load %arg5[%get3A_15, %get3A_16] : memref<1024x2048xf32, #tpu.memory_space<vmem>>, vector<1024x2048xf32>
      %convert_element_type3A_18 = arith.truncf %get3A_17 : vector<1024x2048xf32> to vector<1024x2048xbf16>
      %get3A_19 = arith.constant 0 : index
      %get3A_20 = arith.constant 0 : index
      %get3A_21 = vector.load %arg8[%get3A_19, %get3A_20] : memref<512x1024xf32, #tpu.memory_space<vmem>>, vector<512x1024xf32>
      %dot_general3A = arith.constant dense<0.000000e+00> : vector<512x1024xf32>
      %dot_general3A_22 = tpu.matmul %get3A_14, %convert_element_type3A_18, %dot_general3A {dimension_numbers = #tpu.dot_dimension_numbers<[1], [1], [0], [0], [0, 0, 1, 0], [], []>, transpose_lhs_hint = false} : vector<512x2048xbf16>, vector<1024x2048xbf16>, vector<512x1024xf32> -> vector<512x1024xf32>
      %add3A_23 = arith.addf %get3A_21, %dot_general3A_22 : vector<512x1024xf32>
      %swap3A = arith.constant 0 : index
      %swap3A_24 = arith.constant 0 : index
      %swap3A_25 = vector.load %arg8[%swap3A, %swap3A_24] : memref<512x1024xf32, #tpu.memory_space<vmem>>, vector<512x1024xf32>
      tpu.vector_store %arg8[%swap3A, %swap3A_24], %add3A_23 {strides = array<i32>} : memref<512x1024xf32, #tpu.memory_space<vmem>>, vector<512x1024xf32>,
      %eq3A_26 = arith.constant 1 : i32
      %eq3A_27 = arith.cmpi eq, %arg2, %eq3A_26 : i32
      %convert_element_type3A_28 = arith.extui %eq3A_27 : i1 to i32
      %cond3A_29 = arith.constant 0 : i32
      %cond3A_30 = arith.cmpi ne, %convert_element_type3A_28, %cond3A_29 : i32
      scf.if %cond3A_30 {
        %get3A_31 = arith.constant 0 : index
        %get3A_32 = arith.constant 0 : index
        %get3A_33 = vector.load %arg8[%get3A_31, %get3A_32] : memref<512x1024xf32, #tpu.memory_space<vmem>>, vector<512x1024xf32>
        %get3A_34 = arith.constant 0 : index
        %get3A_35 = arith.constant 0 : index
        %get3A_36 = vector.load %arg6[%get3A_34, %get3A_35] : memref<1x1024xf32, #tpu.memory_space<vmem>>, vector<1x1024xf32>
        %add3A_37 = vector.broadcast %get3A_36 : vector<1x1024xf32> to vector<512x1024xf32>
        %add3A_38 = arith.addf %get3A_33, %add3A_37 : vector<512x1024xf32>
        %mul3A_39 = arith.constant 5.000000e-01 : f32
        %mul3A_40 = vector.broadcast %mul3A_39 : f32 to vector<512x1024xf32>
        %mul3A_41 = arith.mulf %mul3A_40, %add3A_38 : vector<512x1024xf32>
        %sqrt3A = arith.constant 2.000000e+00 : f32
        %sqrt3A_42 = math.sqrt %sqrt3A : f32
        %div3A = arith.constant 1.000000e+00 : f32
        %div3A_43 = arith.divf %div3A, %sqrt3A_42 : f32
        %mul3A_44 = vector.broadcast %div3A_43 : f32 to vector<512x1024xf32>
        %mul3A_45 = arith.mulf %add3A_38, %mul3A_44 : vector<512x1024xf32>
        %erf3A = math.erf %mul3A_45 : vector<512x1024xf32>
        %add3A_46 = arith.constant 1.000000e+00 : f32
        %add3A_47 = vector.broadcast %add3A_46 : f32 to vector<512x1024xf32>
        %add3A_48 = arith.addf %add3A_47, %erf3A : vector<512x1024xf32>
        %mul3A_49 = arith.mulf %mul3A_41, %add3A_48 : vector<512x1024xf32>
        %convert_element_type3A_50 = arith.truncf %mul3A_49 : vector<512x1024xf32> to vector<512x1024xbf16>
        %swap3A_51 = arith.constant 0 : index
        %swap3A_52 = arith.constant 0 : index
        %swap3A_53 = vector.load %arg7[%swap3A_51, %swap3A_52] : memref<512x1024xbf16, #tpu.memory_space<vmem>>, vector<512x1024xbf16>
        tpu.vector_store %arg7[%swap3A_51, %swap3A_52], %convert_element_type3A_50 {strides = array<i32>} : memref<512x1024xbf16, #tpu.memory_space<vmem>>, vector<512x1024xbf16>,
      } else {
      }
    } else {
    }
    return
  }
  func.func @transform_0(%arg0: i32, %arg1: i32, %arg2: i32, %arg3: memref<2xi32, #tpu.memory_space<smem>>) -> (i32, i32) {
    %get3A = arith.constant 0 : index
    %get3A_0 = memref.load %arg3[%get3A] : memref<2xi32, #tpu.memory_space<smem>>
    %jit3A = arith.constant 512 : i32
    %div3A = arith.divsi %get3A_0, %jit3A : i32
    %sign3A = arith.constant 0 : i32
    %sign3A_1 = arith.cmpi sgt, %get3A_0, %sign3A : i32
    %sign3A_2 = arith.extui %sign3A_1 : i1 to i32
    %sign3A_3 = arith.constant 0 : i32
    %sign3A_4 = arith.cmpi slt, %get3A_0, %sign3A_3 : i32
    %sign3A_5 = arith.extui %sign3A_4 : i1 to i32
    %sign3A_6 = arith.subi %sign3A_2, %sign3A_5 : i32
    %sign3A_7 = arith.constant 0 : i32
    %sign3A_8 = arith.cmpi sgt, %jit3A, %sign3A_7 : i32
    %sign3A_9 = arith.extui %sign3A_8 : i1 to i32
    %sign3A_10 = arith.constant 0 : i32
    %sign3A_11 = arith.cmpi slt, %jit3A, %sign3A_10 : i32
    %sign3A_12 = arith.extui %sign3A_11 : i1 to i32
    %sign3A_13 = arith.subi %sign3A_9, %sign3A_12 : i32
    %ne3A = arith.cmpi ne, %sign3A_6, %sign3A_13 : i32
    %rem3A = arith.remsi %get3A_0, %jit3A : i32
    %ne3A_14 = arith.constant 0 : i32
    %ne3A_15 = arith.cmpi ne, %rem3A, %ne3A_14 : i32
    %and3A = arith.andi %ne3A, %ne3A_15 : i1
    %sub3A = arith.constant 1 : i32
    %sub3A_16 = arith.subi %div3A, %sub3A : i32
    %select_n3A = arith.select %and3A, %sub3A_16, %div3A : i32
    %get3A_17 = arith.constant 1 : index
    %get3A_18 = memref.load %arg3[%get3A_17] : memref<2xi32, #tpu.memory_space<smem>>
    %add3A = arith.constant 512 : i32
    %add3A_19 = arith.addi %get3A_18, %add3A : i32
    %sub3A_20 = arith.constant 1 : i32
    %sub3A_21 = arith.subi %add3A_19, %sub3A_20 : i32
    %jit3A_22 = arith.constant 512 : i32
    %div3A_23 = arith.divsi %sub3A_21, %jit3A_22 : i32
    %sign3A_24 = arith.constant 0 : i32
    %sign3A_25 = arith.cmpi sgt, %sub3A_21, %sign3A_24 : i32
    %sign3A_26 = arith.extui %sign3A_25 : i1 to i32
    %sign3A_27 = arith.constant 0 : i32
    %sign3A_28 = arith.cmpi slt, %sub3A_21, %sign3A_27 : i32
    %sign3A_29 = arith.extui %sign3A_28 : i1 to i32
    %sign3A_30 = arith.subi %sign3A_26, %sign3A_29 : i32
    %sign3A_31 = arith.constant 0 : i32
    %sign3A_32 = arith.cmpi sgt, %jit3A_22, %sign3A_31 : i32
    %sign3A_33 = arith.extui %sign3A_32 : i1 to i32
    %sign3A_34 = arith.constant 0 : i32
    %sign3A_35 = arith.cmpi slt, %jit3A_22, %sign3A_34 : i32
    %sign3A_36 = arith.extui %sign3A_35 : i1 to i32
    %sign3A_37 = arith.subi %sign3A_33, %sign3A_36 : i32
    %ne3A_38 = arith.cmpi ne, %sign3A_30, %sign3A_37 : i32
    %rem3A_39 = arith.remsi %sub3A_21, %jit3A_22 : i32
    %ne3A_40 = arith.constant 0 : i32
    %ne3A_41 = arith.cmpi ne, %rem3A_39, %ne3A_40 : i32
    %and3A_42 = arith.andi %ne3A_38, %ne3A_41 : i1
    %sub3A_43 = arith.constant 1 : i32
    %sub3A_44 = arith.subi %div3A_23, %sub3A_43 : i32
    %select_n3A_45 = arith.select %and3A_42, %sub3A_44, %div3A_23 : i32
    %sub3A_46 = arith.constant 1 : i32
    %sub3A_47 = arith.subi %select_n3A_45, %sub3A_46 : i32
    %max3A = arith.maxsi %select_n3A, %sub3A_47 : i32
    %max3A_48 = arith.maxsi %select_n3A, %arg0 : i32
    %min3A = arith.minsi %max3A, %max3A_48 : i32
    %add3A_49 = arith.constant 0 : i32
    %add3A_50 = arith.addi %arg2, %add3A_49 : i32
    %c0_i32 = arith.constant 0 : i32
    return %min3A, %add3A_50 : i32, i32
  }
  func.func @transform_1(%arg0: i32, %arg1: i32, %arg2: i32, %arg3: memref<2xi32, #tpu.memory_space<smem>>) -> (i32, i32) {
    %c0_i32 = arith.constant 0 : i32
    return %arg1, %arg2 : i32, i32
  }
  func.func @transform_2(%arg0: i32, %arg1: i32, %arg2: i32, %arg3: memref<2xi32, #tpu.memory_space<smem>>) -> (i32, i32) {
    %c0_i32 = arith.constant 0 : i32
    %c0_i32_0 = arith.constant 0 : i32
    return %c0_i32, %arg1 : i32, i32
  }
  func.func @transform_3(%arg0: i32, %arg1: i32, %arg2: i32, %arg3: memref<2xi32, #tpu.memory_space<smem>>) -> (i32, i32) {
    %get3A = arith.constant 0 : index
    %get3A_0 = memref.load %arg3[%get3A] : memref<2xi32, #tpu.memory_space<smem>>
    %jit3A = arith.constant 512 : i32
    %div3A = arith.divsi %get3A_0, %jit3A : i32
    %sign3A = arith.constant 0 : i32
    %sign3A_1 = arith.cmpi sgt, %get3A_0, %sign3A : i32
    %sign3A_2 = arith.extui %sign3A_1 : i1 to i32
    %sign3A_3 = arith.constant 0 : i32
    %sign3A_4 = arith.cmpi slt, %get3A_0, %sign3A_3 : i32
    %sign3A_5 = arith.extui %sign3A_4 : i1 to i32
    %sign3A_6 = arith.subi %sign3A_2, %sign3A_5 : i32
    %sign3A_7 = arith.constant 0 : i32
    %sign3A_8 = arith.cmpi sgt, %jit3A, %sign3A_7 : i32
    %sign3A_9 = arith.extui %sign3A_8 : i1 to i32
    %sign3A_10 = arith.constant 0 : i32
    %sign3A_11 = arith.cmpi slt, %jit3A, %sign3A_10 : i32
    %sign3A_12 = arith.extui %sign3A_11 : i1 to i32
    %sign3A_13 = arith.subi %sign3A_9, %sign3A_12 : i32
    %ne3A = arith.cmpi ne, %sign3A_6, %sign3A_13 : i32
    %rem3A = arith.remsi %get3A_0, %jit3A : i32
    %ne3A_14 = arith.constant 0 : i32
    %ne3A_15 = arith.cmpi ne, %rem3A, %ne3A_14 : i32
    %and3A = arith.andi %ne3A, %ne3A_15 : i1
    %sub3A = arith.constant 1 : i32
    %sub3A_16 = arith.subi %div3A, %sub3A : i32
    %select_n3A = arith.select %and3A, %sub3A_16, %div3A : i32
    %get3A_17 = arith.constant 1 : index
    %get3A_18 = memref.load %arg3[%get3A_17] : memref<2xi32, #tpu.memory_space<smem>>
    %add3A = arith.constant 512 : i32
    %add3A_19 = arith.addi %get3A_18, %add3A : i32
    %sub3A_20 = arith.constant 1 : i32
    %sub3A_21 = arith.subi %add3A_19, %sub3A_20 : i32
    %jit3A_22 = arith.constant 512 : i32
    %div3A_23 = arith.divsi %sub3A_21, %jit3A_22 : i32
    %sign3A_24 = arith.constant 0 : i32
    %sign3A_25 = arith.cmpi sgt, %sub3A_21, %sign3A_24 : i32
    %sign3A_26 = arith.extui %sign3A_25 : i1 to i32
    %sign3A_27 = arith.constant 0 : i32
    %sign3A_28 = arith.cmpi slt, %sub3A_21, %sign3A_27 : i32
    %sign3A_29 = arith.extui %sign3A_28 : i1 to i32
    %sign3A_30 = arith.subi %sign3A_26, %sign3A_29 : i32
    %sign3A_31 = arith.constant 0 : i32
    %sign3A_32 = arith.cmpi sgt, %jit3A_22, %sign3A_31 : i32
    %sign3A_33 = arith.extui %sign3A_32 : i1 to i32
    %sign3A_34 = arith.constant 0 : i32
    %sign3A_35 = arith.cmpi slt, %jit3A_22, %sign3A_34 : i32
    %sign3A_36 = arith.extui %sign3A_35 : i1 to i32
    %sign3A_37 = arith.subi %sign3A_33, %sign3A_36 : i32
    %ne3A_38 = arith.cmpi ne, %sign3A_30, %sign3A_37 : i32
    %rem3A_39 = arith.remsi %sub3A_21, %jit3A_22 : i32
    %ne3A_40 = arith.constant 0 : i32
    %ne3A_41 = arith.cmpi ne, %rem3A_39, %ne3A_40 : i32
    %and3A_42 = arith.andi %ne3A_38, %ne3A_41 : i1
    %sub3A_43 = arith.constant 1 : i32
    %sub3A_44 = arith.subi %div3A_23, %sub3A_43 : i32
    %select_n3A_45 = arith.select %and3A_42, %sub3A_44, %div3A_23 : i32
    %sub3A_46 = arith.constant 1 : i32
    %sub3A_47 = arith.subi %select_n3A_45, %sub3A_46 : i32
    %max3A = arith.maxsi %select_n3A, %sub3A_47 : i32
    %lt3A = arith.cmpi slt, %arg0, %select_n3A : i32
    %gt3A = arith.cmpi sgt, %arg0, %max3A : i32
    %jit3A_48 = arith.constant 7 : i32
    %select_n3A_49 = arith.select %gt3A, %jit3A_48, %arg0 : i32
    %jit3A_50 = arith.constant 0 : i32
    %select_n3A_51 = arith.select %lt3A, %jit3A_50, %select_n3A_49 : i32
    %c0_i32 = arith.constant 0 : i32
    return %select_n3A_51, %arg1 : i32, i32
  }
}

module attributes {stable_mosaic.version = 14 : i64} {
  func.func @_mm_body(%arg0: i32, %arg1: i32, %arg2: i32, %arg3: memref<2xi32, #tpu.memory_space<smem>>, %arg4: memref<512x2048xf32, #tpu.memory_space<vmem>>, %arg5: memref<1024x2048xf32, #tpu.memory_space<vmem>>, %arg6: memref<1x1024xf32, #tpu.memory_space<vmem>>, %arg7: memref<512x1024xbf16, #tpu.memory_space<vmem>>, %arg8: memref<512x1024xf32, #tpu.memory_space<vmem>>) attributes {dimension_semantics = [#tpu.dimension_semantics<parallel>, #tpu.dimension_semantics<parallel>, #tpu.dimension_semantics<arbitrary>], iteration_bounds = array<i64: 8, 6, 1>, scalar_prefetch = 1 : i64, scratch_operands = 1 : i64, tpu.core_type = #tpu.core_type<tc>, window_params = [{transform_indices = @transform_0, window_bounds = array<i64: 512, 2048>}, {transform_indices = @transform_1, window_bounds = array<i64: 1024, 2048>}, {transform_indices = @transform_2, window_bounds = array<i64: 1, 1024>}, {transform_indices = @transform_3, window_bounds = array<i64: 512, 1024>}]} {
    %mul3A = arith.constant 512 : i32
    %mul3A_0 = arith.muli %arg0, %mul3A : i32
    %add3A = arith.constant 512 : i32
    %add3A_1 = arith.addi %mul3A_0, %add3A : i32
    %get3A = arith.constant 0 : index
    %get3A_2 = memref.load %arg3[%get3A] : memref<2xi32, #tpu.memory_space<smem>>
    %gt3A = arith.cmpi sgt, %add3A_1, %get3A_2 : i32
    %mul3A_3 = arith.constant 512 : i32
    %mul3A_4 = arith.muli %arg0, %mul3A_3 : i32
    %get3A_5 = arith.constant 1 : index
    %get3A_6 = memref.load %arg3[%get3A_5] : memref<2xi32, #tpu.memory_space<smem>>
    %lt3A = arith.cmpi slt, %mul3A_4, %get3A_6 : i32
    %and3A = arith.andi %gt3A, %lt3A : i1
    %convert_element_type3A = arith.extui %and3A : i1 to i32
    %cond3A = arith.constant 0 : i32
    %cond3A_7 = arith.cmpi ne, %convert_element_type3A, %cond3A : i32
    scf.if %cond3A_7 {
      %eq3A = arith.constant 0 : i32
      %eq3A_8 = arith.cmpi eq, %arg2, %eq3A : i32
      %convert_element_type3A_9 = arith.extui %eq3A_8 : i1 to i32
      %cond3A_10 = arith.constant 0 : i32
      %cond3A_11 = arith.cmpi ne, %convert_element_type3A_9, %cond3A_10 : i32
      scf.if %cond3A_11 {
        %broadcast_in_dim3A = arith.constant 0.000000e+00 : f32
        %broadcast_in_dim3A_32 = vector.broadcast %broadcast_in_dim3A : f32 to vector<512x1024xf32>
        %swap3A_33 = arith.constant 0 : index
        %swap3A_34 = arith.constant 0 : index
        %swap3A_35 = vector.load %arg8[%swap3A_33, %swap3A_34] : memref<512x1024xf32, #tpu.memory_space<vmem>>, vector<512x1024xf32>
        tpu.vector_store %arg8[%swap3A_33, %swap3A_34], %broadcast_in_dim3A_32 {strides = array<i32>} : memref<512x1024xf32, #tpu.memory_space<vmem>>, vector<512x1024xf32>,
      } else {
      }
      %get3A_12 = arith.constant 0 : index
      %get3A_13 = arith.constant 0 : index
      %get3A_14 = vector.load %arg4[%get3A_12, %get3A_13] : memref<512x2048xf32, #tpu.memory_space<vmem>>, vector<512x2048xf32>
      %convert_element_type3A_15 = arith.truncf %get3A_14 : vector<512x2048xf32> to vector<512x2048xbf16>
      %get3A_16 = arith.constant 0 : index
      %get3A_17 = arith.constant 0 : index
      %get3A_18 = vector.load %arg5[%get3A_16, %get3A_17] : memref<1024x2048xf32, #tpu.memory_space<vmem>>, vector<1024x2048xf32>
      %convert_element_type3A_19 = arith.truncf %get3A_18 : vector<1024x2048xf32> to vector<1024x2048xbf16>
      %get3A_20 = arith.constant 0 : index
      %get3A_21 = arith.constant 0 : index
      %get3A_22 = vector.load %arg8[%get3A_20, %get3A_21] : memref<512x1024xf32, #tpu.memory_space<vmem>>, vector<512x1024xf32>
      %dot_general3A = arith.constant dense<0.000000e+00> : vector<512x1024xf32>
      %dot_general3A_23 = tpu.matmul %convert_element_type3A_15, %convert_element_type3A_19, %dot_general3A {dimension_numbers = #tpu.dot_dimension_numbers<[1], [1], [0], [0], [0, 0, 1, 0], [], []>, transpose_lhs_hint = false} : vector<512x2048xbf16>, vector<1024x2048xbf16>, vector<512x1024xf32> -> vector<512x1024xf32>
      %add3A_24 = arith.addf %get3A_22, %dot_general3A_23 : vector<512x1024xf32>
      %swap3A = arith.constant 0 : index
      %swap3A_25 = arith.constant 0 : index
      %swap3A_26 = vector.load %arg8[%swap3A, %swap3A_25] : memref<512x1024xf32, #tpu.memory_space<vmem>>, vector<512x1024xf32>
      tpu.vector_store %arg8[%swap3A, %swap3A_25], %add3A_24 {strides = array<i32>} : memref<512x1024xf32, #tpu.memory_space<vmem>>, vector<512x1024xf32>,
      %eq3A_27 = arith.constant 0 : i32
      %eq3A_28 = arith.cmpi eq, %arg2, %eq3A_27 : i32
      %convert_element_type3A_29 = arith.extui %eq3A_28 : i1 to i32
      %cond3A_30 = arith.constant 0 : i32
      %cond3A_31 = arith.cmpi ne, %convert_element_type3A_29, %cond3A_30 : i32
      scf.if %cond3A_31 {
        %get3A_32 = arith.constant 0 : index
        %get3A_33 = arith.constant 0 : index
        %get3A_34 = vector.load %arg8[%get3A_32, %get3A_33] : memref<512x1024xf32, #tpu.memory_space<vmem>>, vector<512x1024xf32>
        %get3A_35 = arith.constant 0 : index
        %get3A_36 = arith.constant 0 : index
        %get3A_37 = vector.load %arg6[%get3A_35, %get3A_36] : memref<1x1024xf32, #tpu.memory_space<vmem>>, vector<1x1024xf32>
        %add3A_38 = vector.broadcast %get3A_37 : vector<1x1024xf32> to vector<512x1024xf32>
        %add3A_39 = arith.addf %get3A_34, %add3A_38 : vector<512x1024xf32>
        %convert_element_type3A_40 = arith.truncf %add3A_39 : vector<512x1024xf32> to vector<512x1024xbf16>
        %swap3A_41 = arith.constant 0 : index
        %swap3A_42 = arith.constant 0 : index
        %swap3A_43 = vector.load %arg7[%swap3A_41, %swap3A_42] : memref<512x1024xbf16, #tpu.memory_space<vmem>>, vector<512x1024xbf16>
        tpu.vector_store %arg7[%swap3A_41, %swap3A_42], %convert_element_type3A_40 {strides = array<i32>} : memref<512x1024xbf16, #tpu.memory_space<vmem>>, vector<512x1024xbf16>,
      } else {
      }
    } else {
    }
    return
  }
  func.func @transform_0(%arg0: i32, %arg1: i32, %arg2: i32, %arg3: memref<2xi32, #tpu.memory_space<smem>>) -> (i32, i32) {
    %get3A = arith.constant 0 : index
    %get3A_0 = memref.load %arg3[%get3A] : memref<2xi32, #tpu.memory_space<smem>>
    %jit3A = arith.constant 512 : i32
    %div3A = arith.divsi %get3A_0, %jit3A : i32
    %sign3A = arith.constant 0 : i32
    %sign3A_1 = arith.cmpi sgt, %get3A_0, %sign3A : i32
    %sign3A_2 = arith.extui %sign3A_1 : i1 to i32
    %sign3A_3 = arith.constant 0 : i32
    %sign3A_4 = arith.cmpi slt, %get3A_0, %sign3A_3 : i32
    %sign3A_5 = arith.extui %sign3A_4 : i1 to i32
    %sign3A_6 = arith.subi %sign3A_2, %sign3A_5 : i32
    %sign3A_7 = arith.constant 0 : i32
    %sign3A_8 = arith.cmpi sgt, %jit3A, %sign3A_7 : i32
    %sign3A_9 = arith.extui %sign3A_8 : i1 to i32
    %sign3A_10 = arith.constant 0 : i32
    %sign3A_11 = arith.cmpi slt, %jit3A, %sign3A_10 : i32
    %sign3A_12 = arith.extui %sign3A_11 : i1 to i32
    %sign3A_13 = arith.subi %sign3A_9, %sign3A_12 : i32
    %ne3A = arith.cmpi ne, %sign3A_6, %sign3A_13 : i32
    %rem3A = arith.remsi %get3A_0, %jit3A : i32
    %ne3A_14 = arith.constant 0 : i32
    %ne3A_15 = arith.cmpi ne, %rem3A, %ne3A_14 : i32
    %and3A = arith.andi %ne3A, %ne3A_15 : i1
    %sub3A = arith.constant 1 : i32
    %sub3A_16 = arith.subi %div3A, %sub3A : i32
    %select_n3A = arith.select %and3A, %sub3A_16, %div3A : i32
    %get3A_17 = arith.constant 1 : index
    %get3A_18 = memref.load %arg3[%get3A_17] : memref<2xi32, #tpu.memory_space<smem>>
    %add3A = arith.constant 512 : i32
    %add3A_19 = arith.addi %get3A_18, %add3A : i32
    %sub3A_20 = arith.constant 1 : i32
    %sub3A_21 = arith.subi %add3A_19, %sub3A_20 : i32
    %jit3A_22 = arith.constant 512 : i32
    %div3A_23 = arith.divsi %sub3A_21, %jit3A_22 : i32
    %sign3A_24 = arith.constant 0 : i32
    %sign3A_25 = arith.cmpi sgt, %sub3A_21, %sign3A_24 : i32
    %sign3A_26 = arith.extui %sign3A_25 : i1 to i32
    %sign3A_27 = arith.constant 0 : i32
    %sign3A_28 = arith.cmpi slt, %sub3A_21, %sign3A_27 : i32
    %sign3A_29 = arith.extui %sign3A_28 : i1 to i32
    %sign3A_30 = arith.subi %sign3A_26, %sign3A_29 : i32
    %sign3A_31 = arith.constant 0 : i32
    %sign3A_32 = arith.cmpi sgt, %jit3A_22, %sign3A_31 : i32
    %sign3A_33 = arith.extui %sign3A_32 : i1 to i32
    %sign3A_34 = arith.constant 0 : i32
    %sign3A_35 = arith.cmpi slt, %jit3A_22, %sign3A_34 : i32
    %sign3A_36 = arith.extui %sign3A_35 : i1 to i32
    %sign3A_37 = arith.subi %sign3A_33, %sign3A_36 : i32
    %ne3A_38 = arith.cmpi ne, %sign3A_30, %sign3A_37 : i32
    %rem3A_39 = arith.remsi %sub3A_21, %jit3A_22 : i32
    %ne3A_40 = arith.constant 0 : i32
    %ne3A_41 = arith.cmpi ne, %rem3A_39, %ne3A_40 : i32
    %and3A_42 = arith.andi %ne3A_38, %ne3A_41 : i1
    %sub3A_43 = arith.constant 1 : i32
    %sub3A_44 = arith.subi %div3A_23, %sub3A_43 : i32
    %select_n3A_45 = arith.select %and3A_42, %sub3A_44, %div3A_23 : i32
    %sub3A_46 = arith.constant 1 : i32
    %sub3A_47 = arith.subi %select_n3A_45, %sub3A_46 : i32
    %max3A = arith.maxsi %select_n3A, %sub3A_47 : i32
    %max3A_48 = arith.maxsi %select_n3A, %arg0 : i32
    %min3A = arith.minsi %max3A, %max3A_48 : i32
    %add3A_49 = arith.constant 1 : i32
    %add3A_50 = arith.addi %arg2, %add3A_49 : i32
    %c0_i32 = arith.constant 0 : i32
    return %min3A, %add3A_50 : i32, i32
  }
  func.func @transform_1(%arg0: i32, %arg1: i32, %arg2: i32, %arg3: memref<2xi32, #tpu.memory_space<smem>>) -> (i32, i32) {
    %c0_i32 = arith.constant 0 : i32
    return %arg1, %arg2 : i32, i32
  }
  func.func @transform_2(%arg0: i32, %arg1: i32, %arg2: i32, %arg3: memref<2xi32, #tpu.memory_space<smem>>) -> (i32, i32) {
    %c0_i32 = arith.constant 0 : i32
    %c0_i32_0 = arith.constant 0 : i32
    return %c0_i32, %arg1 : i32, i32
  }
  func.func @transform_3(%arg0: i32, %arg1: i32, %arg2: i32, %arg3: memref<2xi32, #tpu.memory_space<smem>>) -> (i32, i32) {
    %get3A = arith.constant 0 : index
    %get3A_0 = memref.load %arg3[%get3A] : memref<2xi32, #tpu.memory_space<smem>>
    %jit3A = arith.constant 512 : i32
    %div3A = arith.divsi %get3A_0, %jit3A : i32
    %sign3A = arith.constant 0 : i32
    %sign3A_1 = arith.cmpi sgt, %get3A_0, %sign3A : i32
    %sign3A_2 = arith.extui %sign3A_1 : i1 to i32
    %sign3A_3 = arith.constant 0 : i32
    %sign3A_4 = arith.cmpi slt, %get3A_0, %sign3A_3 : i32
    %sign3A_5 = arith.extui %sign3A_4 : i1 to i32
    %sign3A_6 = arith.subi %sign3A_2, %sign3A_5 : i32
    %sign3A_7 = arith.constant 0 : i32
    %sign3A_8 = arith.cmpi sgt, %jit3A, %sign3A_7 : i32
    %sign3A_9 = arith.extui %sign3A_8 : i1 to i32
    %sign3A_10 = arith.constant 0 : i32
    %sign3A_11 = arith.cmpi slt, %jit3A, %sign3A_10 : i32
    %sign3A_12 = arith.extui %sign3A_11 : i1 to i32
    %sign3A_13 = arith.subi %sign3A_9, %sign3A_12 : i32
    %ne3A = arith.cmpi ne, %sign3A_6, %sign3A_13 : i32
    %rem3A = arith.remsi %get3A_0, %jit3A : i32
    %ne3A_14 = arith.constant 0 : i32
    %ne3A_15 = arith.cmpi ne, %rem3A, %ne3A_14 : i32
    %and3A = arith.andi %ne3A, %ne3A_15 : i1
    %sub3A = arith.constant 1 : i32
    %sub3A_16 = arith.subi %div3A, %sub3A : i32
    %select_n3A = arith.select %and3A, %sub3A_16, %div3A : i32
    %get3A_17 = arith.constant 1 : index
    %get3A_18 = memref.load %arg3[%get3A_17] : memref<2xi32, #tpu.memory_space<smem>>
    %add3A = arith.constant 512 : i32
    %add3A_19 = arith.addi %get3A_18, %add3A : i32
    %sub3A_20 = arith.constant 1 : i32
    %sub3A_21 = arith.subi %add3A_19, %sub3A_20 : i32
    %jit3A_22 = arith.constant 512 : i32
    %div3A_23 = arith.divsi %sub3A_21, %jit3A_22 : i32
    %sign3A_24 = arith.constant 0 : i32
    %sign3A_25 = arith.cmpi sgt, %sub3A_21, %sign3A_24 : i32
    %sign3A_26 = arith.extui %sign3A_25 : i1 to i32
    %sign3A_27 = arith.constant 0 : i32
    %sign3A_28 = arith.cmpi slt, %sub3A_21, %sign3A_27 : i32
    %sign3A_29 = arith.extui %sign3A_28 : i1 to i32
    %sign3A_30 = arith.subi %sign3A_26, %sign3A_29 : i32
    %sign3A_31 = arith.constant 0 : i32
    %sign3A_32 = arith.cmpi sgt, %jit3A_22, %sign3A_31 : i32
    %sign3A_33 = arith.extui %sign3A_32 : i1 to i32
    %sign3A_34 = arith.constant 0 : i32
    %sign3A_35 = arith.cmpi slt, %jit3A_22, %sign3A_34 : i32
    %sign3A_36 = arith.extui %sign3A_35 : i1 to i32
    %sign3A_37 = arith.subi %sign3A_33, %sign3A_36 : i32
    %ne3A_38 = arith.cmpi ne, %sign3A_30, %sign3A_37 : i32
    %rem3A_39 = arith.remsi %sub3A_21, %jit3A_22 : i32
    %ne3A_40 = arith.constant 0 : i32
    %ne3A_41 = arith.cmpi ne, %rem3A_39, %ne3A_40 : i32
    %and3A_42 = arith.andi %ne3A_38, %ne3A_41 : i1
    %sub3A_43 = arith.constant 1 : i32
    %sub3A_44 = arith.subi %div3A_23, %sub3A_43 : i32
    %select_n3A_45 = arith.select %and3A_42, %sub3A_44, %div3A_23 : i32
    %sub3A_46 = arith.constant 1 : i32
    %sub3A_47 = arith.subi %select_n3A_45, %sub3A_46 : i32
    %max3A = arith.maxsi %select_n3A, %sub3A_47 : i32
    %lt3A = arith.cmpi slt, %arg0, %select_n3A : i32
    %gt3A = arith.cmpi sgt, %arg0, %max3A : i32
    %jit3A_48 = arith.constant 7 : i32
    %select_n3A_49 = arith.select %gt3A, %jit3A_48, %arg0 : i32
    %jit3A_50 = arith.constant 0 : i32
    %select_n3A_51 = arith.select %lt3A, %jit3A_50, %select_n3A_49 : i32
    %c0_i32 = arith.constant 0 : i32
    return %select_n3A_51, %arg1 : i32, i32
  }
}

module attributes {stable_mosaic.version = 14 : i64} {
  func.func @_mm_body(%arg0: i32, %arg1: i32, %arg2: i32, %arg3: memref<2xi32, #tpu.memory_space<smem>>, %arg4: memref<512x2048xf32, #tpu.memory_space<vmem>>, %arg5: memref<1024x2048xf32, #tpu.memory_space<vmem>>, %arg6: memref<1x1024xf32, #tpu.memory_space<vmem>>, %arg7: memref<512x1024xbf16, #tpu.memory_space<vmem>>, %arg8: memref<512x1024xf32, #tpu.memory_space<vmem>>) attributes {dimension_semantics = [#tpu.dimension_semantics<parallel>, #tpu.dimension_semantics<parallel>, #tpu.dimension_semantics<arbitrary>], iteration_bounds = array<i64: 8, 6, 1>, scalar_prefetch = 1 : i64, scratch_operands = 1 : i64, tpu.core_type = #tpu.core_type<tc>, window_params = [{transform_indices = @transform_0, window_bounds = array<i64: 512, 2048>}, {transform_indices = @transform_1, window_bounds = array<i64: 1024, 2048>}, {transform_indices = @transform_2, window_bounds = array<i64: 1, 1024>}, {transform_indices = @transform_3, window_bounds = array<i64: 512, 1024>}]} {
    %mul3A = arith.constant 512 : i32
    %mul3A_0 = arith.muli %arg0, %mul3A : i32
    %add3A = arith.constant 512 : i32
    %add3A_1 = arith.addi %mul3A_0, %add3A : i32
    %get3A = arith.constant 0 : index
    %get3A_2 = memref.load %arg3[%get3A] : memref<2xi32, #tpu.memory_space<smem>>
    %gt3A = arith.cmpi sgt, %add3A_1, %get3A_2 : i32
    %mul3A_3 = arith.constant 512 : i32
    %mul3A_4 = arith.muli %arg0, %mul3A_3 : i32
    %get3A_5 = arith.constant 1 : index
    %get3A_6 = memref.load %arg3[%get3A_5] : memref<2xi32, #tpu.memory_space<smem>>
    %lt3A = arith.cmpi slt, %mul3A_4, %get3A_6 : i32
    %and3A = arith.andi %gt3A, %lt3A : i1
    %convert_element_type3A = arith.extui %and3A : i1 to i32
    %cond3A = arith.constant 0 : i32
    %cond3A_7 = arith.cmpi ne, %convert_element_type3A, %cond3A : i32
    scf.if %cond3A_7 {
      %eq3A = arith.constant 0 : i32
      %eq3A_8 = arith.cmpi eq, %arg2, %eq3A : i32
      %convert_element_type3A_9 = arith.extui %eq3A_8 : i1 to i32
      %cond3A_10 = arith.constant 0 : i32
      %cond3A_11 = arith.cmpi ne, %convert_element_type3A_9, %cond3A_10 : i32
      scf.if %cond3A_11 {
        %broadcast_in_dim3A = arith.constant 0.000000e+00 : f32
        %broadcast_in_dim3A_32 = vector.broadcast %broadcast_in_dim3A : f32 to vector<512x1024xf32>
        %swap3A_33 = arith.constant 0 : index
        %swap3A_34 = arith.constant 0 : index
        %swap3A_35 = vector.load %arg8[%swap3A_33, %swap3A_34] : memref<512x1024xf32, #tpu.memory_space<vmem>>, vector<512x1024xf32>
        tpu.vector_store %arg8[%swap3A_33, %swap3A_34], %broadcast_in_dim3A_32 {strides = array<i32>} : memref<512x1024xf32, #tpu.memory_space<vmem>>, vector<512x1024xf32>,
      } else {
      }
      %get3A_12 = arith.constant 0 : index
      %get3A_13 = arith.constant 0 : index
      %get3A_14 = vector.load %arg4[%get3A_12, %get3A_13] : memref<512x2048xf32, #tpu.memory_space<vmem>>, vector<512x2048xf32>
      %convert_element_type3A_15 = arith.truncf %get3A_14 : vector<512x2048xf32> to vector<512x2048xbf16>
      %get3A_16 = arith.constant 0 : index
      %get3A_17 = arith.constant 0 : index
      %get3A_18 = vector.load %arg5[%get3A_16, %get3A_17] : memref<1024x2048xf32, #tpu.memory_space<vmem>>, vector<1024x2048xf32>
      %convert_element_type3A_19 = arith.truncf %get3A_18 : vector<1024x2048xf32> to vector<1024x2048xbf16>
      %get3A_20 = arith.constant 0 : index
      %get3A_21 = arith.constant 0 : index
      %get3A_22 = vector.load %arg8[%get3A_20, %get3A_21] : memref<512x1024xf32, #tpu.memory_space<vmem>>, vector<512x1024xf32>
      %dot_general3A = arith.constant dense<0.000000e+00> : vector<512x1024xf32>
      %dot_general3A_23 = tpu.matmul %convert_element_type3A_15, %convert_element_type3A_19, %dot_general3A {dimension_numbers = #tpu.dot_dimension_numbers<[1], [1], [0], [0], [0, 0, 1, 0], [], []>, transpose_lhs_hint = false} : vector<512x2048xbf16>, vector<1024x2048xbf16>, vector<512x1024xf32> -> vector<512x1024xf32>
      %add3A_24 = arith.addf %get3A_22, %dot_general3A_23 : vector<512x1024xf32>
      %swap3A = arith.constant 0 : index
      %swap3A_25 = arith.constant 0 : index
      %swap3A_26 = vector.load %arg8[%swap3A, %swap3A_25] : memref<512x1024xf32, #tpu.memory_space<vmem>>, vector<512x1024xf32>
      tpu.vector_store %arg8[%swap3A, %swap3A_25], %add3A_24 {strides = array<i32>} : memref<512x1024xf32, #tpu.memory_space<vmem>>, vector<512x1024xf32>,
      %eq3A_27 = arith.constant 0 : i32
      %eq3A_28 = arith.cmpi eq, %arg2, %eq3A_27 : i32
      %convert_element_type3A_29 = arith.extui %eq3A_28 : i1 to i32
      %cond3A_30 = arith.constant 0 : i32
      %cond3A_31 = arith.cmpi ne, %convert_element_type3A_29, %cond3A_30 : i32
      scf.if %cond3A_31 {
        %get3A_32 = arith.constant 0 : index
        %get3A_33 = arith.constant 0 : index
        %get3A_34 = vector.load %arg8[%get3A_32, %get3A_33] : memref<512x1024xf32, #tpu.memory_space<vmem>>, vector<512x1024xf32>
        %get3A_35 = arith.constant 0 : index
        %get3A_36 = arith.constant 0 : index
        %get3A_37 = vector.load %arg6[%get3A_35, %get3A_36] : memref<1x1024xf32, #tpu.memory_space<vmem>>, vector<1x1024xf32>
        %add3A_38 = vector.broadcast %get3A_37 : vector<1x1024xf32> to vector<512x1024xf32>
        %add3A_39 = arith.addf %get3A_34, %add3A_38 : vector<512x1024xf32>
        %convert_element_type3A_40 = arith.truncf %add3A_39 : vector<512x1024xf32> to vector<512x1024xbf16>
        %swap3A_41 = arith.constant 0 : index
        %swap3A_42 = arith.constant 0 : index
        %swap3A_43 = vector.load %arg7[%swap3A_41, %swap3A_42] : memref<512x1024xbf16, #tpu.memory_space<vmem>>, vector<512x1024xbf16>
        tpu.vector_store %arg7[%swap3A_41, %swap3A_42], %convert_element_type3A_40 {strides = array<i32>} : memref<512x1024xbf16, #tpu.memory_space<vmem>>, vector<512x1024xbf16>,
      } else {
      }
    } else {
    }
    return
  }
  func.func @transform_0(%arg0: i32, %arg1: i32, %arg2: i32, %arg3: memref<2xi32, #tpu.memory_space<smem>>) -> (i32, i32) {
    %get3A = arith.constant 0 : index
    %get3A_0 = memref.load %arg3[%get3A] : memref<2xi32, #tpu.memory_space<smem>>
    %jit3A = arith.constant 512 : i32
    %div3A = arith.divsi %get3A_0, %jit3A : i32
    %sign3A = arith.constant 0 : i32
    %sign3A_1 = arith.cmpi sgt, %get3A_0, %sign3A : i32
    %sign3A_2 = arith.extui %sign3A_1 : i1 to i32
    %sign3A_3 = arith.constant 0 : i32
    %sign3A_4 = arith.cmpi slt, %get3A_0, %sign3A_3 : i32
    %sign3A_5 = arith.extui %sign3A_4 : i1 to i32
    %sign3A_6 = arith.subi %sign3A_2, %sign3A_5 : i32
    %sign3A_7 = arith.constant 0 : i32
    %sign3A_8 = arith.cmpi sgt, %jit3A, %sign3A_7 : i32
    %sign3A_9 = arith.extui %sign3A_8 : i1 to i32
    %sign3A_10 = arith.constant 0 : i32
    %sign3A_11 = arith.cmpi slt, %jit3A, %sign3A_10 : i32
    %sign3A_12 = arith.extui %sign3A_11 : i1 to i32
    %sign3A_13 = arith.subi %sign3A_9, %sign3A_12 : i32
    %ne3A = arith.cmpi ne, %sign3A_6, %sign3A_13 : i32
    %rem3A = arith.remsi %get3A_0, %jit3A : i32
    %ne3A_14 = arith.constant 0 : i32
    %ne3A_15 = arith.cmpi ne, %rem3A, %ne3A_14 : i32
    %and3A = arith.andi %ne3A, %ne3A_15 : i1
    %sub3A = arith.constant 1 : i32
    %sub3A_16 = arith.subi %div3A, %sub3A : i32
    %select_n3A = arith.select %and3A, %sub3A_16, %div3A : i32
    %get3A_17 = arith.constant 1 : index
    %get3A_18 = memref.load %arg3[%get3A_17] : memref<2xi32, #tpu.memory_space<smem>>
    %add3A = arith.constant 512 : i32
    %add3A_19 = arith.addi %get3A_18, %add3A : i32
    %sub3A_20 = arith.constant 1 : i32
    %sub3A_21 = arith.subi %add3A_19, %sub3A_20 : i32
    %jit3A_22 = arith.constant 512 : i32
    %div3A_23 = arith.divsi %sub3A_21, %jit3A_22 : i32
    %sign3A_24 = arith.constant 0 : i32
    %sign3A_25 = arith.cmpi sgt, %sub3A_21, %sign3A_24 : i32
    %sign3A_26 = arith.extui %sign3A_25 : i1 to i32
    %sign3A_27 = arith.constant 0 : i32
    %sign3A_28 = arith.cmpi slt, %sub3A_21, %sign3A_27 : i32
    %sign3A_29 = arith.extui %sign3A_28 : i1 to i32
    %sign3A_30 = arith.subi %sign3A_26, %sign3A_29 : i32
    %sign3A_31 = arith.constant 0 : i32
    %sign3A_32 = arith.cmpi sgt, %jit3A_22, %sign3A_31 : i32
    %sign3A_33 = arith.extui %sign3A_32 : i1 to i32
    %sign3A_34 = arith.constant 0 : i32
    %sign3A_35 = arith.cmpi slt, %jit3A_22, %sign3A_34 : i32
    %sign3A_36 = arith.extui %sign3A_35 : i1 to i32
    %sign3A_37 = arith.subi %sign3A_33, %sign3A_36 : i32
    %ne3A_38 = arith.cmpi ne, %sign3A_30, %sign3A_37 : i32
    %rem3A_39 = arith.remsi %sub3A_21, %jit3A_22 : i32
    %ne3A_40 = arith.constant 0 : i32
    %ne3A_41 = arith.cmpi ne, %rem3A_39, %ne3A_40 : i32
    %and3A_42 = arith.andi %ne3A_38, %ne3A_41 : i1
    %sub3A_43 = arith.constant 1 : i32
    %sub3A_44 = arith.subi %div3A_23, %sub3A_43 : i32
    %select_n3A_45 = arith.select %and3A_42, %sub3A_44, %div3A_23 : i32
    %sub3A_46 = arith.constant 1 : i32
    %sub3A_47 = arith.subi %select_n3A_45, %sub3A_46 : i32
    %max3A = arith.maxsi %select_n3A, %sub3A_47 : i32
    %max3A_48 = arith.maxsi %select_n3A, %arg0 : i32
    %min3A = arith.minsi %max3A, %max3A_48 : i32
    %add3A_49 = arith.constant 0 : i32
    %add3A_50 = arith.addi %arg2, %add3A_49 : i32
    %c0_i32 = arith.constant 0 : i32
    return %min3A, %add3A_50 : i32, i32
  }
  func.func @transform_1(%arg0: i32, %arg1: i32, %arg2: i32, %arg3: memref<2xi32, #tpu.memory_space<smem>>) -> (i32, i32) {
    %c0_i32 = arith.constant 0 : i32
    return %arg1, %arg2 : i32, i32
  }
  func.func @transform_2(%arg0: i32, %arg1: i32, %arg2: i32, %arg3: memref<2xi32, #tpu.memory_space<smem>>) -> (i32, i32) {
    %c0_i32 = arith.constant 0 : i32
    %c0_i32_0 = arith.constant 0 : i32
    return %c0_i32, %arg1 : i32, i32
  }
  func.func @transform_3(%arg0: i32, %arg1: i32, %arg2: i32, %arg3: memref<2xi32, #tpu.memory_space<smem>>) -> (i32, i32) {
    %get3A = arith.constant 0 : index
    %get3A_0 = memref.load %arg3[%get3A] : memref<2xi32, #tpu.memory_space<smem>>
    %jit3A = arith.constant 512 : i32
    %div3A = arith.divsi %get3A_0, %jit3A : i32
    %sign3A = arith.constant 0 : i32
    %sign3A_1 = arith.cmpi sgt, %get3A_0, %sign3A : i32
    %sign3A_2 = arith.extui %sign3A_1 : i1 to i32
    %sign3A_3 = arith.constant 0 : i32
    %sign3A_4 = arith.cmpi slt, %get3A_0, %sign3A_3 : i32
    %sign3A_5 = arith.extui %sign3A_4 : i1 to i32
    %sign3A_6 = arith.subi %sign3A_2, %sign3A_5 : i32
    %sign3A_7 = arith.constant 0 : i32
    %sign3A_8 = arith.cmpi sgt, %jit3A, %sign3A_7 : i32
    %sign3A_9 = arith.extui %sign3A_8 : i1 to i32
    %sign3A_10 = arith.constant 0 : i32
    %sign3A_11 = arith.cmpi slt, %jit3A, %sign3A_10 : i32
    %sign3A_12 = arith.extui %sign3A_11 : i1 to i32
    %sign3A_13 = arith.subi %sign3A_9, %sign3A_12 : i32
    %ne3A = arith.cmpi ne, %sign3A_6, %sign3A_13 : i32
    %rem3A = arith.remsi %get3A_0, %jit3A : i32
    %ne3A_14 = arith.constant 0 : i32
    %ne3A_15 = arith.cmpi ne, %rem3A, %ne3A_14 : i32
    %and3A = arith.andi %ne3A, %ne3A_15 : i1
    %sub3A = arith.constant 1 : i32
    %sub3A_16 = arith.subi %div3A, %sub3A : i32
    %select_n3A = arith.select %and3A, %sub3A_16, %div3A : i32
    %get3A_17 = arith.constant 1 : index
    %get3A_18 = memref.load %arg3[%get3A_17] : memref<2xi32, #tpu.memory_space<smem>>
    %add3A = arith.constant 512 : i32
    %add3A_19 = arith.addi %get3A_18, %add3A : i32
    %sub3A_20 = arith.constant 1 : i32
    %sub3A_21 = arith.subi %add3A_19, %sub3A_20 : i32
    %jit3A_22 = arith.constant 512 : i32
    %div3A_23 = arith.divsi %sub3A_21, %jit3A_22 : i32
    %sign3A_24 = arith.constant 0 : i32
    %sign3A_25 = arith.cmpi sgt, %sub3A_21, %sign3A_24 : i32
    %sign3A_26 = arith.extui %sign3A_25 : i1 to i32
    %sign3A_27 = arith.constant 0 : i32
    %sign3A_28 = arith.cmpi slt, %sub3A_21, %sign3A_27 : i32
    %sign3A_29 = arith.extui %sign3A_28 : i1 to i32
    %sign3A_30 = arith.subi %sign3A_26, %sign3A_29 : i32
    %sign3A_31 = arith.constant 0 : i32
    %sign3A_32 = arith.cmpi sgt, %jit3A_22, %sign3A_31 : i32
    %sign3A_33 = arith.extui %sign3A_32 : i1 to i32
    %sign3A_34 = arith.constant 0 : i32
    %sign3A_35 = arith.cmpi slt, %jit3A_22, %sign3A_34 : i32
    %sign3A_36 = arith.extui %sign3A_35 : i1 to i32
    %sign3A_37 = arith.subi %sign3A_33, %sign3A_36 : i32
    %ne3A_38 = arith.cmpi ne, %sign3A_30, %sign3A_37 : i32
    %rem3A_39 = arith.remsi %sub3A_21, %jit3A_22 : i32
    %ne3A_40 = arith.constant 0 : i32
    %ne3A_41 = arith.cmpi ne, %rem3A_39, %ne3A_40 : i32
    %and3A_42 = arith.andi %ne3A_38, %ne3A_41 : i1
    %sub3A_43 = arith.constant 1 : i32
    %sub3A_44 = arith.subi %div3A_23, %sub3A_43 : i32
    %select_n3A_45 = arith.select %and3A_42, %sub3A_44, %div3A_23 : i32
    %sub3A_46 = arith.constant 1 : i32
    %sub3A_47 = arith.subi %select_n3A_45, %sub3A_46 : i32
    %max3A = arith.maxsi %select_n3A, %sub3A_47 : i32
    %lt3A = arith.cmpi slt, %arg0, %select_n3A : i32
    %gt3A = arith.cmpi sgt, %arg0, %max3A : i32
    %jit3A_48 = arith.constant 7 : i32
    %select_n3A_49 = arith.select %gt3A, %jit3A_48, %arg0 : i32
    %jit3A_50 = arith.constant 0 : i32
    %select_n3A_51 = arith.select %lt3A, %jit3A_50, %select_n3A_49 : i32
    %c0_i32 = arith.constant 0 : i32
    return %select_n3A_51, %arg1 : i32, i32
  }
}

module attributes {stable_mosaic.version = 14 : i64} {
  func.func @_attn_body(%arg0: i32, %arg1: memref<2xi32, #tpu.memory_space<smem>>, %arg2: memref<256x6144xbf16, #tpu.memory_space<vmem>>, %arg3: memref<256x6144xbf16, #tpu.memory_space<vmem>>, %arg4: memref<256x2048xbf16, #tpu.memory_space<vmem>>) attributes {dimension_semantics = [#tpu.dimension_semantics<parallel>], iteration_bounds = array<i64: 16>, scalar_prefetch = 1 : i64, scratch_operands = 0 : i64, tpu.core_type = #tpu.core_type<tc>, window_params = [{transform_indices = @transform_0, window_bounds = array<i64: 256, 6144>}, {transform_indices = @transform_1, window_bounds = array<i64: 256, 6144>}, {transform_indices = @transform_2, window_bounds = array<i64: 256, 2048>}]} {
    %mul3A = arith.constant 256 : i32
    %mul3A_0 = arith.muli %arg0, %mul3A : i32
    %add3A = arith.constant 256 : i32
    %add3A_1 = arith.addi %mul3A_0, %add3A : i32
    %get3A = arith.constant 0 : index
    %get3A_2 = memref.load %arg1[%get3A] : memref<2xi32, #tpu.memory_space<smem>>
    %gt3A = arith.cmpi sgt, %add3A_1, %get3A_2 : i32
    %mul3A_3 = arith.constant 256 : i32
    %mul3A_4 = arith.muli %arg0, %mul3A_3 : i32
    %get3A_5 = arith.constant 1 : index
    %get3A_6 = memref.load %arg1[%get3A_5] : memref<2xi32, #tpu.memory_space<smem>>
    %lt3A = arith.cmpi slt, %mul3A_4, %get3A_6 : i32
    %and3A = arith.andi %gt3A, %lt3A : i1
    %convert_element_type3A = arith.extui %and3A : i1 to i32
    %cond3A = arith.constant 0 : i32
    %cond3A_7 = arith.cmpi ne, %convert_element_type3A, %cond3A : i32
    scf.if %cond3A_7 {
      %get3A_8 = arith.constant 0 : index
      %get3A_9 = arith.constant 0 : index
      %get3A_10 = vector.load %arg2[%get3A_8, %get3A_9] : memref<256x6144xbf16, #tpu.memory_space<vmem>>, vector<256x2048xbf16>
      %convert_element_type3A_11 = arith.extf %get3A_10 : vector<256x2048xbf16> to vector<256x2048xf32>
      %get3A_12 = arith.constant 0 : index
      %get3A_13 = arith.constant 2048 : index
      %get3A_14 = vector.load %arg2[%get3A_12, %get3A_13] : memref<256x6144xbf16, #tpu.memory_space<vmem>>, vector<256x2048xbf16>
      %convert_element_type3A_15 = arith.extf %get3A_14 : vector<256x2048xbf16> to vector<256x2048xf32>
      %get3A_16 = arith.constant 0 : index
      %get3A_17 = arith.constant 4096 : index
      %get3A_18 = vector.load %arg2[%get3A_16, %get3A_17] : memref<256x6144xbf16, #tpu.memory_space<vmem>>, vector<256x2048xbf16>
      %convert_element_type3A_19 = arith.extf %get3A_18 : vector<256x2048xbf16> to vector<256x2048xf32>
      %get3A_20 = arith.constant 0 : index
      %get3A_21 = arith.constant 0 : index
      %get3A_22 = vector.load %arg3[%get3A_20, %get3A_21] : memref<256x6144xbf16, #tpu.memory_space<vmem>>, vector<256x2048xbf16>
      %convert_element_type3A_23 = arith.extf %get3A_22 : vector<256x2048xbf16> to vector<256x2048xf32>
      %get3A_24 = arith.constant 0 : index
      %get3A_25 = arith.constant 2048 : index
      %get3A_26 = vector.load %arg3[%get3A_24, %get3A_25] : memref<256x6144xbf16, #tpu.memory_space<vmem>>, vector<256x2048xbf16>
      %convert_element_type3A_27 = arith.extf %get3A_26 : vector<256x2048xbf16> to vector<256x2048xf32>
      %get3A_28 = arith.constant 0 : index
      %get3A_29 = arith.constant 4096 : index
      %get3A_30 = vector.load %arg3[%get3A_28, %get3A_29] : memref<256x6144xbf16, #tpu.memory_space<vmem>>, vector<256x2048xbf16>
      %convert_element_type3A_31 = arith.extf %get3A_30 : vector<256x2048xbf16> to vector<256x2048xf32>
      %sub3A = arith.subf %convert_element_type3A_15, %convert_element_type3A_27 : vector<256x2048xf32>
      %sqrt3A = arith.constant 1.280000e+02 : f32
      %sqrt3A_32 = math.sqrt %sqrt3A : f32
      %div3A = arith.constant 1.000000e+00 : f32
      %div3A_33 = arith.divf %div3A, %sqrt3A_32 : f32
      %mul3A_34 = arith.mulf %convert_element_type3A_11, %sub3A : vector<256x2048xf32>
      %reshape3A = vector.shape_cast %mul3A_34 : vector<256x2048xf32> to vector<256x16x128xf32>
      %reduce_sum3A = arith.constant dense<0.000000e+00> : vector<256x16xf32>
      %reduce_sum3A_35 = vector.multi_reduction <add>, %reshape3A, %reduce_sum3A [2] : vector<256x16x128xf32> to vector<256x16xf32>
      %mul3A_36 = vector.broadcast %div3A_33 : f32 to vector<256x16xf32>
      %mul3A_37 = arith.mulf %reduce_sum3A_35, %mul3A_36 : vector<256x16xf32>
      %mul3A_38 = arith.mulf %convert_element_type3A_23, %sub3A : vector<256x2048xf32>
      %reshape3A_39 = vector.shape_cast %mul3A_38 : vector<256x2048xf32> to vector<256x16x128xf32>
      %reduce_sum3A_40 = arith.constant dense<0.000000e+00> : vector<256x16xf32>
      %reduce_sum3A_41 = vector.multi_reduction <add>, %reshape3A_39, %reduce_sum3A_40 [2] : vector<256x16x128xf32> to vector<256x16xf32>
      %mul3A_42 = vector.broadcast %div3A_33 : f32 to vector<256x16xf32>
      %mul3A_43 = arith.mulf %reduce_sum3A_41, %mul3A_42 : vector<256x16xf32>
      %logistic3A = arith.negf %mul3A_37 : vector<256x16xf32>
      %logistic3A_44 = math.exp %logistic3A : vector<256x16xf32>
      %logistic3A_45 = arith.constant 1.000000e+00 : f32
      %logistic3A_46 = vector.broadcast %logistic3A_45 : f32 to vector<256x16xf32>
      %logistic3A_47 = arith.addf %logistic3A_46, %logistic3A_44 : vector<256x16xf32>
      %logistic3A_48 = arith.divf %logistic3A_46, %logistic3A_47 : vector<256x16xf32>
      %logistic3A_49 = arith.negf %mul3A_43 : vector<256x16xf32>
      %logistic3A_50 = math.exp %logistic3A_49 : vector<256x16xf32>
      %logistic3A_51 = arith.constant 1.000000e+00 : f32
      %logistic3A_52 = vector.broadcast %logistic3A_51 : f32 to vector<256x16xf32>
      %logistic3A_53 = arith.addf %logistic3A_52, %logistic3A_50 : vector<256x16xf32>
      %logistic3A_54 = arith.divf %logistic3A_52, %logistic3A_53 : vector<256x16xf32>
      %add3A_55 = arith.addf %logistic3A_48, %logistic3A_54 : vector<256x16xf32>
      %mul3A_56 = arith.constant 5.000000e-01 : f32
      %mul3A_57 = vector.broadcast %mul3A_56 : f32 to vector<256x16xf32>
      %mul3A_58 = arith.mulf %mul3A_57, %add3A_55 : vector<256x16xf32>
      %sub3A_59 = arith.subf %convert_element_type3A_19, %convert_element_type3A_31 : vector<256x2048xf32>
      %reshape3A_60 = vector.shape_cast %sub3A_59 : vector<256x2048xf32> to vector<256x16x128xf32>
      %reshape3A_61 = vector.shape_cast %convert_element_type3A_31 : vector<256x2048xf32> to vector<256x16x128xf32>
      %broadcast_in_dim3A = vector.shape_cast %mul3A_58 : vector<256x16xf32> to vector<256x16x1xf32>
      %mul3A_62 = vector.broadcast %broadcast_in_dim3A : vector<256x16x1xf32> to vector<256x16x128xf32>
      %mul3A_63 = arith.mulf %mul3A_62, %reshape3A_60 : vector<256x16x128xf32>
      %add3A_64 = arith.addf %reshape3A_61, %mul3A_63 : vector<256x16x128xf32>
      %reshape3A_65 = vector.shape_cast %add3A_64 : vector<256x16x128xf32> to vector<256x2048xf32>
      %convert_element_type3A_66 = arith.truncf %reshape3A_65 : vector<256x2048xf32> to vector<256x2048xbf16>
      %swap3A = arith.constant 0 : index
      %swap3A_67 = arith.constant 0 : index
      %swap3A_68 = vector.load %arg4[%swap3A, %swap3A_67] : memref<256x2048xbf16, #tpu.memory_space<vmem>>, vector<256x2048xbf16>
      tpu.vector_store %arg4[%swap3A, %swap3A_67], %convert_element_type3A_66 {strides = array<i32>} : memref<256x2048xbf16, #tpu.memory_space<vmem>>, vector<256x2048xbf16>,
    } else {
    }
    return
  }
  func.func @transform_0(%arg0: i32, %arg1: memref<2xi32, #tpu.memory_space<smem>>) -> (i32, i32) {
    %get3A = arith.constant 0 : index
    %get3A_0 = memref.load %arg1[%get3A] : memref<2xi32, #tpu.memory_space<smem>>
    %jit3A = arith.constant 256 : i32
    %div3A = arith.divsi %get3A_0, %jit3A : i32
    %sign3A = arith.constant 0 : i32
    %sign3A_1 = arith.cmpi sgt, %get3A_0, %sign3A : i32
    %sign3A_2 = arith.extui %sign3A_1 : i1 to i32
    %sign3A_3 = arith.constant 0 : i32
    %sign3A_4 = arith.cmpi slt, %get3A_0, %sign3A_3 : i32
    %sign3A_5 = arith.extui %sign3A_4 : i1 to i32
    %sign3A_6 = arith.subi %sign3A_2, %sign3A_5 : i32
    %sign3A_7 = arith.constant 0 : i32
    %sign3A_8 = arith.cmpi sgt, %jit3A, %sign3A_7 : i32
    %sign3A_9 = arith.extui %sign3A_8 : i1 to i32
    %sign3A_10 = arith.constant 0 : i32
    %sign3A_11 = arith.cmpi slt, %jit3A, %sign3A_10 : i32
    %sign3A_12 = arith.extui %sign3A_11 : i1 to i32
    %sign3A_13 = arith.subi %sign3A_9, %sign3A_12 : i32
    %ne3A = arith.cmpi ne, %sign3A_6, %sign3A_13 : i32
    %rem3A = arith.remsi %get3A_0, %jit3A : i32
    %ne3A_14 = arith.constant 0 : i32
    %ne3A_15 = arith.cmpi ne, %rem3A, %ne3A_14 : i32
    %and3A = arith.andi %ne3A, %ne3A_15 : i1
    %sub3A = arith.constant 1 : i32
    %sub3A_16 = arith.subi %div3A, %sub3A : i32
    %select_n3A = arith.select %and3A, %sub3A_16, %div3A : i32
    %get3A_17 = arith.constant 1 : index
    %get3A_18 = memref.load %arg1[%get3A_17] : memref<2xi32, #tpu.memory_space<smem>>
    %add3A = arith.constant 256 : i32
    %add3A_19 = arith.addi %get3A_18, %add3A : i32
    %sub3A_20 = arith.constant 1 : i32
    %sub3A_21 = arith.subi %add3A_19, %sub3A_20 : i32
    %jit3A_22 = arith.constant 256 : i32
    %div3A_23 = arith.divsi %sub3A_21, %jit3A_22 : i32
    %sign3A_24 = arith.constant 0 : i32
    %sign3A_25 = arith.cmpi sgt, %sub3A_21, %sign3A_24 : i32
    %sign3A_26 = arith.extui %sign3A_25 : i1 to i32
    %sign3A_27 = arith.constant 0 : i32
    %sign3A_28 = arith.cmpi slt, %sub3A_21, %sign3A_27 : i32
    %sign3A_29 = arith.extui %sign3A_28 : i1 to i32
    %sign3A_30 = arith.subi %sign3A_26, %sign3A_29 : i32
    %sign3A_31 = arith.constant 0 : i32
    %sign3A_32 = arith.cmpi sgt, %jit3A_22, %sign3A_31 : i32
    %sign3A_33 = arith.extui %sign3A_32 : i1 to i32
    %sign3A_34 = arith.constant 0 : i32
    %sign3A_35 = arith.cmpi slt, %jit3A_22, %sign3A_34 : i32
    %sign3A_36 = arith.extui %sign3A_35 : i1 to i32
    %sign3A_37 = arith.subi %sign3A_33, %sign3A_36 : i32
    %ne3A_38 = arith.cmpi ne, %sign3A_30, %sign3A_37 : i32
    %rem3A_39 = arith.remsi %sub3A_21, %jit3A_22 : i32
    %ne3A_40 = arith.constant 0 : i32
    %ne3A_41 = arith.cmpi ne, %rem3A_39, %ne3A_40 : i32
    %and3A_42 = arith.andi %ne3A_38, %ne3A_41 : i1
    %sub3A_43 = arith.constant 1 : i32
    %sub3A_44 = arith.subi %div3A_23, %sub3A_43 : i32
    %select_n3A_45 = arith.select %and3A_42, %sub3A_44, %div3A_23 : i32
    %sub3A_46 = arith.constant 1 : i32
    %sub3A_47 = arith.subi %select_n3A_45, %sub3A_46 : i32
    %max3A = arith.maxsi %select_n3A, %sub3A_47 : i32
    %max3A_48 = arith.maxsi %select_n3A, %arg0 : i32
    %min3A = arith.minsi %max3A, %max3A_48 : i32
    %c0_i32 = arith.constant 0 : i32
    %c0_i32_49 = arith.constant 0 : i32
    return %min3A, %c0_i32 : i32, i32
  }
  func.func @transform_1(%arg0: i32, %arg1: memref<2xi32, #tpu.memory_space<smem>>) -> (i32, i32) {
    %get3A = arith.constant 0 : index
    %get3A_0 = memref.load %arg1[%get3A] : memref<2xi32, #tpu.memory_space<smem>>
    %jit3A = arith.constant 256 : i32
    %div3A = arith.divsi %get3A_0, %jit3A : i32
    %sign3A = arith.constant 0 : i32
    %sign3A_1 = arith.cmpi sgt, %get3A_0, %sign3A : i32
    %sign3A_2 = arith.extui %sign3A_1 : i1 to i32
    %sign3A_3 = arith.constant 0 : i32
    %sign3A_4 = arith.cmpi slt, %get3A_0, %sign3A_3 : i32
    %sign3A_5 = arith.extui %sign3A_4 : i1 to i32
    %sign3A_6 = arith.subi %sign3A_2, %sign3A_5 : i32
    %sign3A_7 = arith.constant 0 : i32
    %sign3A_8 = arith.cmpi sgt, %jit3A, %sign3A_7 : i32
    %sign3A_9 = arith.extui %sign3A_8 : i1 to i32
    %sign3A_10 = arith.constant 0 : i32
    %sign3A_11 = arith.cmpi slt, %jit3A, %sign3A_10 : i32
    %sign3A_12 = arith.extui %sign3A_11 : i1 to i32
    %sign3A_13 = arith.subi %sign3A_9, %sign3A_12 : i32
    %ne3A = arith.cmpi ne, %sign3A_6, %sign3A_13 : i32
    %rem3A = arith.remsi %get3A_0, %jit3A : i32
    %ne3A_14 = arith.constant 0 : i32
    %ne3A_15 = arith.cmpi ne, %rem3A, %ne3A_14 : i32
    %and3A = arith.andi %ne3A, %ne3A_15 : i1
    %sub3A = arith.constant 1 : i32
    %sub3A_16 = arith.subi %div3A, %sub3A : i32
    %select_n3A = arith.select %and3A, %sub3A_16, %div3A : i32
    %get3A_17 = arith.constant 1 : index
    %get3A_18 = memref.load %arg1[%get3A_17] : memref<2xi32, #tpu.memory_space<smem>>
    %add3A = arith.constant 256 : i32
    %add3A_19 = arith.addi %get3A_18, %add3A : i32
    %sub3A_20 = arith.constant 1 : i32
    %sub3A_21 = arith.subi %add3A_19, %sub3A_20 : i32
    %jit3A_22 = arith.constant 256 : i32
    %div3A_23 = arith.divsi %sub3A_21, %jit3A_22 : i32
    %sign3A_24 = arith.constant 0 : i32
    %sign3A_25 = arith.cmpi sgt, %sub3A_21, %sign3A_24 : i32
    %sign3A_26 = arith.extui %sign3A_25 : i1 to i32
    %sign3A_27 = arith.constant 0 : i32
    %sign3A_28 = arith.cmpi slt, %sub3A_21, %sign3A_27 : i32
    %sign3A_29 = arith.extui %sign3A_28 : i1 to i32
    %sign3A_30 = arith.subi %sign3A_26, %sign3A_29 : i32
    %sign3A_31 = arith.constant 0 : i32
    %sign3A_32 = arith.cmpi sgt, %jit3A_22, %sign3A_31 : i32
    %sign3A_33 = arith.extui %sign3A_32 : i1 to i32
    %sign3A_34 = arith.constant 0 : i32
    %sign3A_35 = arith.cmpi slt, %jit3A_22, %sign3A_34 : i32
    %sign3A_36 = arith.extui %sign3A_35 : i1 to i32
    %sign3A_37 = arith.subi %sign3A_33, %sign3A_36 : i32
    %ne3A_38 = arith.cmpi ne, %sign3A_30, %sign3A_37 : i32
    %rem3A_39 = arith.remsi %sub3A_21, %jit3A_22 : i32
    %ne3A_40 = arith.constant 0 : i32
    %ne3A_41 = arith.cmpi ne, %rem3A_39, %ne3A_40 : i32
    %and3A_42 = arith.andi %ne3A_38, %ne3A_41 : i1
    %sub3A_43 = arith.constant 1 : i32
    %sub3A_44 = arith.subi %div3A_23, %sub3A_43 : i32
    %select_n3A_45 = arith.select %and3A_42, %sub3A_44, %div3A_23 : i32
    %sub3A_46 = arith.constant 1 : i32
    %sub3A_47 = arith.subi %select_n3A_45, %sub3A_46 : i32
    %max3A = arith.maxsi %select_n3A, %sub3A_47 : i32
    %max3A_48 = arith.maxsi %select_n3A, %arg0 : i32
    %min3A = arith.minsi %max3A, %max3A_48 : i32
    %c0_i32 = arith.constant 0 : i32
    %c0_i32_49 = arith.constant 0 : i32
    return %min3A, %c0_i32 : i32, i32
  }
  func.func @transform_2(%arg0: i32, %arg1: memref<2xi32, #tpu.memory_space<smem>>) -> (i32, i32) {
    %get3A = arith.constant 0 : index
    %get3A_0 = memref.load %arg1[%get3A] : memref<2xi32, #tpu.memory_space<smem>>
    %jit3A = arith.constant 256 : i32
    %div3A = arith.divsi %get3A_0, %jit3A : i32
    %sign3A = arith.constant 0 : i32
    %sign3A_1 = arith.cmpi sgt, %get3A_0, %sign3A : i32
    %sign3A_2 = arith.extui %sign3A_1 : i1 to i32
    %sign3A_3 = arith.constant 0 : i32
    %sign3A_4 = arith.cmpi slt, %get3A_0, %sign3A_3 : i32
    %sign3A_5 = arith.extui %sign3A_4 : i1 to i32
    %sign3A_6 = arith.subi %sign3A_2, %sign3A_5 : i32
    %sign3A_7 = arith.constant 0 : i32
    %sign3A_8 = arith.cmpi sgt, %jit3A, %sign3A_7 : i32
    %sign3A_9 = arith.extui %sign3A_8 : i1 to i32
    %sign3A_10 = arith.constant 0 : i32
    %sign3A_11 = arith.cmpi slt, %jit3A, %sign3A_10 : i32
    %sign3A_12 = arith.extui %sign3A_11 : i1 to i32
    %sign3A_13 = arith.subi %sign3A_9, %sign3A_12 : i32
    %ne3A = arith.cmpi ne, %sign3A_6, %sign3A_13 : i32
    %rem3A = arith.remsi %get3A_0, %jit3A : i32
    %ne3A_14 = arith.constant 0 : i32
    %ne3A_15 = arith.cmpi ne, %rem3A, %ne3A_14 : i32
    %and3A = arith.andi %ne3A, %ne3A_15 : i1
    %sub3A = arith.constant 1 : i32
    %sub3A_16 = arith.subi %div3A, %sub3A : i32
    %select_n3A = arith.select %and3A, %sub3A_16, %div3A : i32
    %get3A_17 = arith.constant 1 : index
    %get3A_18 = memref.load %arg1[%get3A_17] : memref<2xi32, #tpu.memory_space<smem>>
    %add3A = arith.constant 256 : i32
    %add3A_19 = arith.addi %get3A_18, %add3A : i32
    %sub3A_20 = arith.constant 1 : i32
    %sub3A_21 = arith.subi %add3A_19, %sub3A_20 : i32
    %jit3A_22 = arith.constant 256 : i32
    %div3A_23 = arith.divsi %sub3A_21, %jit3A_22 : i32
    %sign3A_24 = arith.constant 0 : i32
    %sign3A_25 = arith.cmpi sgt, %sub3A_21, %sign3A_24 : i32
    %sign3A_26 = arith.extui %sign3A_25 : i1 to i32
    %sign3A_27 = arith.constant 0 : i32
    %sign3A_28 = arith.cmpi slt, %sub3A_21, %sign3A_27 : i32
    %sign3A_29 = arith.extui %sign3A_28 : i1 to i32
    %sign3A_30 = arith.subi %sign3A_26, %sign3A_29 : i32
    %sign3A_31 = arith.constant 0 : i32
    %sign3A_32 = arith.cmpi sgt, %jit3A_22, %sign3A_31 : i32
    %sign3A_33 = arith.extui %sign3A_32 : i1 to i32
    %sign3A_34 = arith.constant 0 : i32
    %sign3A_35 = arith.cmpi slt, %jit3A_22, %sign3A_34 : i32
    %sign3A_36 = arith.extui %sign3A_35 : i1 to i32
    %sign3A_37 = arith.subi %sign3A_33, %sign3A_36 : i32
    %ne3A_38 = arith.cmpi ne, %sign3A_30, %sign3A_37 : i32
    %rem3A_39 = arith.remsi %sub3A_21, %jit3A_22 : i32
    %ne3A_40 = arith.constant 0 : i32
    %ne3A_41 = arith.cmpi ne, %rem3A_39, %ne3A_40 : i32
    %and3A_42 = arith.andi %ne3A_38, %ne3A_41 : i1
    %sub3A_43 = arith.constant 1 : i32
    %sub3A_44 = arith.subi %div3A_23, %sub3A_43 : i32
    %select_n3A_45 = arith.select %and3A_42, %sub3A_44, %div3A_23 : i32
    %sub3A_46 = arith.constant 1 : i32
    %sub3A_47 = arith.subi %select_n3A_45, %sub3A_46 : i32
    %max3A = arith.maxsi %select_n3A, %sub3A_47 : i32
    %lt3A = arith.cmpi slt, %arg0, %select_n3A : i32
    %gt3A = arith.cmpi sgt, %arg0, %max3A : i32
    %jit3A_48 = arith.constant 15 : i32
    %select_n3A_49 = arith.select %gt3A, %jit3A_48, %arg0 : i32
    %jit3A_50 = arith.constant 0 : i32
    %select_n3A_51 = arith.select %lt3A, %jit3A_50, %select_n3A_49 : i32
    %c0_i32 = arith.constant 0 : i32
    %c0_i32_52 = arith.constant 0 : i32
    return %select_n3A_51, %c0_i32 : i32, i32
  }
}

module attributes {stable_mosaic.version = 14 : i64} {
  func.func @_mm_body(%arg0: i32, %arg1: i32, %arg2: i32, %arg3: memref<2xi32, #tpu.memory_space<smem>>, %arg4: memref<512x2048xbf16, #tpu.memory_space<vmem>>, %arg5: memref<1024x2048xf32, #tpu.memory_space<vmem>>, %arg6: memref<1x1024xf32, #tpu.memory_space<vmem>>, %arg7: memref<512x1024xbf16, #tpu.memory_space<vmem>>, %arg8: memref<512x1024xf32, #tpu.memory_space<vmem>>) attributes {dimension_semantics = [#tpu.dimension_semantics<parallel>, #tpu.dimension_semantics<parallel>, #tpu.dimension_semantics<arbitrary>], iteration_bounds = array<i64: 8, 2, 1>, scalar_prefetch = 1 : i64, scratch_operands = 1 : i64, tpu.core_type = #tpu.core_type<tc>, window_params = [{transform_indices = @transform_0, window_bounds = array<i64: 512, 2048>}, {transform_indices = @transform_1, window_bounds = array<i64: 1024, 2048>}, {transform_indices = @transform_2, window_bounds = array<i64: 1, 1024>}, {transform_indices = @transform_3, window_bounds = array<i64: 512, 1024>}]} {
    %mul3A = arith.constant 512 : i32
    %mul3A_0 = arith.muli %arg0, %mul3A : i32
    %add3A = arith.constant 512 : i32
    %add3A_1 = arith.addi %mul3A_0, %add3A : i32
    %get3A = arith.constant 0 : index
    %get3A_2 = memref.load %arg3[%get3A] : memref<2xi32, #tpu.memory_space<smem>>
    %gt3A = arith.cmpi sgt, %add3A_1, %get3A_2 : i32
    %mul3A_3 = arith.constant 512 : i32
    %mul3A_4 = arith.muli %arg0, %mul3A_3 : i32
    %get3A_5 = arith.constant 1 : index
    %get3A_6 = memref.load %arg3[%get3A_5] : memref<2xi32, #tpu.memory_space<smem>>
    %lt3A = arith.cmpi slt, %mul3A_4, %get3A_6 : i32
    %and3A = arith.andi %gt3A, %lt3A : i1
    %convert_element_type3A = arith.extui %and3A : i1 to i32
    %cond3A = arith.constant 0 : i32
    %cond3A_7 = arith.cmpi ne, %convert_element_type3A, %cond3A : i32
    scf.if %cond3A_7 {
      %eq3A = arith.constant 0 : i32
      %eq3A_8 = arith.cmpi eq, %arg2, %eq3A : i32
      %convert_element_type3A_9 = arith.extui %eq3A_8 : i1 to i32
      %cond3A_10 = arith.constant 0 : i32
      %cond3A_11 = arith.cmpi ne, %convert_element_type3A_9, %cond3A_10 : i32
      scf.if %cond3A_11 {
        %broadcast_in_dim3A = arith.constant 0.000000e+00 : f32
        %broadcast_in_dim3A_31 = vector.broadcast %broadcast_in_dim3A : f32 to vector<512x1024xf32>
        %swap3A_32 = arith.constant 0 : index
        %swap3A_33 = arith.constant 0 : index
        %swap3A_34 = vector.load %arg8[%swap3A_32, %swap3A_33] : memref<512x1024xf32, #tpu.memory_space<vmem>>, vector<512x1024xf32>
        tpu.vector_store %arg8[%swap3A_32, %swap3A_33], %broadcast_in_dim3A_31 {strides = array<i32>} : memref<512x1024xf32, #tpu.memory_space<vmem>>, vector<512x1024xf32>,
      } else {
      }
      %get3A_12 = arith.constant 0 : index
      %get3A_13 = arith.constant 0 : index
      %get3A_14 = vector.load %arg4[%get3A_12, %get3A_13] : memref<512x2048xbf16, #tpu.memory_space<vmem>>, vector<512x2048xbf16>
      %get3A_15 = arith.constant 0 : index
      %get3A_16 = arith.constant 0 : index
      %get3A_17 = vector.load %arg5[%get3A_15, %get3A_16] : memref<1024x2048xf32, #tpu.memory_space<vmem>>, vector<1024x2048xf32>
      %convert_element_type3A_18 = arith.truncf %get3A_17 : vector<1024x2048xf32> to vector<1024x2048xbf16>
      %get3A_19 = arith.constant 0 : index
      %get3A_20 = arith.constant 0 : index
      %get3A_21 = vector.load %arg8[%get3A_19, %get3A_20] : memref<512x1024xf32, #tpu.memory_space<vmem>>, vector<512x1024xf32>
      %dot_general3A = arith.constant dense<0.000000e+00> : vector<512x1024xf32>
      %dot_general3A_22 = tpu.matmul %get3A_14, %convert_element_type3A_18, %dot_general3A {dimension_numbers = #tpu.dot_dimension_numbers<[1], [1], [0], [0], [0, 0, 1, 0], [], []>, transpose_lhs_hint = false} : vector<512x2048xbf16>, vector<1024x2048xbf16>, vector<512x1024xf32> -> vector<512x1024xf32>
      %add3A_23 = arith.addf %get3A_21, %dot_general3A_22 : vector<512x1024xf32>
      %swap3A = arith.constant 0 : index
      %swap3A_24 = arith.constant 0 : index
      %swap3A_25 = vector.load %arg8[%swap3A, %swap3A_24] : memref<512x1024xf32, #tpu.memory_space<vmem>>, vector<512x1024xf32>
      tpu.vector_store %arg8[%swap3A, %swap3A_24], %add3A_23 {strides = array<i32>} : memref<512x1024xf32, #tpu.memory_space<vmem>>, vector<512x1024xf32>,
      %eq3A_26 = arith.constant 0 : i32
      %eq3A_27 = arith.cmpi eq, %arg2, %eq3A_26 : i32
      %convert_element_type3A_28 = arith.extui %eq3A_27 : i1 to i32
      %cond3A_29 = arith.constant 0 : i32
      %cond3A_30 = arith.cmpi ne, %convert_element_type3A_28, %cond3A_29 : i32
      scf.if %cond3A_30 {
        %get3A_31 = arith.constant 0 : index
        %get3A_32 = arith.constant 0 : index
        %get3A_33 = vector.load %arg8[%get3A_31, %get3A_32] : memref<512x1024xf32, #tpu.memory_space<vmem>>, vector<512x1024xf32>
        %get3A_34 = arith.constant 0 : index
        %get3A_35 = arith.constant 0 : index
        %get3A_36 = vector.load %arg6[%get3A_34, %get3A_35] : memref<1x1024xf32, #tpu.memory_space<vmem>>, vector<1x1024xf32>
        %add3A_37 = vector.broadcast %get3A_36 : vector<1x1024xf32> to vector<512x1024xf32>
        %add3A_38 = arith.addf %get3A_33, %add3A_37 : vector<512x1024xf32>
        %convert_element_type3A_39 = arith.truncf %add3A_38 : vector<512x1024xf32> to vector<512x1024xbf16>
        %swap3A_40 = arith.constant 0 : index
        %swap3A_41 = arith.constant 0 : index
        %swap3A_42 = vector.load %arg7[%swap3A_40, %swap3A_41] : memref<512x1024xbf16, #tpu.memory_space<vmem>>, vector<512x1024xbf16>
        tpu.vector_store %arg7[%swap3A_40, %swap3A_41], %convert_element_type3A_39 {strides = array<i32>} : memref<512x1024xbf16, #tpu.memory_space<vmem>>, vector<512x1024xbf16>,
      } else {
      }
    } else {
    }
    return
  }
  func.func @transform_0(%arg0: i32, %arg1: i32, %arg2: i32, %arg3: memref<2xi32, #tpu.memory_space<smem>>) -> (i32, i32) {
    %get3A = arith.constant 0 : index
    %get3A_0 = memref.load %arg3[%get3A] : memref<2xi32, #tpu.memory_space<smem>>
    %jit3A = arith.constant 512 : i32
    %div3A = arith.divsi %get3A_0, %jit3A : i32
    %sign3A = arith.constant 0 : i32
    %sign3A_1 = arith.cmpi sgt, %get3A_0, %sign3A : i32
    %sign3A_2 = arith.extui %sign3A_1 : i1 to i32
    %sign3A_3 = arith.constant 0 : i32
    %sign3A_4 = arith.cmpi slt, %get3A_0, %sign3A_3 : i32
    %sign3A_5 = arith.extui %sign3A_4 : i1 to i32
    %sign3A_6 = arith.subi %sign3A_2, %sign3A_5 : i32
    %sign3A_7 = arith.constant 0 : i32
    %sign3A_8 = arith.cmpi sgt, %jit3A, %sign3A_7 : i32
    %sign3A_9 = arith.extui %sign3A_8 : i1 to i32
    %sign3A_10 = arith.constant 0 : i32
    %sign3A_11 = arith.cmpi slt, %jit3A, %sign3A_10 : i32
    %sign3A_12 = arith.extui %sign3A_11 : i1 to i32
    %sign3A_13 = arith.subi %sign3A_9, %sign3A_12 : i32
    %ne3A = arith.cmpi ne, %sign3A_6, %sign3A_13 : i32
    %rem3A = arith.remsi %get3A_0, %jit3A : i32
    %ne3A_14 = arith.constant 0 : i32
    %ne3A_15 = arith.cmpi ne, %rem3A, %ne3A_14 : i32
    %and3A = arith.andi %ne3A, %ne3A_15 : i1
    %sub3A = arith.constant 1 : i32
    %sub3A_16 = arith.subi %div3A, %sub3A : i32
    %select_n3A = arith.select %and3A, %sub3A_16, %div3A : i32
    %get3A_17 = arith.constant 1 : index
    %get3A_18 = memref.load %arg3[%get3A_17] : memref<2xi32, #tpu.memory_space<smem>>
    %add3A = arith.constant 512 : i32
    %add3A_19 = arith.addi %get3A_18, %add3A : i32
    %sub3A_20 = arith.constant 1 : i32
    %sub3A_21 = arith.subi %add3A_19, %sub3A_20 : i32
    %jit3A_22 = arith.constant 512 : i32
    %div3A_23 = arith.divsi %sub3A_21, %jit3A_22 : i32
    %sign3A_24 = arith.constant 0 : i32
    %sign3A_25 = arith.cmpi sgt, %sub3A_21, %sign3A_24 : i32
    %sign3A_26 = arith.extui %sign3A_25 : i1 to i32
    %sign3A_27 = arith.constant 0 : i32
    %sign3A_28 = arith.cmpi slt, %sub3A_21, %sign3A_27 : i32
    %sign3A_29 = arith.extui %sign3A_28 : i1 to i32
    %sign3A_30 = arith.subi %sign3A_26, %sign3A_29 : i32
    %sign3A_31 = arith.constant 0 : i32
    %sign3A_32 = arith.cmpi sgt, %jit3A_22, %sign3A_31 : i32
    %sign3A_33 = arith.extui %sign3A_32 : i1 to i32
    %sign3A_34 = arith.constant 0 : i32
    %sign3A_35 = arith.cmpi slt, %jit3A_22, %sign3A_34 : i32
    %sign3A_36 = arith.extui %sign3A_35 : i1 to i32
    %sign3A_37 = arith.subi %sign3A_33, %sign3A_36 : i32
    %ne3A_38 = arith.cmpi ne, %sign3A_30, %sign3A_37 : i32
    %rem3A_39 = arith.remsi %sub3A_21, %jit3A_22 : i32
    %ne3A_40 = arith.constant 0 : i32
    %ne3A_41 = arith.cmpi ne, %rem3A_39, %ne3A_40 : i32
    %and3A_42 = arith.andi %ne3A_38, %ne3A_41 : i1
    %sub3A_43 = arith.constant 1 : i32
    %sub3A_44 = arith.subi %div3A_23, %sub3A_43 : i32
    %select_n3A_45 = arith.select %and3A_42, %sub3A_44, %div3A_23 : i32
    %sub3A_46 = arith.constant 1 : i32
    %sub3A_47 = arith.subi %select_n3A_45, %sub3A_46 : i32
    %max3A = arith.maxsi %select_n3A, %sub3A_47 : i32
    %max3A_48 = arith.maxsi %select_n3A, %arg0 : i32
    %min3A = arith.minsi %max3A, %max3A_48 : i32
    %add3A_49 = arith.constant 0 : i32
    %add3A_50 = arith.addi %arg2, %add3A_49 : i32
    %c0_i32 = arith.constant 0 : i32
    return %min3A, %add3A_50 : i32, i32
  }
  func.func @transform_1(%arg0: i32, %arg1: i32, %arg2: i32, %arg3: memref<2xi32, #tpu.memory_space<smem>>) -> (i32, i32) {
    %c0_i32 = arith.constant 0 : i32
    return %arg1, %arg2 : i32, i32
  }
  func.func @transform_2(%arg0: i32, %arg1: i32, %arg2: i32, %arg3: memref<2xi32, #tpu.memory_space<smem>>) -> (i32, i32) {
    %c0_i32 = arith.constant 0 : i32
    %c0_i32_0 = arith.constant 0 : i32
    return %c0_i32, %arg1 : i32, i32
  }
  func.func @transform_3(%arg0: i32, %arg1: i32, %arg2: i32, %arg3: memref<2xi32, #tpu.memory_space<smem>>) -> (i32, i32) {
    %get3A = arith.constant 0 : index
    %get3A_0 = memref.load %arg3[%get3A] : memref<2xi32, #tpu.memory_space<smem>>
    %jit3A = arith.constant 512 : i32
    %div3A = arith.divsi %get3A_0, %jit3A : i32
    %sign3A = arith.constant 0 : i32
    %sign3A_1 = arith.cmpi sgt, %get3A_0, %sign3A : i32
    %sign3A_2 = arith.extui %sign3A_1 : i1 to i32
    %sign3A_3 = arith.constant 0 : i32
    %sign3A_4 = arith.cmpi slt, %get3A_0, %sign3A_3 : i32
    %sign3A_5 = arith.extui %sign3A_4 : i1 to i32
    %sign3A_6 = arith.subi %sign3A_2, %sign3A_5 : i32
    %sign3A_7 = arith.constant 0 : i32
    %sign3A_8 = arith.cmpi sgt, %jit3A, %sign3A_7 : i32
    %sign3A_9 = arith.extui %sign3A_8 : i1 to i32
    %sign3A_10 = arith.constant 0 : i32
    %sign3A_11 = arith.cmpi slt, %jit3A, %sign3A_10 : i32
    %sign3A_12 = arith.extui %sign3A_11 : i1 to i32
    %sign3A_13 = arith.subi %sign3A_9, %sign3A_12 : i32
    %ne3A = arith.cmpi ne, %sign3A_6, %sign3A_13 : i32
    %rem3A = arith.remsi %get3A_0, %jit3A : i32
    %ne3A_14 = arith.constant 0 : i32
    %ne3A_15 = arith.cmpi ne, %rem3A, %ne3A_14 : i32
    %and3A = arith.andi %ne3A, %ne3A_15 : i1
    %sub3A = arith.constant 1 : i32
    %sub3A_16 = arith.subi %div3A, %sub3A : i32
    %select_n3A = arith.select %and3A, %sub3A_16, %div3A : i32
    %get3A_17 = arith.constant 1 : index
    %get3A_18 = memref.load %arg3[%get3A_17] : memref<2xi32, #tpu.memory_space<smem>>
    %add3A = arith.constant 512 : i32
    %add3A_19 = arith.addi %get3A_18, %add3A : i32
    %sub3A_20 = arith.constant 1 : i32
    %sub3A_21 = arith.subi %add3A_19, %sub3A_20 : i32
    %jit3A_22 = arith.constant 512 : i32
    %div3A_23 = arith.divsi %sub3A_21, %jit3A_22 : i32
    %sign3A_24 = arith.constant 0 : i32
    %sign3A_25 = arith.cmpi sgt, %sub3A_21, %sign3A_24 : i32
    %sign3A_26 = arith.extui %sign3A_25 : i1 to i32
    %sign3A_27 = arith.constant 0 : i32
    %sign3A_28 = arith.cmpi slt, %sub3A_21, %sign3A_27 : i32
    %sign3A_29 = arith.extui %sign3A_28 : i1 to i32
    %sign3A_30 = arith.subi %sign3A_26, %sign3A_29 : i32
    %sign3A_31 = arith.constant 0 : i32
    %sign3A_32 = arith.cmpi sgt, %jit3A_22, %sign3A_31 : i32
    %sign3A_33 = arith.extui %sign3A_32 : i1 to i32
    %sign3A_34 = arith.constant 0 : i32
    %sign3A_35 = arith.cmpi slt, %jit3A_22, %sign3A_34 : i32
    %sign3A_36 = arith.extui %sign3A_35 : i1 to i32
    %sign3A_37 = arith.subi %sign3A_33, %sign3A_36 : i32
    %ne3A_38 = arith.cmpi ne, %sign3A_30, %sign3A_37 : i32
    %rem3A_39 = arith.remsi %sub3A_21, %jit3A_22 : i32
    %ne3A_40 = arith.constant 0 : i32
    %ne3A_41 = arith.cmpi ne, %rem3A_39, %ne3A_40 : i32
    %and3A_42 = arith.andi %ne3A_38, %ne3A_41 : i1
    %sub3A_43 = arith.constant 1 : i32
    %sub3A_44 = arith.subi %div3A_23, %sub3A_43 : i32
    %select_n3A_45 = arith.select %and3A_42, %sub3A_44, %div3A_23 : i32
    %sub3A_46 = arith.constant 1 : i32
    %sub3A_47 = arith.subi %select_n3A_45, %sub3A_46 : i32
    %max3A = arith.maxsi %select_n3A, %sub3A_47 : i32
    %lt3A = arith.cmpi slt, %arg0, %select_n3A : i32
    %gt3A = arith.cmpi sgt, %arg0, %max3A : i32
    %jit3A_48 = arith.constant 7 : i32
    %select_n3A_49 = arith.select %gt3A, %jit3A_48, %arg0 : i32
    %jit3A_50 = arith.constant 0 : i32
    %select_n3A_51 = arith.select %lt3A, %jit3A_50, %select_n3A_49 : i32
    %c0_i32 = arith.constant 0 : i32
    return %select_n3A_51, %arg1 : i32, i32
  }
}

module attributes {stable_mosaic.version = 14 : i64} {
  func.func @_mm_body(%arg0: i32, %arg1: i32, %arg2: i32, %arg3: memref<2xi32, #tpu.memory_space<smem>>, %arg4: memref<512x2048xf32, #tpu.memory_space<vmem>>, %arg5: memref<1024x2048xf32, #tpu.memory_space<vmem>>, %arg6: memref<1x1024xf32, #tpu.memory_space<vmem>>, %arg7: memref<512x1024xbf16, #tpu.memory_space<vmem>>, %arg8: memref<512x1024xf32, #tpu.memory_space<vmem>>) attributes {dimension_semantics = [#tpu.dimension_semantics<parallel>, #tpu.dimension_semantics<parallel>, #tpu.dimension_semantics<arbitrary>], iteration_bounds = array<i64: 8, 2, 2>, scalar_prefetch = 1 : i64, scratch_operands = 1 : i64, tpu.core_type = #tpu.core_type<tc>, window_params = [{transform_indices = @transform_0, window_bounds = array<i64: 512, 2048>}, {transform_indices = @transform_1, window_bounds = array<i64: 1024, 2048>}, {transform_indices = @transform_2, window_bounds = array<i64: 1, 1024>}, {transform_indices = @transform_3, window_bounds = array<i64: 512, 1024>}]} {
    %mul3A = arith.constant 512 : i32
    %mul3A_0 = arith.muli %arg0, %mul3A : i32
    %add3A = arith.constant 512 : i32
    %add3A_1 = arith.addi %mul3A_0, %add3A : i32
    %get3A = arith.constant 0 : index
    %get3A_2 = memref.load %arg3[%get3A] : memref<2xi32, #tpu.memory_space<smem>>
    %gt3A = arith.cmpi sgt, %add3A_1, %get3A_2 : i32
    %mul3A_3 = arith.constant 512 : i32
    %mul3A_4 = arith.muli %arg0, %mul3A_3 : i32
    %get3A_5 = arith.constant 1 : index
    %get3A_6 = memref.load %arg3[%get3A_5] : memref<2xi32, #tpu.memory_space<smem>>
    %lt3A = arith.cmpi slt, %mul3A_4, %get3A_6 : i32
    %and3A = arith.andi %gt3A, %lt3A : i1
    %convert_element_type3A = arith.extui %and3A : i1 to i32
    %cond3A = arith.constant 0 : i32
    %cond3A_7 = arith.cmpi ne, %convert_element_type3A, %cond3A : i32
    scf.if %cond3A_7 {
      %eq3A = arith.constant 0 : i32
      %eq3A_8 = arith.cmpi eq, %arg2, %eq3A : i32
      %convert_element_type3A_9 = arith.extui %eq3A_8 : i1 to i32
      %cond3A_10 = arith.constant 0 : i32
      %cond3A_11 = arith.cmpi ne, %convert_element_type3A_9, %cond3A_10 : i32
      scf.if %cond3A_11 {
        %broadcast_in_dim3A = arith.constant 0.000000e+00 : f32
        %broadcast_in_dim3A_32 = vector.broadcast %broadcast_in_dim3A : f32 to vector<512x1024xf32>
        %swap3A_33 = arith.constant 0 : index
        %swap3A_34 = arith.constant 0 : index
        %swap3A_35 = vector.load %arg8[%swap3A_33, %swap3A_34] : memref<512x1024xf32, #tpu.memory_space<vmem>>, vector<512x1024xf32>
        tpu.vector_store %arg8[%swap3A_33, %swap3A_34], %broadcast_in_dim3A_32 {strides = array<i32>} : memref<512x1024xf32, #tpu.memory_space<vmem>>, vector<512x1024xf32>,
      } else {
      }
      %get3A_12 = arith.constant 0 : index
      %get3A_13 = arith.constant 0 : index
      %get3A_14 = vector.load %arg4[%get3A_12, %get3A_13] : memref<512x2048xf32, #tpu.memory_space<vmem>>, vector<512x2048xf32>
      %convert_element_type3A_15 = arith.truncf %get3A_14 : vector<512x2048xf32> to vector<512x2048xbf16>
      %get3A_16 = arith.constant 0 : index
      %get3A_17 = arith.constant 0 : index
      %get3A_18 = vector.load %arg5[%get3A_16, %get3A_17] : memref<1024x2048xf32, #tpu.memory_space<vmem>>, vector<1024x2048xf32>
      %convert_element_type3A_19 = arith.truncf %get3A_18 : vector<1024x2048xf32> to vector<1024x2048xbf16>
      %get3A_20 = arith.constant 0 : index
      %get3A_21 = arith.constant 0 : index
      %get3A_22 = vector.load %arg8[%get3A_20, %get3A_21] : memref<512x1024xf32, #tpu.memory_space<vmem>>, vector<512x1024xf32>
      %dot_general3A = arith.constant dense<0.000000e+00> : vector<512x1024xf32>
      %dot_general3A_23 = tpu.matmul %convert_element_type3A_15, %convert_element_type3A_19, %dot_general3A {dimension_numbers = #tpu.dot_dimension_numbers<[1], [1], [0], [0], [0, 0, 1, 0], [], []>, transpose_lhs_hint = false} : vector<512x2048xbf16>, vector<1024x2048xbf16>, vector<512x1024xf32> -> vector<512x1024xf32>
      %add3A_24 = arith.addf %get3A_22, %dot_general3A_23 : vector<512x1024xf32>
      %swap3A = arith.constant 0 : index
      %swap3A_25 = arith.constant 0 : index
      %swap3A_26 = vector.load %arg8[%swap3A, %swap3A_25] : memref<512x1024xf32, #tpu.memory_space<vmem>>, vector<512x1024xf32>
      tpu.vector_store %arg8[%swap3A, %swap3A_25], %add3A_24 {strides = array<i32>} : memref<512x1024xf32, #tpu.memory_space<vmem>>, vector<512x1024xf32>,
      %eq3A_27 = arith.constant 1 : i32
      %eq3A_28 = arith.cmpi eq, %arg2, %eq3A_27 : i32
      %convert_element_type3A_29 = arith.extui %eq3A_28 : i1 to i32
      %cond3A_30 = arith.constant 0 : i32
      %cond3A_31 = arith.cmpi ne, %convert_element_type3A_29, %cond3A_30 : i32
      scf.if %cond3A_31 {
        %get3A_32 = arith.constant 0 : index
        %get3A_33 = arith.constant 0 : index
        %get3A_34 = vector.load %arg8[%get3A_32, %get3A_33] : memref<512x1024xf32, #tpu.memory_space<vmem>>, vector<512x1024xf32>
        %get3A_35 = arith.constant 0 : index
        %get3A_36 = arith.constant 0 : index
        %get3A_37 = vector.load %arg6[%get3A_35, %get3A_36] : memref<1x1024xf32, #tpu.memory_space<vmem>>, vector<1x1024xf32>
        %add3A_38 = vector.broadcast %get3A_37 : vector<1x1024xf32> to vector<512x1024xf32>
        %add3A_39 = arith.addf %get3A_34, %add3A_38 : vector<512x1024xf32>
        %logistic3A = arith.negf %add3A_39 : vector<512x1024xf32>
        %logistic3A_40 = math.exp %logistic3A : vector<512x1024xf32>
        %logistic3A_41 = arith.constant 1.000000e+00 : f32
        %logistic3A_42 = vector.broadcast %logistic3A_41 : f32 to vector<512x1024xf32>
        %logistic3A_43 = arith.addf %logistic3A_42, %logistic3A_40 : vector<512x1024xf32>
        %logistic3A_44 = arith.divf %logistic3A_42, %logistic3A_43 : vector<512x1024xf32>
        %convert_element_type3A_45 = arith.truncf %logistic3A_44 : vector<512x1024xf32> to vector<512x1024xbf16>
        %swap3A_46 = arith.constant 0 : index
        %swap3A_47 = arith.constant 0 : index
        %swap3A_48 = vector.load %arg7[%swap3A_46, %swap3A_47] : memref<512x1024xbf16, #tpu.memory_space<vmem>>, vector<512x1024xbf16>
        tpu.vector_store %arg7[%swap3A_46, %swap3A_47], %convert_element_type3A_45 {strides = array<i32>} : memref<512x1024xbf16, #tpu.memory_space<vmem>>, vector<512x1024xbf16>,
      } else {
      }
    } else {
    }
    return
  }
  func.func @transform_0(%arg0: i32, %arg1: i32, %arg2: i32, %arg3: memref<2xi32, #tpu.memory_space<smem>>) -> (i32, i32) {
    %get3A = arith.constant 0 : index
    %get3A_0 = memref.load %arg3[%get3A] : memref<2xi32, #tpu.memory_space<smem>>
    %jit3A = arith.constant 512 : i32
    %div3A = arith.divsi %get3A_0, %jit3A : i32
    %sign3A = arith.constant 0 : i32
    %sign3A_1 = arith.cmpi sgt, %get3A_0, %sign3A : i32
    %sign3A_2 = arith.extui %sign3A_1 : i1 to i32
    %sign3A_3 = arith.constant 0 : i32
    %sign3A_4 = arith.cmpi slt, %get3A_0, %sign3A_3 : i32
    %sign3A_5 = arith.extui %sign3A_4 : i1 to i32
    %sign3A_6 = arith.subi %sign3A_2, %sign3A_5 : i32
    %sign3A_7 = arith.constant 0 : i32
    %sign3A_8 = arith.cmpi sgt, %jit3A, %sign3A_7 : i32
    %sign3A_9 = arith.extui %sign3A_8 : i1 to i32
    %sign3A_10 = arith.constant 0 : i32
    %sign3A_11 = arith.cmpi slt, %jit3A, %sign3A_10 : i32
    %sign3A_12 = arith.extui %sign3A_11 : i1 to i32
    %sign3A_13 = arith.subi %sign3A_9, %sign3A_12 : i32
    %ne3A = arith.cmpi ne, %sign3A_6, %sign3A_13 : i32
    %rem3A = arith.remsi %get3A_0, %jit3A : i32
    %ne3A_14 = arith.constant 0 : i32
    %ne3A_15 = arith.cmpi ne, %rem3A, %ne3A_14 : i32
    %and3A = arith.andi %ne3A, %ne3A_15 : i1
    %sub3A = arith.constant 1 : i32
    %sub3A_16 = arith.subi %div3A, %sub3A : i32
    %select_n3A = arith.select %and3A, %sub3A_16, %div3A : i32
    %get3A_17 = arith.constant 1 : index
    %get3A_18 = memref.load %arg3[%get3A_17] : memref<2xi32, #tpu.memory_space<smem>>
    %add3A = arith.constant 512 : i32
    %add3A_19 = arith.addi %get3A_18, %add3A : i32
    %sub3A_20 = arith.constant 1 : i32
    %sub3A_21 = arith.subi %add3A_19, %sub3A_20 : i32
    %jit3A_22 = arith.constant 512 : i32
    %div3A_23 = arith.divsi %sub3A_21, %jit3A_22 : i32
    %sign3A_24 = arith.constant 0 : i32
    %sign3A_25 = arith.cmpi sgt, %sub3A_21, %sign3A_24 : i32
    %sign3A_26 = arith.extui %sign3A_25 : i1 to i32
    %sign3A_27 = arith.constant 0 : i32
    %sign3A_28 = arith.cmpi slt, %sub3A_21, %sign3A_27 : i32
    %sign3A_29 = arith.extui %sign3A_28 : i1 to i32
    %sign3A_30 = arith.subi %sign3A_26, %sign3A_29 : i32
    %sign3A_31 = arith.constant 0 : i32
    %sign3A_32 = arith.cmpi sgt, %jit3A_22, %sign3A_31 : i32
    %sign3A_33 = arith.extui %sign3A_32 : i1 to i32
    %sign3A_34 = arith.constant 0 : i32
    %sign3A_35 = arith.cmpi slt, %jit3A_22, %sign3A_34 : i32
    %sign3A_36 = arith.extui %sign3A_35 : i1 to i32
    %sign3A_37 = arith.subi %sign3A_33, %sign3A_36 : i32
    %ne3A_38 = arith.cmpi ne, %sign3A_30, %sign3A_37 : i32
    %rem3A_39 = arith.remsi %sub3A_21, %jit3A_22 : i32
    %ne3A_40 = arith.constant 0 : i32
    %ne3A_41 = arith.cmpi ne, %rem3A_39, %ne3A_40 : i32
    %and3A_42 = arith.andi %ne3A_38, %ne3A_41 : i1
    %sub3A_43 = arith.constant 1 : i32
    %sub3A_44 = arith.subi %div3A_23, %sub3A_43 : i32
    %select_n3A_45 = arith.select %and3A_42, %sub3A_44, %div3A_23 : i32
    %sub3A_46 = arith.constant 1 : i32
    %sub3A_47 = arith.subi %select_n3A_45, %sub3A_46 : i32
    %max3A = arith.maxsi %select_n3A, %sub3A_47 : i32
    %max3A_48 = arith.maxsi %select_n3A, %arg0 : i32
    %min3A = arith.minsi %max3A, %max3A_48 : i32
    %add3A_49 = arith.constant 0 : i32
    %add3A_50 = arith.addi %arg2, %add3A_49 : i32
    %c0_i32 = arith.constant 0 : i32
    return %min3A, %add3A_50 : i32, i32
  }
  func.func @transform_1(%arg0: i32, %arg1: i32, %arg2: i32, %arg3: memref<2xi32, #tpu.memory_space<smem>>) -> (i32, i32) {
    %c0_i32 = arith.constant 0 : i32
    return %arg1, %arg2 : i32, i32
  }
  func.func @transform_2(%arg0: i32, %arg1: i32, %arg2: i32, %arg3: memref<2xi32, #tpu.memory_space<smem>>) -> (i32, i32) {
    %c0_i32 = arith.constant 0 : i32
    %c0_i32_0 = arith.constant 0 : i32
    return %c0_i32, %arg1 : i32, i32
  }
  func.func @transform_3(%arg0: i32, %arg1: i32, %arg2: i32, %arg3: memref<2xi32, #tpu.memory_space<smem>>) -> (i32, i32) {
    %get3A = arith.constant 0 : index
    %get3A_0 = memref.load %arg3[%get3A] : memref<2xi32, #tpu.memory_space<smem>>
    %jit3A = arith.constant 512 : i32
    %div3A = arith.divsi %get3A_0, %jit3A : i32
    %sign3A = arith.constant 0 : i32
    %sign3A_1 = arith.cmpi sgt, %get3A_0, %sign3A : i32
    %sign3A_2 = arith.extui %sign3A_1 : i1 to i32
    %sign3A_3 = arith.constant 0 : i32
    %sign3A_4 = arith.cmpi slt, %get3A_0, %sign3A_3 : i32
    %sign3A_5 = arith.extui %sign3A_4 : i1 to i32
    %sign3A_6 = arith.subi %sign3A_2, %sign3A_5 : i32
    %sign3A_7 = arith.constant 0 : i32
    %sign3A_8 = arith.cmpi sgt, %jit3A, %sign3A_7 : i32
    %sign3A_9 = arith.extui %sign3A_8 : i1 to i32
    %sign3A_10 = arith.constant 0 : i32
    %sign3A_11 = arith.cmpi slt, %jit3A, %sign3A_10 : i32
    %sign3A_12 = arith.extui %sign3A_11 : i1 to i32
    %sign3A_13 = arith.subi %sign3A_9, %sign3A_12 : i32
    %ne3A = arith.cmpi ne, %sign3A_6, %sign3A_13 : i32
    %rem3A = arith.remsi %get3A_0, %jit3A : i32
    %ne3A_14 = arith.constant 0 : i32
    %ne3A_15 = arith.cmpi ne, %rem3A, %ne3A_14 : i32
    %and3A = arith.andi %ne3A, %ne3A_15 : i1
    %sub3A = arith.constant 1 : i32
    %sub3A_16 = arith.subi %div3A, %sub3A : i32
    %select_n3A = arith.select %and3A, %sub3A_16, %div3A : i32
    %get3A_17 = arith.constant 1 : index
    %get3A_18 = memref.load %arg3[%get3A_17] : memref<2xi32, #tpu.memory_space<smem>>
    %add3A = arith.constant 512 : i32
    %add3A_19 = arith.addi %get3A_18, %add3A : i32
    %sub3A_20 = arith.constant 1 : i32
    %sub3A_21 = arith.subi %add3A_19, %sub3A_20 : i32
    %jit3A_22 = arith.constant 512 : i32
    %div3A_23 = arith.divsi %sub3A_21, %jit3A_22 : i32
    %sign3A_24 = arith.constant 0 : i32
    %sign3A_25 = arith.cmpi sgt, %sub3A_21, %sign3A_24 : i32
    %sign3A_26 = arith.extui %sign3A_25 : i1 to i32
    %sign3A_27 = arith.constant 0 : i32
    %sign3A_28 = arith.cmpi slt, %sub3A_21, %sign3A_27 : i32
    %sign3A_29 = arith.extui %sign3A_28 : i1 to i32
    %sign3A_30 = arith.subi %sign3A_26, %sign3A_29 : i32
    %sign3A_31 = arith.constant 0 : i32
    %sign3A_32 = arith.cmpi sgt, %jit3A_22, %sign3A_31 : i32
    %sign3A_33 = arith.extui %sign3A_32 : i1 to i32
    %sign3A_34 = arith.constant 0 : i32
    %sign3A_35 = arith.cmpi slt, %jit3A_22, %sign3A_34 : i32
    %sign3A_36 = arith.extui %sign3A_35 : i1 to i32
    %sign3A_37 = arith.subi %sign3A_33, %sign3A_36 : i32
    %ne3A_38 = arith.cmpi ne, %sign3A_30, %sign3A_37 : i32
    %rem3A_39 = arith.remsi %sub3A_21, %jit3A_22 : i32
    %ne3A_40 = arith.constant 0 : i32
    %ne3A_41 = arith.cmpi ne, %rem3A_39, %ne3A_40 : i32
    %and3A_42 = arith.andi %ne3A_38, %ne3A_41 : i1
    %sub3A_43 = arith.constant 1 : i32
    %sub3A_44 = arith.subi %div3A_23, %sub3A_43 : i32
    %select_n3A_45 = arith.select %and3A_42, %sub3A_44, %div3A_23 : i32
    %sub3A_46 = arith.constant 1 : i32
    %sub3A_47 = arith.subi %select_n3A_45, %sub3A_46 : i32
    %max3A = arith.maxsi %select_n3A, %sub3A_47 : i32
    %lt3A = arith.cmpi slt, %arg0, %select_n3A : i32
    %gt3A = arith.cmpi sgt, %arg0, %max3A : i32
    %jit3A_48 = arith.constant 7 : i32
    %select_n3A_49 = arith.select %gt3A, %jit3A_48, %arg0 : i32
    %jit3A_50 = arith.constant 0 : i32
    %select_n3A_51 = arith.select %lt3A, %jit3A_50, %select_n3A_49 : i32
    %c0_i32 = arith.constant 0 : i32
    return %select_n3A_51, %arg1 : i32, i32
  }
}

module attributes {stable_mosaic.version = 14 : i64} {
  func.func @_mixs_body(%arg0: i32, %arg1: memref<3xi32, #tpu.memory_space<smem>>, %arg2: memref<256x2048xf32, #tpu.memory_space<vmem>>, %arg3: memref<256x2048xf32, #tpu.memory_space<vmem>>, %arg4: memref<256x128xf32, #tpu.memory_space<vmem>>, %arg5: memref<256x2048xbf16, #tpu.memory_space<vmem>>, %arg6: memref<256x2048xbf16, #tpu.memory_space<vmem>>, %arg7: memref<1x2048xf32, #tpu.memory_space<vmem>>, %arg8: memref<1x2048xf32, #tpu.memory_space<vmem>>, %arg9: memref<1x2048xf32, #tpu.memory_space<vmem>>, %arg10: memref<1x2048xf32, #tpu.memory_space<vmem>>, %arg11: memref<256x2048xbf16, #tpu.memory_space<vmem>>) attributes {dimension_semantics = [#tpu.dimension_semantics<parallel>], iteration_bounds = array<i64: 16>, scalar_prefetch = 1 : i64, scratch_operands = 0 : i64, tpu.core_type = #tpu.core_type<tc>, window_params = [{transform_indices = @transform_0, window_bounds = array<i64: 256, 2048>}, {transform_indices = @transform_1, window_bounds = array<i64: 256, 2048>}, {transform_indices = @transform_2, window_bounds = array<i64: 256, 128>}, {transform_indices = @transform_3, window_bounds = array<i64: 256, 2048>}, {transform_indices = @transform_4, window_bounds = array<i64: 256, 2048>}, {pipeline_mode = #tpu.pipeline_mode<synchronous>, transform_indices = @transform_5, window_bounds = array<i64: 1, 2048>}, {pipeline_mode = #tpu.pipeline_mode<synchronous>, transform_indices = @transform_6, window_bounds = array<i64: 1, 2048>}, {pipeline_mode = #tpu.pipeline_mode<synchronous>, transform_indices = @transform_7, window_bounds = array<i64: 1, 2048>}, {pipeline_mode = #tpu.pipeline_mode<synchronous>, transform_indices = @transform_8, window_bounds = array<i64: 1, 2048>}, {transform_indices = @transform_9, window_bounds = array<i64: 256, 2048>}]} {
    %get3A = arith.constant 2 : index
    %get3A_0 = memref.load %arg1[%get3A] : memref<3xi32, #tpu.memory_space<smem>>
    %mul3A = arith.constant 256 : i32
    %mul3A_1 = arith.muli %arg0, %mul3A : i32
    %add3A = arith.constant 256 : i32
    %add3A_2 = arith.addi %mul3A_1, %add3A : i32
    %get3A_3 = arith.constant 0 : index
    %get3A_4 = memref.load %arg1[%get3A_3] : memref<3xi32, #tpu.memory_space<smem>>
    %gt3A = arith.cmpi sgt, %add3A_2, %get3A_4 : i32
    %mul3A_5 = arith.constant 256 : i32
    %mul3A_6 = arith.muli %arg0, %mul3A_5 : i32
    %get3A_7 = arith.constant 1 : index
    %get3A_8 = memref.load %arg1[%get3A_7] : memref<3xi32, #tpu.memory_space<smem>>
    %lt3A = arith.cmpi slt, %mul3A_6, %get3A_8 : i32
    %and3A = arith.andi %gt3A, %lt3A : i1
    %convert_element_type3A = arith.extui %and3A : i1 to i32
    %cond3A = arith.constant 0 : i32
    %cond3A_9 = arith.cmpi ne, %convert_element_type3A, %cond3A : i32
    scf.if %cond3A_9 {
      %mul3A_10 = arith.constant 256 : i32
      %mul3A_11 = arith.muli %arg0, %mul3A_10 : i32
      %iota3A = tpu.iota {dimensions = array<i32: 0>} : vector<256x1xi32>
      %add3A_12 = vector.broadcast %mul3A_11 : i32 to vector<256x1xi32>
      %add3A_13 = arith.addi %add3A_12, %iota3A : vector<256x1xi32>
      %lt3A_14 = vector.broadcast %get3A_0 : i32 to vector<256x1xi32>
      %lt3A_15 = arith.cmpi slt, %add3A_13, %lt3A_14 : vector<256x1xi32>
      %get3A_16 = arith.constant 0 : index
      %get3A_17 = arith.constant 0 : index
      %get3A_18 = vector.load %arg2[%get3A_16, %get3A_17] : memref<256x2048xf32, #tpu.memory_space<vmem>>, vector<256x2048xf32>
      %get3A_19 = arith.constant 0 : index
      %get3A_20 = arith.constant 0 : index
      %get3A_21 = vector.load %arg3[%get3A_19, %get3A_20] : memref<256x2048xf32, #tpu.memory_space<vmem>>, vector<256x2048xf32>
      %get3A_22 = arith.constant 0 : index
      %get3A_23 = arith.constant 0 : index
      %get3A_24 = vector.load %arg6[%get3A_22, %get3A_23] : memref<256x2048xbf16, #tpu.memory_space<vmem>>, vector<256x2048xbf16>
      %convert_element_type3A_25 = arith.extf %get3A_24 : vector<256x2048xbf16> to vector<256x2048xf32>
      %get3A_26 = arith.constant 0 : index
      %get3A_27 = arith.constant 0 : index
      %get3A_28 = vector.load %arg4[%get3A_26, %get3A_27] : memref<256x128xf32, #tpu.memory_space<vmem>>, vector<256x1xf32>
      %get3A_29 = arith.constant 0 : index
      %get3A_30 = arith.constant 1 : index
      %get3A_31 = vector.load %arg4[%get3A_29, %get3A_30] : memref<256x128xf32, #tpu.memory_space<vmem>>, vector<256x1xf32>
      %get3A_32 = arith.constant 0 : index
      %get3A_33 = arith.constant 0 : index
      %get3A_34 = vector.load %arg5[%get3A_32, %get3A_33] : memref<256x2048xbf16, #tpu.memory_space<vmem>>, vector<256x2048xbf16>
      %convert_element_type3A_35 = arith.extf %get3A_34 : vector<256x2048xbf16> to vector<256x2048xf32>
      %mul3A_36 = vector.broadcast %get3A_28 : vector<256x1xf32> to vector<256x2048xf32>
      %mul3A_37 = arith.mulf %mul3A_36, %get3A_18 : vector<256x2048xf32>
      %mul3A_38 = vector.broadcast %get3A_31 : vector<256x1xf32> to vector<256x2048xf32>
      %mul3A_39 = arith.mulf %mul3A_38, %get3A_21 : vector<256x2048xf32>
      %add3A_40 = arith.addf %mul3A_37, %mul3A_39 : vector<256x2048xf32>
      %mul3A_41 = arith.mulf %convert_element_type3A_35, %get3A_18 : vector<256x2048xf32>
      %sub3A = arith.constant 1.000000e+00 : f32
      %sub3A_42 = vector.broadcast %sub3A : f32 to vector<256x2048xf32>
      %sub3A_43 = arith.subf %sub3A_42, %convert_element_type3A_35 : vector<256x2048xf32>
      %mul3A_44 = arith.mulf %sub3A_43, %get3A_21 : vector<256x2048xf32>
      %add3A_45 = arith.addf %mul3A_41, %mul3A_44 : vector<256x2048xf32>
      %broadcast_in_dim3A = vector.shape_cast %lt3A_15 : vector<256x1xi1> to vector<256x1xi1>
      %broadcast_in_dim3A_46 = vector.broadcast %broadcast_in_dim3A : vector<256x1xi1> to vector<256x2048xi1>
      %select_n3A = arith.select %broadcast_in_dim3A_46, %add3A_40, %add3A_45 : vector<256x2048xi1>, vector<256x2048xf32>
      %add3A_47 = arith.addf %select_n3A, %convert_element_type3A_25 : vector<256x2048xf32>
      %get3A_48 = arith.constant 0 : index
      %get3A_49 = arith.constant 0 : index
      %get3A_50 = vector.load %arg7[%get3A_48, %get3A_49] : memref<1x2048xf32, #tpu.memory_space<vmem>>, vector<1x2048xf32>
      %get3A_51 = arith.constant 0 : index
      %get3A_52 = arith.constant 0 : index
      %get3A_53 = vector.load %arg9[%get3A_51, %get3A_52] : memref<1x2048xf32, #tpu.memory_space<vmem>>, vector<1x2048xf32>
      %broadcast_in_dim3A_54 = vector.shape_cast %lt3A_15 : vector<256x1xi1> to vector<256x1xi1>
      %broadcast_in_dim3A_55 = vector.broadcast %broadcast_in_dim3A_54 : vector<256x1xi1> to vector<256x2048xi1>
      %broadcast_in_dim3A_56 = vector.shape_cast %get3A_50 : vector<1x2048xf32> to vector<1x2048xf32>
      %broadcast_in_dim3A_57 = vector.broadcast %broadcast_in_dim3A_56 : vector<1x2048xf32> to vector<256x2048xf32>
      %broadcast_in_dim3A_58 = vector.shape_cast %get3A_53 : vector<1x2048xf32> to vector<1x2048xf32>
      %broadcast_in_dim3A_59 = vector.broadcast %broadcast_in_dim3A_58 : vector<1x2048xf32> to vector<256x2048xf32>
      %select_n3A_60 = arith.select %broadcast_in_dim3A_55, %broadcast_in_dim3A_57, %broadcast_in_dim3A_59 : vector<256x2048xi1>, vector<256x2048xf32>
      %get3A_61 = arith.constant 0 : index
      %get3A_62 = arith.constant 0 : index
      %get3A_63 = vector.load %arg8[%get3A_61, %get3A_62] : memref<1x2048xf32, #tpu.memory_space<vmem>>, vector<1x2048xf32>
      %get3A_64 = arith.constant 0 : index
      %get3A_65 = arith.constant 0 : index
      %get3A_66 = vector.load %arg10[%get3A_64, %get3A_65] : memref<1x2048xf32, #tpu.memory_space<vmem>>, vector<1x2048xf32>
      %broadcast_in_dim3A_67 = vector.shape_cast %lt3A_15 : vector<256x1xi1> to vector<256x1xi1>
      %broadcast_in_dim3A_68 = vector.broadcast %broadcast_in_dim3A_67 : vector<256x1xi1> to vector<256x2048xi1>
      %broadcast_in_dim3A_69 = vector.shape_cast %get3A_63 : vector<1x2048xf32> to vector<1x2048xf32>
      %broadcast_in_dim3A_70 = vector.broadcast %broadcast_in_dim3A_69 : vector<1x2048xf32> to vector<256x2048xf32>
      %broadcast_in_dim3A_71 = vector.shape_cast %get3A_66 : vector<1x2048xf32> to vector<1x2048xf32>
      %broadcast_in_dim3A_72 = vector.broadcast %broadcast_in_dim3A_71 : vector<1x2048xf32> to vector<256x2048xf32>
      %select_n3A_73 = arith.select %broadcast_in_dim3A_68, %broadcast_in_dim3A_70, %broadcast_in_dim3A_72 : vector<256x2048xi1>, vector<256x2048xf32>
      %reduce_sum3A = arith.constant dense<0.000000e+00> : vector<256xf32>
      %reduce_sum3A_74 = vector.multi_reduction <add>, %add3A_47, %reduce_sum3A [1] : vector<256x2048xf32> to vector<256xf32>
      %broadcast_in_dim3A_75 = vector.shape_cast %reduce_sum3A_74 : vector<256xf32> to vector<256x1xf32>
      %div3A = arith.constant 2.048000e+03 : f32
      %div3A_76 = vector.broadcast %div3A : f32 to vector<256x1xf32>
      %div3A_77 = arith.divf %broadcast_in_dim3A_75, %div3A_76 : vector<256x1xf32>
      %sub3A_78 = vector.broadcast %div3A_77 : vector<256x1xf32> to vector<256x2048xf32>
      %sub3A_79 = arith.subf %add3A_47, %sub3A_78 : vector<256x2048xf32>
      %mul3A_80 = arith.mulf %sub3A_79, %sub3A_79 : vector<256x2048xf32>
      %reduce_sum3A_81 = arith.constant dense<0.000000e+00> : vector<256xf32>
      %reduce_sum3A_82 = vector.multi_reduction <add>, %mul3A_80, %reduce_sum3A_81 [1] : vector<256x2048xf32> to vector<256xf32>
      %broadcast_in_dim3A_83 = vector.shape_cast %reduce_sum3A_82 : vector<256xf32> to vector<256x1xf32>
      %div3A_84 = arith.constant 2.048000e+03 : f32
      %div3A_85 = vector.broadcast %div3A_84 : f32 to vector<256x1xf32>
      %div3A_86 = arith.divf %broadcast_in_dim3A_83, %div3A_85 : vector<256x1xf32>
      %add3A_87 = arith.constant 9.99999974E-6 : f32
      %add3A_88 = vector.broadcast %add3A_87 : f32 to vector<256x1xf32>
      %add3A_89 = arith.addf %div3A_86, %add3A_88 : vector<256x1xf32>
      %sqrt3A = math.sqrt %add3A_89 : vector<256x1xf32>
      %div3A_90 = vector.broadcast %sqrt3A : vector<256x1xf32> to vector<256x2048xf32>
      %div3A_91 = arith.divf %sub3A_79, %div3A_90 : vector<256x2048xf32>
      %mul3A_92 = arith.mulf %div3A_91, %select_n3A_60 : vector<256x2048xf32>
      %add3A_93 = arith.addf %mul3A_92, %select_n3A_73 : vector<256x2048xf32>
      %convert_element_type3A_94 = arith.truncf %add3A_93 : vector<256x2048xf32> to vector<256x2048xbf16>
      %swap3A = arith.constant 0 : index
      %swap3A_95 = arith.constant 0 : index
      %swap3A_96 = vector.load %arg11[%swap3A, %swap3A_95] : memref<256x2048xbf16, #tpu.memory_space<vmem>>, vector<256x2048xbf16>
      tpu.vector_store %arg11[%swap3A, %swap3A_95], %convert_element_type3A_94 {strides = array<i32>} : memref<256x2048xbf16, #tpu.memory_space<vmem>>, vector<256x2048xbf16>,
    } else {
    }
    return
  }
  func.func @transform_0(%arg0: i32, %arg1: memref<3xi32, #tpu.memory_space<smem>>) -> (i32, i32) {
    %get3A = arith.constant 0 : index
    %get3A_0 = memref.load %arg1[%get3A] : memref<3xi32, #tpu.memory_space<smem>>
    %jit3A = arith.constant 256 : i32
    %div3A = arith.divsi %get3A_0, %jit3A : i32
    %sign3A = arith.constant 0 : i32
    %sign3A_1 = arith.cmpi sgt, %get3A_0, %sign3A : i32
    %sign3A_2 = arith.extui %sign3A_1 : i1 to i32
    %sign3A_3 = arith.constant 0 : i32
    %sign3A_4 = arith.cmpi slt, %get3A_0, %sign3A_3 : i32
    %sign3A_5 = arith.extui %sign3A_4 : i1 to i32
    %sign3A_6 = arith.subi %sign3A_2, %sign3A_5 : i32
    %sign3A_7 = arith.constant 0 : i32
    %sign3A_8 = arith.cmpi sgt, %jit3A, %sign3A_7 : i32
    %sign3A_9 = arith.extui %sign3A_8 : i1 to i32
    %sign3A_10 = arith.constant 0 : i32
    %sign3A_11 = arith.cmpi slt, %jit3A, %sign3A_10 : i32
    %sign3A_12 = arith.extui %sign3A_11 : i1 to i32
    %sign3A_13 = arith.subi %sign3A_9, %sign3A_12 : i32
    %ne3A = arith.cmpi ne, %sign3A_6, %sign3A_13 : i32
    %rem3A = arith.remsi %get3A_0, %jit3A : i32
    %ne3A_14 = arith.constant 0 : i32
    %ne3A_15 = arith.cmpi ne, %rem3A, %ne3A_14 : i32
    %and3A = arith.andi %ne3A, %ne3A_15 : i1
    %sub3A = arith.constant 1 : i32
    %sub3A_16 = arith.subi %div3A, %sub3A : i32
    %select_n3A = arith.select %and3A, %sub3A_16, %div3A : i32
    %get3A_17 = arith.constant 1 : index
    %get3A_18 = memref.load %arg1[%get3A_17] : memref<3xi32, #tpu.memory_space<smem>>
    %add3A = arith.constant 256 : i32
    %add3A_19 = arith.addi %get3A_18, %add3A : i32
    %sub3A_20 = arith.constant 1 : i32
    %sub3A_21 = arith.subi %add3A_19, %sub3A_20 : i32
    %jit3A_22 = arith.constant 256 : i32
    %div3A_23 = arith.divsi %sub3A_21, %jit3A_22 : i32
    %sign3A_24 = arith.constant 0 : i32
    %sign3A_25 = arith.cmpi sgt, %sub3A_21, %sign3A_24 : i32
    %sign3A_26 = arith.extui %sign3A_25 : i1 to i32
    %sign3A_27 = arith.constant 0 : i32
    %sign3A_28 = arith.cmpi slt, %sub3A_21, %sign3A_27 : i32
    %sign3A_29 = arith.extui %sign3A_28 : i1 to i32
    %sign3A_30 = arith.subi %sign3A_26, %sign3A_29 : i32
    %sign3A_31 = arith.constant 0 : i32
    %sign3A_32 = arith.cmpi sgt, %jit3A_22, %sign3A_31 : i32
    %sign3A_33 = arith.extui %sign3A_32 : i1 to i32
    %sign3A_34 = arith.constant 0 : i32
    %sign3A_35 = arith.cmpi slt, %jit3A_22, %sign3A_34 : i32
    %sign3A_36 = arith.extui %sign3A_35 : i1 to i32
    %sign3A_37 = arith.subi %sign3A_33, %sign3A_36 : i32
    %ne3A_38 = arith.cmpi ne, %sign3A_30, %sign3A_37 : i32
    %rem3A_39 = arith.remsi %sub3A_21, %jit3A_22 : i32
    %ne3A_40 = arith.constant 0 : i32
    %ne3A_41 = arith.cmpi ne, %rem3A_39, %ne3A_40 : i32
    %and3A_42 = arith.andi %ne3A_38, %ne3A_41 : i1
    %sub3A_43 = arith.constant 1 : i32
    %sub3A_44 = arith.subi %div3A_23, %sub3A_43 : i32
    %select_n3A_45 = arith.select %and3A_42, %sub3A_44, %div3A_23 : i32
    %sub3A_46 = arith.constant 1 : i32
    %sub3A_47 = arith.subi %select_n3A_45, %sub3A_46 : i32
    %max3A = arith.maxsi %select_n3A, %sub3A_47 : i32
    %max3A_48 = arith.maxsi %select_n3A, %arg0 : i32
    %min3A = arith.minsi %max3A, %max3A_48 : i32
    %c0_i32 = arith.constant 0 : i32
    %c0_i32_49 = arith.constant 0 : i32
    return %min3A, %c0_i32 : i32, i32
  }
  func.func @transform_1(%arg0: i32, %arg1: memref<3xi32, #tpu.memory_space<smem>>) -> (i32, i32) {
    %get3A = arith.constant 0 : index
    %get3A_0 = memref.load %arg1[%get3A] : memref<3xi32, #tpu.memory_space<smem>>
    %jit3A = arith.constant 256 : i32
    %div3A = arith.divsi %get3A_0, %jit3A : i32
    %sign3A = arith.constant 0 : i32
    %sign3A_1 = arith.cmpi sgt, %get3A_0, %sign3A : i32
    %sign3A_2 = arith.extui %sign3A_1 : i1 to i32
    %sign3A_3 = arith.constant 0 : i32
    %sign3A_4 = arith.cmpi slt, %get3A_0, %sign3A_3 : i32
    %sign3A_5 = arith.extui %sign3A_4 : i1 to i32
    %sign3A_6 = arith.subi %sign3A_2, %sign3A_5 : i32
    %sign3A_7 = arith.constant 0 : i32
    %sign3A_8 = arith.cmpi sgt, %jit3A, %sign3A_7 : i32
    %sign3A_9 = arith.extui %sign3A_8 : i1 to i32
    %sign3A_10 = arith.constant 0 : i32
    %sign3A_11 = arith.cmpi slt, %jit3A, %sign3A_10 : i32
    %sign3A_12 = arith.extui %sign3A_11 : i1 to i32
    %sign3A_13 = arith.subi %sign3A_9, %sign3A_12 : i32
    %ne3A = arith.cmpi ne, %sign3A_6, %sign3A_13 : i32
    %rem3A = arith.remsi %get3A_0, %jit3A : i32
    %ne3A_14 = arith.constant 0 : i32
    %ne3A_15 = arith.cmpi ne, %rem3A, %ne3A_14 : i32
    %and3A = arith.andi %ne3A, %ne3A_15 : i1
    %sub3A = arith.constant 1 : i32
    %sub3A_16 = arith.subi %div3A, %sub3A : i32
    %select_n3A = arith.select %and3A, %sub3A_16, %div3A : i32
    %get3A_17 = arith.constant 1 : index
    %get3A_18 = memref.load %arg1[%get3A_17] : memref<3xi32, #tpu.memory_space<smem>>
    %add3A = arith.constant 256 : i32
    %add3A_19 = arith.addi %get3A_18, %add3A : i32
    %sub3A_20 = arith.constant 1 : i32
    %sub3A_21 = arith.subi %add3A_19, %sub3A_20 : i32
    %jit3A_22 = arith.constant 256 : i32
    %div3A_23 = arith.divsi %sub3A_21, %jit3A_22 : i32
    %sign3A_24 = arith.constant 0 : i32
    %sign3A_25 = arith.cmpi sgt, %sub3A_21, %sign3A_24 : i32
    %sign3A_26 = arith.extui %sign3A_25 : i1 to i32
    %sign3A_27 = arith.constant 0 : i32
    %sign3A_28 = arith.cmpi slt, %sub3A_21, %sign3A_27 : i32
    %sign3A_29 = arith.extui %sign3A_28 : i1 to i32
    %sign3A_30 = arith.subi %sign3A_26, %sign3A_29 : i32
    %sign3A_31 = arith.constant 0 : i32
    %sign3A_32 = arith.cmpi sgt, %jit3A_22, %sign3A_31 : i32
    %sign3A_33 = arith.extui %sign3A_32 : i1 to i32
    %sign3A_34 = arith.constant 0 : i32
    %sign3A_35 = arith.cmpi slt, %jit3A_22, %sign3A_34 : i32
    %sign3A_36 = arith.extui %sign3A_35 : i1 to i32
    %sign3A_37 = arith.subi %sign3A_33, %sign3A_36 : i32
    %ne3A_38 = arith.cmpi ne, %sign3A_30, %sign3A_37 : i32
    %rem3A_39 = arith.remsi %sub3A_21, %jit3A_22 : i32
    %ne3A_40 = arith.constant 0 : i32
    %ne3A_41 = arith.cmpi ne, %rem3A_39, %ne3A_40 : i32
    %and3A_42 = arith.andi %ne3A_38, %ne3A_41 : i1
    %sub3A_43 = arith.constant 1 : i32
    %sub3A_44 = arith.subi %div3A_23, %sub3A_43 : i32
    %select_n3A_45 = arith.select %and3A_42, %sub3A_44, %div3A_23 : i32
    %sub3A_46 = arith.constant 1 : i32
    %sub3A_47 = arith.subi %select_n3A_45, %sub3A_46 : i32
    %max3A = arith.maxsi %select_n3A, %sub3A_47 : i32
    %max3A_48 = arith.maxsi %select_n3A, %arg0 : i32
    %min3A = arith.minsi %max3A, %max3A_48 : i32
    %c1_i32 = arith.constant 1 : i32
    %c0_i32 = arith.constant 0 : i32
    return %min3A, %c1_i32 : i32, i32
  }
  func.func @transform_2(%arg0: i32, %arg1: memref<3xi32, #tpu.memory_space<smem>>) -> (i32, i32) {
    %get3A = arith.constant 0 : index
    %get3A_0 = memref.load %arg1[%get3A] : memref<3xi32, #tpu.memory_space<smem>>
    %jit3A = arith.constant 256 : i32
    %div3A = arith.divsi %get3A_0, %jit3A : i32
    %sign3A = arith.constant 0 : i32
    %sign3A_1 = arith.cmpi sgt, %get3A_0, %sign3A : i32
    %sign3A_2 = arith.extui %sign3A_1 : i1 to i32
    %sign3A_3 = arith.constant 0 : i32
    %sign3A_4 = arith.cmpi slt, %get3A_0, %sign3A_3 : i32
    %sign3A_5 = arith.extui %sign3A_4 : i1 to i32
    %sign3A_6 = arith.subi %sign3A_2, %sign3A_5 : i32
    %sign3A_7 = arith.constant 0 : i32
    %sign3A_8 = arith.cmpi sgt, %jit3A, %sign3A_7 : i32
    %sign3A_9 = arith.extui %sign3A_8 : i1 to i32
    %sign3A_10 = arith.constant 0 : i32
    %sign3A_11 = arith.cmpi slt, %jit3A, %sign3A_10 : i32
    %sign3A_12 = arith.extui %sign3A_11 : i1 to i32
    %sign3A_13 = arith.subi %sign3A_9, %sign3A_12 : i32
    %ne3A = arith.cmpi ne, %sign3A_6, %sign3A_13 : i32
    %rem3A = arith.remsi %get3A_0, %jit3A : i32
    %ne3A_14 = arith.constant 0 : i32
    %ne3A_15 = arith.cmpi ne, %rem3A, %ne3A_14 : i32
    %and3A = arith.andi %ne3A, %ne3A_15 : i1
    %sub3A = arith.constant 1 : i32
    %sub3A_16 = arith.subi %div3A, %sub3A : i32
    %select_n3A = arith.select %and3A, %sub3A_16, %div3A : i32
    %get3A_17 = arith.constant 1 : index
    %get3A_18 = memref.load %arg1[%get3A_17] : memref<3xi32, #tpu.memory_space<smem>>
    %add3A = arith.constant 256 : i32
    %add3A_19 = arith.addi %get3A_18, %add3A : i32
    %sub3A_20 = arith.constant 1 : i32
    %sub3A_21 = arith.subi %add3A_19, %sub3A_20 : i32
    %jit3A_22 = arith.constant 256 : i32
    %div3A_23 = arith.divsi %sub3A_21, %jit3A_22 : i32
    %sign3A_24 = arith.constant 0 : i32
    %sign3A_25 = arith.cmpi sgt, %sub3A_21, %sign3A_24 : i32
    %sign3A_26 = arith.extui %sign3A_25 : i1 to i32
    %sign3A_27 = arith.constant 0 : i32
    %sign3A_28 = arith.cmpi slt, %sub3A_21, %sign3A_27 : i32
    %sign3A_29 = arith.extui %sign3A_28 : i1 to i32
    %sign3A_30 = arith.subi %sign3A_26, %sign3A_29 : i32
    %sign3A_31 = arith.constant 0 : i32
    %sign3A_32 = arith.cmpi sgt, %jit3A_22, %sign3A_31 : i32
    %sign3A_33 = arith.extui %sign3A_32 : i1 to i32
    %sign3A_34 = arith.constant 0 : i32
    %sign3A_35 = arith.cmpi slt, %jit3A_22, %sign3A_34 : i32
    %sign3A_36 = arith.extui %sign3A_35 : i1 to i32
    %sign3A_37 = arith.subi %sign3A_33, %sign3A_36 : i32
    %ne3A_38 = arith.cmpi ne, %sign3A_30, %sign3A_37 : i32
    %rem3A_39 = arith.remsi %sub3A_21, %jit3A_22 : i32
    %ne3A_40 = arith.constant 0 : i32
    %ne3A_41 = arith.cmpi ne, %rem3A_39, %ne3A_40 : i32
    %and3A_42 = arith.andi %ne3A_38, %ne3A_41 : i1
    %sub3A_43 = arith.constant 1 : i32
    %sub3A_44 = arith.subi %div3A_23, %sub3A_43 : i32
    %select_n3A_45 = arith.select %and3A_42, %sub3A_44, %div3A_23 : i32
    %sub3A_46 = arith.constant 1 : i32
    %sub3A_47 = arith.subi %select_n3A_45, %sub3A_46 : i32
    %max3A = arith.maxsi %select_n3A, %sub3A_47 : i32
    %max3A_48 = arith.maxsi %select_n3A, %arg0 : i32
    %min3A = arith.minsi %max3A, %max3A_48 : i32
    %c0_i32 = arith.constant 0 : i32
    %c0_i32_49 = arith.constant 0 : i32
    return %min3A, %c0_i32 : i32, i32
  }
  func.func @transform_3(%arg0: i32, %arg1: memref<3xi32, #tpu.memory_space<smem>>) -> (i32, i32) {
    %get3A = arith.constant 0 : index
    %get3A_0 = memref.load %arg1[%get3A] : memref<3xi32, #tpu.memory_space<smem>>
    %jit3A = arith.constant 256 : i32
    %div3A = arith.divsi %get3A_0, %jit3A : i32
    %sign3A = arith.constant 0 : i32
    %sign3A_1 = arith.cmpi sgt, %get3A_0, %sign3A : i32
    %sign3A_2 = arith.extui %sign3A_1 : i1 to i32
    %sign3A_3 = arith.constant 0 : i32
    %sign3A_4 = arith.cmpi slt, %get3A_0, %sign3A_3 : i32
    %sign3A_5 = arith.extui %sign3A_4 : i1 to i32
    %sign3A_6 = arith.subi %sign3A_2, %sign3A_5 : i32
    %sign3A_7 = arith.constant 0 : i32
    %sign3A_8 = arith.cmpi sgt, %jit3A, %sign3A_7 : i32
    %sign3A_9 = arith.extui %sign3A_8 : i1 to i32
    %sign3A_10 = arith.constant 0 : i32
    %sign3A_11 = arith.cmpi slt, %jit3A, %sign3A_10 : i32
    %sign3A_12 = arith.extui %sign3A_11 : i1 to i32
    %sign3A_13 = arith.subi %sign3A_9, %sign3A_12 : i32
    %ne3A = arith.cmpi ne, %sign3A_6, %sign3A_13 : i32
    %rem3A = arith.remsi %get3A_0, %jit3A : i32
    %ne3A_14 = arith.constant 0 : i32
    %ne3A_15 = arith.cmpi ne, %rem3A, %ne3A_14 : i32
    %and3A = arith.andi %ne3A, %ne3A_15 : i1
    %sub3A = arith.constant 1 : i32
    %sub3A_16 = arith.subi %div3A, %sub3A : i32
    %select_n3A = arith.select %and3A, %sub3A_16, %div3A : i32
    %get3A_17 = arith.constant 1 : index
    %get3A_18 = memref.load %arg1[%get3A_17] : memref<3xi32, #tpu.memory_space<smem>>
    %add3A = arith.constant 256 : i32
    %add3A_19 = arith.addi %get3A_18, %add3A : i32
    %sub3A_20 = arith.constant 1 : i32
    %sub3A_21 = arith.subi %add3A_19, %sub3A_20 : i32
    %jit3A_22 = arith.constant 256 : i32
    %div3A_23 = arith.divsi %sub3A_21, %jit3A_22 : i32
    %sign3A_24 = arith.constant 0 : i32
    %sign3A_25 = arith.cmpi sgt, %sub3A_21, %sign3A_24 : i32
    %sign3A_26 = arith.extui %sign3A_25 : i1 to i32
    %sign3A_27 = arith.constant 0 : i32
    %sign3A_28 = arith.cmpi slt, %sub3A_21, %sign3A_27 : i32
    %sign3A_29 = arith.extui %sign3A_28 : i1 to i32
    %sign3A_30 = arith.subi %sign3A_26, %sign3A_29 : i32
    %sign3A_31 = arith.constant 0 : i32
    %sign3A_32 = arith.cmpi sgt, %jit3A_22, %sign3A_31 : i32
    %sign3A_33 = arith.extui %sign3A_32 : i1 to i32
    %sign3A_34 = arith.constant 0 : i32
    %sign3A_35 = arith.cmpi slt, %jit3A_22, %sign3A_34 : i32
    %sign3A_36 = arith.extui %sign3A_35 : i1 to i32
    %sign3A_37 = arith.subi %sign3A_33, %sign3A_36 : i32
    %ne3A_38 = arith.cmpi ne, %sign3A_30, %sign3A_37 : i32
    %rem3A_39 = arith.remsi %sub3A_21, %jit3A_22 : i32
    %ne3A_40 = arith.constant 0 : i32
    %ne3A_41 = arith.cmpi ne, %rem3A_39, %ne3A_40 : i32
    %and3A_42 = arith.andi %ne3A_38, %ne3A_41 : i1
    %sub3A_43 = arith.constant 1 : i32
    %sub3A_44 = arith.subi %div3A_23, %sub3A_43 : i32
    %select_n3A_45 = arith.select %and3A_42, %sub3A_44, %div3A_23 : i32
    %sub3A_46 = arith.constant 1 : i32
    %sub3A_47 = arith.subi %select_n3A_45, %sub3A_46 : i32
    %max3A = arith.maxsi %select_n3A, %sub3A_47 : i32
    %max3A_48 = arith.maxsi %select_n3A, %arg0 : i32
    %min3A = arith.minsi %max3A, %max3A_48 : i32
    %c0_i32 = arith.constant 0 : i32
    %c0_i32_49 = arith.constant 0 : i32
    return %min3A, %c0_i32 : i32, i32
  }
  func.func @transform_4(%arg0: i32, %arg1: memref<3xi32, #tpu.memory_space<smem>>) -> (i32, i32) {
    %get3A = arith.constant 0 : index
    %get3A_0 = memref.load %arg1[%get3A] : memref<3xi32, #tpu.memory_space<smem>>
    %jit3A = arith.constant 256 : i32
    %div3A = arith.divsi %get3A_0, %jit3A : i32
    %sign3A = arith.constant 0 : i32
    %sign3A_1 = arith.cmpi sgt, %get3A_0, %sign3A : i32
    %sign3A_2 = arith.extui %sign3A_1 : i1 to i32
    %sign3A_3 = arith.constant 0 : i32
    %sign3A_4 = arith.cmpi slt, %get3A_0, %sign3A_3 : i32
    %sign3A_5 = arith.extui %sign3A_4 : i1 to i32
    %sign3A_6 = arith.subi %sign3A_2, %sign3A_5 : i32
    %sign3A_7 = arith.constant 0 : i32
    %sign3A_8 = arith.cmpi sgt, %jit3A, %sign3A_7 : i32
    %sign3A_9 = arith.extui %sign3A_8 : i1 to i32
    %sign3A_10 = arith.constant 0 : i32
    %sign3A_11 = arith.cmpi slt, %jit3A, %sign3A_10 : i32
    %sign3A_12 = arith.extui %sign3A_11 : i1 to i32
    %sign3A_13 = arith.subi %sign3A_9, %sign3A_12 : i32
    %ne3A = arith.cmpi ne, %sign3A_6, %sign3A_13 : i32
    %rem3A = arith.remsi %get3A_0, %jit3A : i32
    %ne3A_14 = arith.constant 0 : i32
    %ne3A_15 = arith.cmpi ne, %rem3A, %ne3A_14 : i32
    %and3A = arith.andi %ne3A, %ne3A_15 : i1
    %sub3A = arith.constant 1 : i32
    %sub3A_16 = arith.subi %div3A, %sub3A : i32
    %select_n3A = arith.select %and3A, %sub3A_16, %div3A : i32
    %get3A_17 = arith.constant 1 : index
    %get3A_18 = memref.load %arg1[%get3A_17] : memref<3xi32, #tpu.memory_space<smem>>
    %add3A = arith.constant 256 : i32
    %add3A_19 = arith.addi %get3A_18, %add3A : i32
    %sub3A_20 = arith.constant 1 : i32
    %sub3A_21 = arith.subi %add3A_19, %sub3A_20 : i32
    %jit3A_22 = arith.constant 256 : i32
    %div3A_23 = arith.divsi %sub3A_21, %jit3A_22 : i32
    %sign3A_24 = arith.constant 0 : i32
    %sign3A_25 = arith.cmpi sgt, %sub3A_21, %sign3A_24 : i32
    %sign3A_26 = arith.extui %sign3A_25 : i1 to i32
    %sign3A_27 = arith.constant 0 : i32
    %sign3A_28 = arith.cmpi slt, %sub3A_21, %sign3A_27 : i32
    %sign3A_29 = arith.extui %sign3A_28 : i1 to i32
    %sign3A_30 = arith.subi %sign3A_26, %sign3A_29 : i32
    %sign3A_31 = arith.constant 0 : i32
    %sign3A_32 = arith.cmpi sgt, %jit3A_22, %sign3A_31 : i32
    %sign3A_33 = arith.extui %sign3A_32 : i1 to i32
    %sign3A_34 = arith.constant 0 : i32
    %sign3A_35 = arith.cmpi slt, %jit3A_22, %sign3A_34 : i32
    %sign3A_36 = arith.extui %sign3A_35 : i1 to i32
    %sign3A_37 = arith.subi %sign3A_33, %sign3A_36 : i32
    %ne3A_38 = arith.cmpi ne, %sign3A_30, %sign3A_37 : i32
    %rem3A_39 = arith.remsi %sub3A_21, %jit3A_22 : i32
    %ne3A_40 = arith.constant 0 : i32
    %ne3A_41 = arith.cmpi ne, %rem3A_39, %ne3A_40 : i32
    %and3A_42 = arith.andi %ne3A_38, %ne3A_41 : i1
    %sub3A_43 = arith.constant 1 : i32
    %sub3A_44 = arith.subi %div3A_23, %sub3A_43 : i32
    %select_n3A_45 = arith.select %and3A_42, %sub3A_44, %div3A_23 : i32
    %sub3A_46 = arith.constant 1 : i32
    %sub3A_47 = arith.subi %select_n3A_45, %sub3A_46 : i32
    %max3A = arith.maxsi %select_n3A, %sub3A_47 : i32
    %max3A_48 = arith.maxsi %select_n3A, %arg0 : i32
    %min3A = arith.minsi %max3A, %max3A_48 : i32
    %c0_i32 = arith.constant 0 : i32
    %c0_i32_49 = arith.constant 0 : i32
    return %min3A, %c0_i32 : i32, i32
  }
  func.func @transform_5(%arg0: i32, %arg1: memref<3xi32, #tpu.memory_space<smem>>) -> (i32, i32) {
    %c0_i32 = arith.constant 0 : i32
    %c0_i32_0 = arith.constant 0 : i32
    %c0_i32_1 = arith.constant 0 : i32
    return %c0_i32, %c0_i32_0 : i32, i32
  }
  func.func @transform_6(%arg0: i32, %arg1: memref<3xi32, #tpu.memory_space<smem>>) -> (i32, i32) {
    %c0_i32 = arith.constant 0 : i32
    %c0_i32_0 = arith.constant 0 : i32
    %c0_i32_1 = arith.constant 0 : i32
    return %c0_i32, %c0_i32_0 : i32, i32
  }
  func.func @transform_7(%arg0: i32, %arg1: memref<3xi32, #tpu.memory_space<smem>>) -> (i32, i32) {
    %c0_i32 = arith.constant 0 : i32
    %c0_i32_0 = arith.constant 0 : i32
    %c0_i32_1 = arith.constant 0 : i32
    return %c0_i32, %c0_i32_0 : i32, i32
  }
  func.func @transform_8(%arg0: i32, %arg1: memref<3xi32, #tpu.memory_space<smem>>) -> (i32, i32) {
    %c0_i32 = arith.constant 0 : i32
    %c0_i32_0 = arith.constant 0 : i32
    %c0_i32_1 = arith.constant 0 : i32
    return %c0_i32, %c0_i32_0 : i32, i32
  }
  func.func @transform_9(%arg0: i32, %arg1: memref<3xi32, #tpu.memory_space<smem>>) -> (i32, i32) {
    %get3A = arith.constant 0 : index
    %get3A_0 = memref.load %arg1[%get3A] : memref<3xi32, #tpu.memory_space<smem>>
    %jit3A = arith.constant 256 : i32
    %div3A = arith.divsi %get3A_0, %jit3A : i32
    %sign3A = arith.constant 0 : i32
    %sign3A_1 = arith.cmpi sgt, %get3A_0, %sign3A : i32
    %sign3A_2 = arith.extui %sign3A_1 : i1 to i32
    %sign3A_3 = arith.constant 0 : i32
    %sign3A_4 = arith.cmpi slt, %get3A_0, %sign3A_3 : i32
    %sign3A_5 = arith.extui %sign3A_4 : i1 to i32
    %sign3A_6 = arith.subi %sign3A_2, %sign3A_5 : i32
    %sign3A_7 = arith.constant 0 : i32
    %sign3A_8 = arith.cmpi sgt, %jit3A, %sign3A_7 : i32
    %sign3A_9 = arith.extui %sign3A_8 : i1 to i32
    %sign3A_10 = arith.constant 0 : i32
    %sign3A_11 = arith.cmpi slt, %jit3A, %sign3A_10 : i32
    %sign3A_12 = arith.extui %sign3A_11 : i1 to i32
    %sign3A_13 = arith.subi %sign3A_9, %sign3A_12 : i32
    %ne3A = arith.cmpi ne, %sign3A_6, %sign3A_13 : i32
    %rem3A = arith.remsi %get3A_0, %jit3A : i32
    %ne3A_14 = arith.constant 0 : i32
    %ne3A_15 = arith.cmpi ne, %rem3A, %ne3A_14 : i32
    %and3A = arith.andi %ne3A, %ne3A_15 : i1
    %sub3A = arith.constant 1 : i32
    %sub3A_16 = arith.subi %div3A, %sub3A : i32
    %select_n3A = arith.select %and3A, %sub3A_16, %div3A : i32
    %get3A_17 = arith.constant 1 : index
    %get3A_18 = memref.load %arg1[%get3A_17] : memref<3xi32, #tpu.memory_space<smem>>
    %add3A = arith.constant 256 : i32
    %add3A_19 = arith.addi %get3A_18, %add3A : i32
    %sub3A_20 = arith.constant 1 : i32
    %sub3A_21 = arith.subi %add3A_19, %sub3A_20 : i32
    %jit3A_22 = arith.constant 256 : i32
    %div3A_23 = arith.divsi %sub3A_21, %jit3A_22 : i32
    %sign3A_24 = arith.constant 0 : i32
    %sign3A_25 = arith.cmpi sgt, %sub3A_21, %sign3A_24 : i32
    %sign3A_26 = arith.extui %sign3A_25 : i1 to i32
    %sign3A_27 = arith.constant 0 : i32
    %sign3A_28 = arith.cmpi slt, %sub3A_21, %sign3A_27 : i32
    %sign3A_29 = arith.extui %sign3A_28 : i1 to i32
    %sign3A_30 = arith.subi %sign3A_26, %sign3A_29 : i32
    %sign3A_31 = arith.constant 0 : i32
    %sign3A_32 = arith.cmpi sgt, %jit3A_22, %sign3A_31 : i32
    %sign3A_33 = arith.extui %sign3A_32 : i1 to i32
    %sign3A_34 = arith.constant 0 : i32
    %sign3A_35 = arith.cmpi slt, %jit3A_22, %sign3A_34 : i32
    %sign3A_36 = arith.extui %sign3A_35 : i1 to i32
    %sign3A_37 = arith.subi %sign3A_33, %sign3A_36 : i32
    %ne3A_38 = arith.cmpi ne, %sign3A_30, %sign3A_37 : i32
    %rem3A_39 = arith.remsi %sub3A_21, %jit3A_22 : i32
    %ne3A_40 = arith.constant 0 : i32
    %ne3A_41 = arith.cmpi ne, %rem3A_39, %ne3A_40 : i32
    %and3A_42 = arith.andi %ne3A_38, %ne3A_41 : i1
    %sub3A_43 = arith.constant 1 : i32
    %sub3A_44 = arith.subi %div3A_23, %sub3A_43 : i32
    %select_n3A_45 = arith.select %and3A_42, %sub3A_44, %div3A_23 : i32
    %sub3A_46 = arith.constant 1 : i32
    %sub3A_47 = arith.subi %select_n3A_45, %sub3A_46 : i32
    %max3A = arith.maxsi %select_n3A, %sub3A_47 : i32
    %lt3A = arith.cmpi slt, %arg0, %select_n3A : i32
    %gt3A = arith.cmpi sgt, %arg0, %max3A : i32
    %jit3A_48 = arith.constant 15 : i32
    %select_n3A_49 = arith.select %gt3A, %jit3A_48, %arg0 : i32
    %jit3A_50 = arith.constant 0 : i32
    %select_n3A_51 = arith.select %lt3A, %jit3A_50, %select_n3A_49 : i32
    %c0_i32 = arith.constant 0 : i32
    %c0_i32_52 = arith.constant 0 : i32
    return %select_n3A_51, %c0_i32 : i32, i32
  }
}

module attributes {stable_mosaic.version = 14 : i64} {
  func.func @_mm_body(%arg0: i32, %arg1: i32, %arg2: i32, %arg3: memref<2xi32, #tpu.memory_space<smem>>, %arg4: memref<512x2048xbf16, #tpu.memory_space<vmem>>, %arg5: memref<1024x2048xf32, #tpu.memory_space<vmem>>, %arg6: memref<1x1024xf32, #tpu.memory_space<vmem>>, %arg7: memref<512x1024xbf16, #tpu.memory_space<vmem>>, %arg8: memref<512x1024xf32, #tpu.memory_space<vmem>>) attributes {dimension_semantics = [#tpu.dimension_semantics<parallel>, #tpu.dimension_semantics<parallel>, #tpu.dimension_semantics<arbitrary>], iteration_bounds = array<i64: 8, 8, 1>, scalar_prefetch = 1 : i64, scratch_operands = 1 : i64, tpu.core_type = #tpu.core_type<tc>, window_params = [{transform_indices = @transform_0, window_bounds = array<i64: 512, 2048>}, {transform_indices = @transform_1, window_bounds = array<i64: 1024, 2048>}, {transform_indices = @transform_2, window_bounds = array<i64: 1, 1024>}, {transform_indices = @transform_3, window_bounds = array<i64: 512, 1024>}]} {
    %mul3A = arith.constant 512 : i32
    %mul3A_0 = arith.muli %arg0, %mul3A : i32
    %add3A = arith.constant 512 : i32
    %add3A_1 = arith.addi %mul3A_0, %add3A : i32
    %get3A = arith.constant 0 : index
    %get3A_2 = memref.load %arg3[%get3A] : memref<2xi32, #tpu.memory_space<smem>>
    %gt3A = arith.cmpi sgt, %add3A_1, %get3A_2 : i32
    %mul3A_3 = arith.constant 512 : i32
    %mul3A_4 = arith.muli %arg0, %mul3A_3 : i32
    %get3A_5 = arith.constant 1 : index
    %get3A_6 = memref.load %arg3[%get3A_5] : memref<2xi32, #tpu.memory_space<smem>>
    %lt3A = arith.cmpi slt, %mul3A_4, %get3A_6 : i32
    %and3A = arith.andi %gt3A, %lt3A : i1
    %convert_element_type3A = arith.extui %and3A : i1 to i32
    %cond3A = arith.constant 0 : i32
    %cond3A_7 = arith.cmpi ne, %convert_element_type3A, %cond3A : i32
    scf.if %cond3A_7 {
      %eq3A = arith.constant 0 : i32
      %eq3A_8 = arith.cmpi eq, %arg2, %eq3A : i32
      %convert_element_type3A_9 = arith.extui %eq3A_8 : i1 to i32
      %cond3A_10 = arith.constant 0 : i32
      %cond3A_11 = arith.cmpi ne, %convert_element_type3A_9, %cond3A_10 : i32
      scf.if %cond3A_11 {
        %broadcast_in_dim3A = arith.constant 0.000000e+00 : f32
        %broadcast_in_dim3A_31 = vector.broadcast %broadcast_in_dim3A : f32 to vector<512x1024xf32>
        %swap3A_32 = arith.constant 0 : index
        %swap3A_33 = arith.constant 0 : index
        %swap3A_34 = vector.load %arg8[%swap3A_32, %swap3A_33] : memref<512x1024xf32, #tpu.memory_space<vmem>>, vector<512x1024xf32>
        tpu.vector_store %arg8[%swap3A_32, %swap3A_33], %broadcast_in_dim3A_31 {strides = array<i32>} : memref<512x1024xf32, #tpu.memory_space<vmem>>, vector<512x1024xf32>,
      } else {
      }
      %get3A_12 = arith.constant 0 : index
      %get3A_13 = arith.constant 0 : index
      %get3A_14 = vector.load %arg4[%get3A_12, %get3A_13] : memref<512x2048xbf16, #tpu.memory_space<vmem>>, vector<512x2048xbf16>
      %get3A_15 = arith.constant 0 : index
      %get3A_16 = arith.constant 0 : index
      %get3A_17 = vector.load %arg5[%get3A_15, %get3A_16] : memref<1024x2048xf32, #tpu.memory_space<vmem>>, vector<1024x2048xf32>
      %convert_element_type3A_18 = arith.truncf %get3A_17 : vector<1024x2048xf32> to vector<1024x2048xbf16>
      %get3A_19 = arith.constant 0 : index
      %get3A_20 = arith.constant 0 : index
      %get3A_21 = vector.load %arg8[%get3A_19, %get3A_20] : memref<512x1024xf32, #tpu.memory_space<vmem>>, vector<512x1024xf32>
      %dot_general3A = arith.constant dense<0.000000e+00> : vector<512x1024xf32>
      %dot_general3A_22 = tpu.matmul %get3A_14, %convert_element_type3A_18, %dot_general3A {dimension_numbers = #tpu.dot_dimension_numbers<[1], [1], [0], [0], [0, 0, 1, 0], [], []>, transpose_lhs_hint = false} : vector<512x2048xbf16>, vector<1024x2048xbf16>, vector<512x1024xf32> -> vector<512x1024xf32>
      %add3A_23 = arith.addf %get3A_21, %dot_general3A_22 : vector<512x1024xf32>
      %swap3A = arith.constant 0 : index
      %swap3A_24 = arith.constant 0 : index
      %swap3A_25 = vector.load %arg8[%swap3A, %swap3A_24] : memref<512x1024xf32, #tpu.memory_space<vmem>>, vector<512x1024xf32>
      tpu.vector_store %arg8[%swap3A, %swap3A_24], %add3A_23 {strides = array<i32>} : memref<512x1024xf32, #tpu.memory_space<vmem>>, vector<512x1024xf32>,
      %eq3A_26 = arith.constant 0 : i32
      %eq3A_27 = arith.cmpi eq, %arg2, %eq3A_26 : i32
      %convert_element_type3A_28 = arith.extui %eq3A_27 : i1 to i32
      %cond3A_29 = arith.constant 0 : i32
      %cond3A_30 = arith.cmpi ne, %convert_element_type3A_28, %cond3A_29 : i32
      scf.if %cond3A_30 {
        %get3A_31 = arith.constant 0 : index
        %get3A_32 = arith.constant 0 : index
        %get3A_33 = vector.load %arg8[%get3A_31, %get3A_32] : memref<512x1024xf32, #tpu.memory_space<vmem>>, vector<512x1024xf32>
        %get3A_34 = arith.constant 0 : index
        %get3A_35 = arith.constant 0 : index
        %get3A_36 = vector.load %arg6[%get3A_34, %get3A_35] : memref<1x1024xf32, #tpu.memory_space<vmem>>, vector<1x1024xf32>
        %add3A_37 = vector.broadcast %get3A_36 : vector<1x1024xf32> to vector<512x1024xf32>
        %add3A_38 = arith.addf %get3A_33, %add3A_37 : vector<512x1024xf32>
        %mul3A_39 = arith.constant 5.000000e-01 : f32
        %mul3A_40 = vector.broadcast %mul3A_39 : f32 to vector<512x1024xf32>
        %mul3A_41 = arith.mulf %mul3A_40, %add3A_38 : vector<512x1024xf32>
        %sqrt3A = arith.constant 2.000000e+00 : f32
        %sqrt3A_42 = math.sqrt %sqrt3A : f32
        %div3A = arith.constant 1.000000e+00 : f32
        %div3A_43 = arith.divf %div3A, %sqrt3A_42 : f32
        %mul3A_44 = vector.broadcast %div3A_43 : f32 to vector<512x1024xf32>
        %mul3A_45 = arith.mulf %add3A_38, %mul3A_44 : vector<512x1024xf32>
        %erf3A = math.erf %mul3A_45 : vector<512x1024xf32>
        %add3A_46 = arith.constant 1.000000e+00 : f32
        %add3A_47 = vector.broadcast %add3A_46 : f32 to vector<512x1024xf32>
        %add3A_48 = arith.addf %add3A_47, %erf3A : vector<512x1024xf32>
        %mul3A_49 = arith.mulf %mul3A_41, %add3A_48 : vector<512x1024xf32>
        %convert_element_type3A_50 = arith.truncf %mul3A_49 : vector<512x1024xf32> to vector<512x1024xbf16>
        %swap3A_51 = arith.constant 0 : index
        %swap3A_52 = arith.constant 0 : index
        %swap3A_53 = vector.load %arg7[%swap3A_51, %swap3A_52] : memref<512x1024xbf16, #tpu.memory_space<vmem>>, vector<512x1024xbf16>
        tpu.vector_store %arg7[%swap3A_51, %swap3A_52], %convert_element_type3A_50 {strides = array<i32>} : memref<512x1024xbf16, #tpu.memory_space<vmem>>, vector<512x1024xbf16>,
      } else {
      }
    } else {
    }
    return
  }
  func.func @transform_0(%arg0: i32, %arg1: i32, %arg2: i32, %arg3: memref<2xi32, #tpu.memory_space<smem>>) -> (i32, i32) {
    %get3A = arith.constant 0 : index
    %get3A_0 = memref.load %arg3[%get3A] : memref<2xi32, #tpu.memory_space<smem>>
    %jit3A = arith.constant 512 : i32
    %div3A = arith.divsi %get3A_0, %jit3A : i32
    %sign3A = arith.constant 0 : i32
    %sign3A_1 = arith.cmpi sgt, %get3A_0, %sign3A : i32
    %sign3A_2 = arith.extui %sign3A_1 : i1 to i32
    %sign3A_3 = arith.constant 0 : i32
    %sign3A_4 = arith.cmpi slt, %get3A_0, %sign3A_3 : i32
    %sign3A_5 = arith.extui %sign3A_4 : i1 to i32
    %sign3A_6 = arith.subi %sign3A_2, %sign3A_5 : i32
    %sign3A_7 = arith.constant 0 : i32
    %sign3A_8 = arith.cmpi sgt, %jit3A, %sign3A_7 : i32
    %sign3A_9 = arith.extui %sign3A_8 : i1 to i32
    %sign3A_10 = arith.constant 0 : i32
    %sign3A_11 = arith.cmpi slt, %jit3A, %sign3A_10 : i32
    %sign3A_12 = arith.extui %sign3A_11 : i1 to i32
    %sign3A_13 = arith.subi %sign3A_9, %sign3A_12 : i32
    %ne3A = arith.cmpi ne, %sign3A_6, %sign3A_13 : i32
    %rem3A = arith.remsi %get3A_0, %jit3A : i32
    %ne3A_14 = arith.constant 0 : i32
    %ne3A_15 = arith.cmpi ne, %rem3A, %ne3A_14 : i32
    %and3A = arith.andi %ne3A, %ne3A_15 : i1
    %sub3A = arith.constant 1 : i32
    %sub3A_16 = arith.subi %div3A, %sub3A : i32
    %select_n3A = arith.select %and3A, %sub3A_16, %div3A : i32
    %get3A_17 = arith.constant 1 : index
    %get3A_18 = memref.load %arg3[%get3A_17] : memref<2xi32, #tpu.memory_space<smem>>
    %add3A = arith.constant 512 : i32
    %add3A_19 = arith.addi %get3A_18, %add3A : i32
    %sub3A_20 = arith.constant 1 : i32
    %sub3A_21 = arith.subi %add3A_19, %sub3A_20 : i32
    %jit3A_22 = arith.constant 512 : i32
    %div3A_23 = arith.divsi %sub3A_21, %jit3A_22 : i32
    %sign3A_24 = arith.constant 0 : i32
    %sign3A_25 = arith.cmpi sgt, %sub3A_21, %sign3A_24 : i32
    %sign3A_26 = arith.extui %sign3A_25 : i1 to i32
    %sign3A_27 = arith.constant 0 : i32
    %sign3A_28 = arith.cmpi slt, %sub3A_21, %sign3A_27 : i32
    %sign3A_29 = arith.extui %sign3A_28 : i1 to i32
    %sign3A_30 = arith.subi %sign3A_26, %sign3A_29 : i32
    %sign3A_31 = arith.constant 0 : i32
    %sign3A_32 = arith.cmpi sgt, %jit3A_22, %sign3A_31 : i32
    %sign3A_33 = arith.extui %sign3A_32 : i1 to i32
    %sign3A_34 = arith.constant 0 : i32
    %sign3A_35 = arith.cmpi slt, %jit3A_22, %sign3A_34 : i32
    %sign3A_36 = arith.extui %sign3A_35 : i1 to i32
    %sign3A_37 = arith.subi %sign3A_33, %sign3A_36 : i32
    %ne3A_38 = arith.cmpi ne, %sign3A_30, %sign3A_37 : i32
    %rem3A_39 = arith.remsi %sub3A_21, %jit3A_22 : i32
    %ne3A_40 = arith.constant 0 : i32
    %ne3A_41 = arith.cmpi ne, %rem3A_39, %ne3A_40 : i32
    %and3A_42 = arith.andi %ne3A_38, %ne3A_41 : i1
    %sub3A_43 = arith.constant 1 : i32
    %sub3A_44 = arith.subi %div3A_23, %sub3A_43 : i32
    %select_n3A_45 = arith.select %and3A_42, %sub3A_44, %div3A_23 : i32
    %sub3A_46 = arith.constant 1 : i32
    %sub3A_47 = arith.subi %select_n3A_45, %sub3A_46 : i32
    %max3A = arith.maxsi %select_n3A, %sub3A_47 : i32
    %max3A_48 = arith.maxsi %select_n3A, %arg0 : i32
    %min3A = arith.minsi %max3A, %max3A_48 : i32
    %add3A_49 = arith.constant 0 : i32
    %add3A_50 = arith.addi %arg2, %add3A_49 : i32
    %c0_i32 = arith.constant 0 : i32
    return %min3A, %add3A_50 : i32, i32
  }
  func.func @transform_1(%arg0: i32, %arg1: i32, %arg2: i32, %arg3: memref<2xi32, #tpu.memory_space<smem>>) -> (i32, i32) {
    %c0_i32 = arith.constant 0 : i32
    return %arg1, %arg2 : i32, i32
  }
  func.func @transform_2(%arg0: i32, %arg1: i32, %arg2: i32, %arg3: memref<2xi32, #tpu.memory_space<smem>>) -> (i32, i32) {
    %c0_i32 = arith.constant 0 : i32
    %c0_i32_0 = arith.constant 0 : i32
    return %c0_i32, %arg1 : i32, i32
  }
  func.func @transform_3(%arg0: i32, %arg1: i32, %arg2: i32, %arg3: memref<2xi32, #tpu.memory_space<smem>>) -> (i32, i32) {
    %get3A = arith.constant 0 : index
    %get3A_0 = memref.load %arg3[%get3A] : memref<2xi32, #tpu.memory_space<smem>>
    %jit3A = arith.constant 512 : i32
    %div3A = arith.divsi %get3A_0, %jit3A : i32
    %sign3A = arith.constant 0 : i32
    %sign3A_1 = arith.cmpi sgt, %get3A_0, %sign3A : i32
    %sign3A_2 = arith.extui %sign3A_1 : i1 to i32
    %sign3A_3 = arith.constant 0 : i32
    %sign3A_4 = arith.cmpi slt, %get3A_0, %sign3A_3 : i32
    %sign3A_5 = arith.extui %sign3A_4 : i1 to i32
    %sign3A_6 = arith.subi %sign3A_2, %sign3A_5 : i32
    %sign3A_7 = arith.constant 0 : i32
    %sign3A_8 = arith.cmpi sgt, %jit3A, %sign3A_7 : i32
    %sign3A_9 = arith.extui %sign3A_8 : i1 to i32
    %sign3A_10 = arith.constant 0 : i32
    %sign3A_11 = arith.cmpi slt, %jit3A, %sign3A_10 : i32
    %sign3A_12 = arith.extui %sign3A_11 : i1 to i32
    %sign3A_13 = arith.subi %sign3A_9, %sign3A_12 : i32
    %ne3A = arith.cmpi ne, %sign3A_6, %sign3A_13 : i32
    %rem3A = arith.remsi %get3A_0, %jit3A : i32
    %ne3A_14 = arith.constant 0 : i32
    %ne3A_15 = arith.cmpi ne, %rem3A, %ne3A_14 : i32
    %and3A = arith.andi %ne3A, %ne3A_15 : i1
    %sub3A = arith.constant 1 : i32
    %sub3A_16 = arith.subi %div3A, %sub3A : i32
    %select_n3A = arith.select %and3A, %sub3A_16, %div3A : i32
    %get3A_17 = arith.constant 1 : index
    %get3A_18 = memref.load %arg3[%get3A_17] : memref<2xi32, #tpu.memory_space<smem>>
    %add3A = arith.constant 512 : i32
    %add3A_19 = arith.addi %get3A_18, %add3A : i32
    %sub3A_20 = arith.constant 1 : i32
    %sub3A_21 = arith.subi %add3A_19, %sub3A_20 : i32
    %jit3A_22 = arith.constant 512 : i32
    %div3A_23 = arith.divsi %sub3A_21, %jit3A_22 : i32
    %sign3A_24 = arith.constant 0 : i32
    %sign3A_25 = arith.cmpi sgt, %sub3A_21, %sign3A_24 : i32
    %sign3A_26 = arith.extui %sign3A_25 : i1 to i32
    %sign3A_27 = arith.constant 0 : i32
    %sign3A_28 = arith.cmpi slt, %sub3A_21, %sign3A_27 : i32
    %sign3A_29 = arith.extui %sign3A_28 : i1 to i32
    %sign3A_30 = arith.subi %sign3A_26, %sign3A_29 : i32
    %sign3A_31 = arith.constant 0 : i32
    %sign3A_32 = arith.cmpi sgt, %jit3A_22, %sign3A_31 : i32
    %sign3A_33 = arith.extui %sign3A_32 : i1 to i32
    %sign3A_34 = arith.constant 0 : i32
    %sign3A_35 = arith.cmpi slt, %jit3A_22, %sign3A_34 : i32
    %sign3A_36 = arith.extui %sign3A_35 : i1 to i32
    %sign3A_37 = arith.subi %sign3A_33, %sign3A_36 : i32
    %ne3A_38 = arith.cmpi ne, %sign3A_30, %sign3A_37 : i32
    %rem3A_39 = arith.remsi %sub3A_21, %jit3A_22 : i32
    %ne3A_40 = arith.constant 0 : i32
    %ne3A_41 = arith.cmpi ne, %rem3A_39, %ne3A_40 : i32
    %and3A_42 = arith.andi %ne3A_38, %ne3A_41 : i1
    %sub3A_43 = arith.constant 1 : i32
    %sub3A_44 = arith.subi %div3A_23, %sub3A_43 : i32
    %select_n3A_45 = arith.select %and3A_42, %sub3A_44, %div3A_23 : i32
    %sub3A_46 = arith.constant 1 : i32
    %sub3A_47 = arith.subi %select_n3A_45, %sub3A_46 : i32
    %max3A = arith.maxsi %select_n3A, %sub3A_47 : i32
    %lt3A = arith.cmpi slt, %arg0, %select_n3A : i32
    %gt3A = arith.cmpi sgt, %arg0, %max3A : i32
    %jit3A_48 = arith.constant 7 : i32
    %select_n3A_49 = arith.select %gt3A, %jit3A_48, %arg0 : i32
    %jit3A_50 = arith.constant 0 : i32
    %select_n3A_51 = arith.select %lt3A, %jit3A_50, %select_n3A_49 : i32
    %c0_i32 = arith.constant 0 : i32
    return %select_n3A_51, %arg1 : i32, i32
  }
}

module attributes {stable_mosaic.version = 14 : i64} {
  func.func @_mm_body(%arg0: i32, %arg1: i32, %arg2: i32, %arg3: memref<2xi32, #tpu.memory_space<smem>>, %arg4: memref<512x2048xbf16, #tpu.memory_space<vmem>>, %arg5: memref<1024x2048xf32, #tpu.memory_space<vmem>>, %arg6: memref<1x1024xf32, #tpu.memory_space<vmem>>, %arg7: memref<512x1024xbf16, #tpu.memory_space<vmem>>, %arg8: memref<512x1024xf32, #tpu.memory_space<vmem>>, %arg9: memref<512x1024xf32, #tpu.memory_space<vmem>>) attributes {dimension_semantics = [#tpu.dimension_semantics<parallel>, #tpu.dimension_semantics<parallel>, #tpu.dimension_semantics<arbitrary>], iteration_bounds = array<i64: 8, 2, 4>, scalar_prefetch = 1 : i64, scratch_operands = 1 : i64, tpu.core_type = #tpu.core_type<tc>, window_params = [{transform_indices = @transform_0, window_bounds = array<i64: 512, 2048>}, {transform_indices = @transform_1, window_bounds = array<i64: 1024, 2048>}, {transform_indices = @transform_2, window_bounds = array<i64: 1, 1024>}, {transform_indices = @transform_3, window_bounds = array<i64: 512, 1024>}, {transform_indices = @transform_4, window_bounds = array<i64: 512, 1024>}]} {
    %mul3A = arith.constant 512 : i32
    %mul3A_0 = arith.muli %arg0, %mul3A : i32
    %add3A = arith.constant 512 : i32
    %add3A_1 = arith.addi %mul3A_0, %add3A : i32
    %get3A = arith.constant 0 : index
    %get3A_2 = memref.load %arg3[%get3A] : memref<2xi32, #tpu.memory_space<smem>>
    %gt3A = arith.cmpi sgt, %add3A_1, %get3A_2 : i32
    %mul3A_3 = arith.constant 512 : i32
    %mul3A_4 = arith.muli %arg0, %mul3A_3 : i32
    %get3A_5 = arith.constant 1 : index
    %get3A_6 = memref.load %arg3[%get3A_5] : memref<2xi32, #tpu.memory_space<smem>>
    %lt3A = arith.cmpi slt, %mul3A_4, %get3A_6 : i32
    %and3A = arith.andi %gt3A, %lt3A : i1
    %convert_element_type3A = arith.extui %and3A : i1 to i32
    %cond3A = arith.constant 0 : i32
    %cond3A_7 = arith.cmpi ne, %convert_element_type3A, %cond3A : i32
    scf.if %cond3A_7 {
      %eq3A = arith.constant 0 : i32
      %eq3A_8 = arith.cmpi eq, %arg2, %eq3A : i32
      %convert_element_type3A_9 = arith.extui %eq3A_8 : i1 to i32
      %cond3A_10 = arith.constant 0 : i32
      %cond3A_11 = arith.cmpi ne, %convert_element_type3A_9, %cond3A_10 : i32
      scf.if %cond3A_11 {
        %broadcast_in_dim3A = arith.constant 0.000000e+00 : f32
        %broadcast_in_dim3A_31 = vector.broadcast %broadcast_in_dim3A : f32 to vector<512x1024xf32>
        %swap3A_32 = arith.constant 0 : index
        %swap3A_33 = arith.constant 0 : index
        %swap3A_34 = vector.load %arg9[%swap3A_32, %swap3A_33] : memref<512x1024xf32, #tpu.memory_space<vmem>>, vector<512x1024xf32>
        tpu.vector_store %arg9[%swap3A_32, %swap3A_33], %broadcast_in_dim3A_31 {strides = array<i32>} : memref<512x1024xf32, #tpu.memory_space<vmem>>, vector<512x1024xf32>,
      } else {
      }
      %get3A_12 = arith.constant 0 : index
      %get3A_13 = arith.constant 0 : index
      %get3A_14 = vector.load %arg4[%get3A_12, %get3A_13] : memref<512x2048xbf16, #tpu.memory_space<vmem>>, vector<512x2048xbf16>
      %get3A_15 = arith.constant 0 : index
      %get3A_16 = arith.constant 0 : index
      %get3A_17 = vector.load %arg5[%get3A_15, %get3A_16] : memref<1024x2048xf32, #tpu.memory_space<vmem>>, vector<1024x2048xf32>
      %convert_element_type3A_18 = arith.truncf %get3A_17 : vector<1024x2048xf32> to vector<1024x2048xbf16>
      %get3A_19 = arith.constant 0 : index
      %get3A_20 = arith.constant 0 : index
      %get3A_21 = vector.load %arg9[%get3A_19, %get3A_20] : memref<512x1024xf32, #tpu.memory_space<vmem>>, vector<512x1024xf32>
      %dot_general3A = arith.constant dense<0.000000e+00> : vector<512x1024xf32>
      %dot_general3A_22 = tpu.matmul %get3A_14, %convert_element_type3A_18, %dot_general3A {dimension_numbers = #tpu.dot_dimension_numbers<[1], [1], [0], [0], [0, 0, 1, 0], [], []>, transpose_lhs_hint = false} : vector<512x2048xbf16>, vector<1024x2048xbf16>, vector<512x1024xf32> -> vector<512x1024xf32>
      %add3A_23 = arith.addf %get3A_21, %dot_general3A_22 : vector<512x1024xf32>
      %swap3A = arith.constant 0 : index
      %swap3A_24 = arith.constant 0 : index
      %swap3A_25 = vector.load %arg9[%swap3A, %swap3A_24] : memref<512x1024xf32, #tpu.memory_space<vmem>>, vector<512x1024xf32>
      tpu.vector_store %arg9[%swap3A, %swap3A_24], %add3A_23 {strides = array<i32>} : memref<512x1024xf32, #tpu.memory_space<vmem>>, vector<512x1024xf32>,
      %eq3A_26 = arith.constant 3 : i32
      %eq3A_27 = arith.cmpi eq, %arg2, %eq3A_26 : i32
      %convert_element_type3A_28 = arith.extui %eq3A_27 : i1 to i32
      %cond3A_29 = arith.constant 0 : i32
      %cond3A_30 = arith.cmpi ne, %convert_element_type3A_28, %cond3A_29 : i32
      scf.if %cond3A_30 {
        %get3A_31 = arith.constant 0 : index
        %get3A_32 = arith.constant 0 : index
        %get3A_33 = vector.load %arg9[%get3A_31, %get3A_32] : memref<512x1024xf32, #tpu.memory_space<vmem>>, vector<512x1024xf32>
        %get3A_34 = arith.constant 0 : index
        %get3A_35 = arith.constant 0 : index
        %get3A_36 = vector.load %arg6[%get3A_34, %get3A_35] : memref<1x1024xf32, #tpu.memory_space<vmem>>, vector<1x1024xf32>
        %add3A_37 = vector.broadcast %get3A_36 : vector<1x1024xf32> to vector<512x1024xf32>
        %add3A_38 = arith.addf %get3A_33, %add3A_37 : vector<512x1024xf32>
        %get3A_39 = arith.constant 0 : index
        %get3A_40 = arith.constant 0 : index
        %get3A_41 = vector.load %arg7[%get3A_39, %get3A_40] : memref<512x1024xbf16, #tpu.memory_space<vmem>>, vector<512x1024xbf16>
        %convert_element_type3A_42 = arith.extf %get3A_41 : vector<512x1024xbf16> to vector<512x1024xf32>
        %add3A_43 = arith.addf %add3A_38, %convert_element_type3A_42 : vector<512x1024xf32>
        %swap3A_44 = arith.constant 0 : index
        %swap3A_45 = arith.constant 0 : index
        %swap3A_46 = vector.load %arg8[%swap3A_44, %swap3A_45] : memref<512x1024xf32, #tpu.memory_space<vmem>>, vector<512x1024xf32>
        tpu.vector_store %arg8[%swap3A_44, %swap3A_45], %add3A_43 {strides = array<i32>} : memref<512x1024xf32, #tpu.memory_space<vmem>>, vector<512x1024xf32>,
      } else {
      }
    } else {
    }
    return
  }
  func.func @transform_0(%arg0: i32, %arg1: i32, %arg2: i32, %arg3: memref<2xi32, #tpu.memory_space<smem>>) -> (i32, i32) {
    %get3A = arith.constant 0 : index
    %get3A_0 = memref.load %arg3[%get3A] : memref<2xi32, #tpu.memory_space<smem>>
    %jit3A = arith.constant 512 : i32
    %div3A = arith.divsi %get3A_0, %jit3A : i32
    %sign3A = arith.constant 0 : i32
    %sign3A_1 = arith.cmpi sgt, %get3A_0, %sign3A : i32
    %sign3A_2 = arith.extui %sign3A_1 : i1 to i32
    %sign3A_3 = arith.constant 0 : i32
    %sign3A_4 = arith.cmpi slt, %get3A_0, %sign3A_3 : i32
    %sign3A_5 = arith.extui %sign3A_4 : i1 to i32
    %sign3A_6 = arith.subi %sign3A_2, %sign3A_5 : i32
    %sign3A_7 = arith.constant 0 : i32
    %sign3A_8 = arith.cmpi sgt, %jit3A, %sign3A_7 : i32
    %sign3A_9 = arith.extui %sign3A_8 : i1 to i32
    %sign3A_10 = arith.constant 0 : i32
    %sign3A_11 = arith.cmpi slt, %jit3A, %sign3A_10 : i32
    %sign3A_12 = arith.extui %sign3A_11 : i1 to i32
    %sign3A_13 = arith.subi %sign3A_9, %sign3A_12 : i32
    %ne3A = arith.cmpi ne, %sign3A_6, %sign3A_13 : i32
    %rem3A = arith.remsi %get3A_0, %jit3A : i32
    %ne3A_14 = arith.constant 0 : i32
    %ne3A_15 = arith.cmpi ne, %rem3A, %ne3A_14 : i32
    %and3A = arith.andi %ne3A, %ne3A_15 : i1
    %sub3A = arith.constant 1 : i32
    %sub3A_16 = arith.subi %div3A, %sub3A : i32
    %select_n3A = arith.select %and3A, %sub3A_16, %div3A : i32
    %get3A_17 = arith.constant 1 : index
    %get3A_18 = memref.load %arg3[%get3A_17] : memref<2xi32, #tpu.memory_space<smem>>
    %add3A = arith.constant 512 : i32
    %add3A_19 = arith.addi %get3A_18, %add3A : i32
    %sub3A_20 = arith.constant 1 : i32
    %sub3A_21 = arith.subi %add3A_19, %sub3A_20 : i32
    %jit3A_22 = arith.constant 512 : i32
    %div3A_23 = arith.divsi %sub3A_21, %jit3A_22 : i32
    %sign3A_24 = arith.constant 0 : i32
    %sign3A_25 = arith.cmpi sgt, %sub3A_21, %sign3A_24 : i32
    %sign3A_26 = arith.extui %sign3A_25 : i1 to i32
    %sign3A_27 = arith.constant 0 : i32
    %sign3A_28 = arith.cmpi slt, %sub3A_21, %sign3A_27 : i32
    %sign3A_29 = arith.extui %sign3A_28 : i1 to i32
    %sign3A_30 = arith.subi %sign3A_26, %sign3A_29 : i32
    %sign3A_31 = arith.constant 0 : i32
    %sign3A_32 = arith.cmpi sgt, %jit3A_22, %sign3A_31 : i32
    %sign3A_33 = arith.extui %sign3A_32 : i1 to i32
    %sign3A_34 = arith.constant 0 : i32
    %sign3A_35 = arith.cmpi slt, %jit3A_22, %sign3A_34 : i32
    %sign3A_36 = arith.extui %sign3A_35 : i1 to i32
    %sign3A_37 = arith.subi %sign3A_33, %sign3A_36 : i32
    %ne3A_38 = arith.cmpi ne, %sign3A_30, %sign3A_37 : i32
    %rem3A_39 = arith.remsi %sub3A_21, %jit3A_22 : i32
    %ne3A_40 = arith.constant 0 : i32
    %ne3A_41 = arith.cmpi ne, %rem3A_39, %ne3A_40 : i32
    %and3A_42 = arith.andi %ne3A_38, %ne3A_41 : i1
    %sub3A_43 = arith.constant 1 : i32
    %sub3A_44 = arith.subi %div3A_23, %sub3A_43 : i32
    %select_n3A_45 = arith.select %and3A_42, %sub3A_44, %div3A_23 : i32
    %sub3A_46 = arith.constant 1 : i32
    %sub3A_47 = arith.subi %select_n3A_45, %sub3A_46 : i32
    %max3A = arith.maxsi %select_n3A, %sub3A_47 : i32
    %max3A_48 = arith.maxsi %select_n3A, %arg0 : i32
    %min3A = arith.minsi %max3A, %max3A_48 : i32
    %add3A_49 = arith.constant 0 : i32
    %add3A_50 = arith.addi %arg2, %add3A_49 : i32
    %c0_i32 = arith.constant 0 : i32
    return %min3A, %add3A_50 : i32, i32
  }
  func.func @transform_1(%arg0: i32, %arg1: i32, %arg2: i32, %arg3: memref<2xi32, #tpu.memory_space<smem>>) -> (i32, i32) {
    %c0_i32 = arith.constant 0 : i32
    return %arg1, %arg2 : i32, i32
  }
  func.func @transform_2(%arg0: i32, %arg1: i32, %arg2: i32, %arg3: memref<2xi32, #tpu.memory_space<smem>>) -> (i32, i32) {
    %c0_i32 = arith.constant 0 : i32
    %c0_i32_0 = arith.constant 0 : i32
    return %c0_i32, %arg1 : i32, i32
  }
  func.func @transform_3(%arg0: i32, %arg1: i32, %arg2: i32, %arg3: memref<2xi32, #tpu.memory_space<smem>>) -> (i32, i32) {
    %get3A = arith.constant 0 : index
    %get3A_0 = memref.load %arg3[%get3A] : memref<2xi32, #tpu.memory_space<smem>>
    %jit3A = arith.constant 512 : i32
    %div3A = arith.divsi %get3A_0, %jit3A : i32
    %sign3A = arith.constant 0 : i32
    %sign3A_1 = arith.cmpi sgt, %get3A_0, %sign3A : i32
    %sign3A_2 = arith.extui %sign3A_1 : i1 to i32
    %sign3A_3 = arith.constant 0 : i32
    %sign3A_4 = arith.cmpi slt, %get3A_0, %sign3A_3 : i32
    %sign3A_5 = arith.extui %sign3A_4 : i1 to i32
    %sign3A_6 = arith.subi %sign3A_2, %sign3A_5 : i32
    %sign3A_7 = arith.constant 0 : i32
    %sign3A_8 = arith.cmpi sgt, %jit3A, %sign3A_7 : i32
    %sign3A_9 = arith.extui %sign3A_8 : i1 to i32
    %sign3A_10 = arith.constant 0 : i32
    %sign3A_11 = arith.cmpi slt, %jit3A, %sign3A_10 : i32
    %sign3A_12 = arith.extui %sign3A_11 : i1 to i32
    %sign3A_13 = arith.subi %sign3A_9, %sign3A_12 : i32
    %ne3A = arith.cmpi ne, %sign3A_6, %sign3A_13 : i32
    %rem3A = arith.remsi %get3A_0, %jit3A : i32
    %ne3A_14 = arith.constant 0 : i32
    %ne3A_15 = arith.cmpi ne, %rem3A, %ne3A_14 : i32
    %and3A = arith.andi %ne3A, %ne3A_15 : i1
    %sub3A = arith.constant 1 : i32
    %sub3A_16 = arith.subi %div3A, %sub3A : i32
    %select_n3A = arith.select %and3A, %sub3A_16, %div3A : i32
    %get3A_17 = arith.constant 1 : index
    %get3A_18 = memref.load %arg3[%get3A_17] : memref<2xi32, #tpu.memory_space<smem>>
    %add3A = arith.constant 512 : i32
    %add3A_19 = arith.addi %get3A_18, %add3A : i32
    %sub3A_20 = arith.constant 1 : i32
    %sub3A_21 = arith.subi %add3A_19, %sub3A_20 : i32
    %jit3A_22 = arith.constant 512 : i32
    %div3A_23 = arith.divsi %sub3A_21, %jit3A_22 : i32
    %sign3A_24 = arith.constant 0 : i32
    %sign3A_25 = arith.cmpi sgt, %sub3A_21, %sign3A_24 : i32
    %sign3A_26 = arith.extui %sign3A_25 : i1 to i32
    %sign3A_27 = arith.constant 0 : i32
    %sign3A_28 = arith.cmpi slt, %sub3A_21, %sign3A_27 : i32
    %sign3A_29 = arith.extui %sign3A_28 : i1 to i32
    %sign3A_30 = arith.subi %sign3A_26, %sign3A_29 : i32
    %sign3A_31 = arith.constant 0 : i32
    %sign3A_32 = arith.cmpi sgt, %jit3A_22, %sign3A_31 : i32
    %sign3A_33 = arith.extui %sign3A_32 : i1 to i32
    %sign3A_34 = arith.constant 0 : i32
    %sign3A_35 = arith.cmpi slt, %jit3A_22, %sign3A_34 : i32
    %sign3A_36 = arith.extui %sign3A_35 : i1 to i32
    %sign3A_37 = arith.subi %sign3A_33, %sign3A_36 : i32
    %ne3A_38 = arith.cmpi ne, %sign3A_30, %sign3A_37 : i32
    %rem3A_39 = arith.remsi %sub3A_21, %jit3A_22 : i32
    %ne3A_40 = arith.constant 0 : i32
    %ne3A_41 = arith.cmpi ne, %rem3A_39, %ne3A_40 : i32
    %and3A_42 = arith.andi %ne3A_38, %ne3A_41 : i1
    %sub3A_43 = arith.constant 1 : i32
    %sub3A_44 = arith.subi %div3A_23, %sub3A_43 : i32
    %select_n3A_45 = arith.select %and3A_42, %sub3A_44, %div3A_23 : i32
    %sub3A_46 = arith.constant 1 : i32
    %sub3A_47 = arith.subi %select_n3A_45, %sub3A_46 : i32
    %max3A = arith.maxsi %select_n3A, %sub3A_47 : i32
    %max3A_48 = arith.maxsi %select_n3A, %arg0 : i32
    %min3A = arith.minsi %max3A, %max3A_48 : i32
    %c0_i32 = arith.constant 0 : i32
    return %min3A, %arg1 : i32, i32
  }
  func.func @transform_4(%arg0: i32, %arg1: i32, %arg2: i32, %arg3: memref<2xi32, #tpu.memory_space<smem>>) -> (i32, i32) {
    %get3A = arith.constant 0 : index
    %get3A_0 = memref.load %arg3[%get3A] : memref<2xi32, #tpu.memory_space<smem>>
    %jit3A = arith.constant 512 : i32
    %div3A = arith.divsi %get3A_0, %jit3A : i32
    %sign3A = arith.constant 0 : i32
    %sign3A_1 = arith.cmpi sgt, %get3A_0, %sign3A : i32
    %sign3A_2 = arith.extui %sign3A_1 : i1 to i32
    %sign3A_3 = arith.constant 0 : i32
    %sign3A_4 = arith.cmpi slt, %get3A_0, %sign3A_3 : i32
    %sign3A_5 = arith.extui %sign3A_4 : i1 to i32
    %sign3A_6 = arith.subi %sign3A_2, %sign3A_5 : i32
    %sign3A_7 = arith.constant 0 : i32
    %sign3A_8 = arith.cmpi sgt, %jit3A, %sign3A_7 : i32
    %sign3A_9 = arith.extui %sign3A_8 : i1 to i32
    %sign3A_10 = arith.constant 0 : i32
    %sign3A_11 = arith.cmpi slt, %jit3A, %sign3A_10 : i32
    %sign3A_12 = arith.extui %sign3A_11 : i1 to i32
    %sign3A_13 = arith.subi %sign3A_9, %sign3A_12 : i32
    %ne3A = arith.cmpi ne, %sign3A_6, %sign3A_13 : i32
    %rem3A = arith.remsi %get3A_0, %jit3A : i32
    %ne3A_14 = arith.constant 0 : i32
    %ne3A_15 = arith.cmpi ne, %rem3A, %ne3A_14 : i32
    %and3A = arith.andi %ne3A, %ne3A_15 : i1
    %sub3A = arith.constant 1 : i32
    %sub3A_16 = arith.subi %div3A, %sub3A : i32
    %select_n3A = arith.select %and3A, %sub3A_16, %div3A : i32
    %get3A_17 = arith.constant 1 : index
    %get3A_18 = memref.load %arg3[%get3A_17] : memref<2xi32, #tpu.memory_space<smem>>
    %add3A = arith.constant 512 : i32
    %add3A_19 = arith.addi %get3A_18, %add3A : i32
    %sub3A_20 = arith.constant 1 : i32
    %sub3A_21 = arith.subi %add3A_19, %sub3A_20 : i32
    %jit3A_22 = arith.constant 512 : i32
    %div3A_23 = arith.divsi %sub3A_21, %jit3A_22 : i32
    %sign3A_24 = arith.constant 0 : i32
    %sign3A_25 = arith.cmpi sgt, %sub3A_21, %sign3A_24 : i32
    %sign3A_26 = arith.extui %sign3A_25 : i1 to i32
    %sign3A_27 = arith.constant 0 : i32
    %sign3A_28 = arith.cmpi slt, %sub3A_21, %sign3A_27 : i32
    %sign3A_29 = arith.extui %sign3A_28 : i1 to i32
    %sign3A_30 = arith.subi %sign3A_26, %sign3A_29 : i32
    %sign3A_31 = arith.constant 0 : i32
    %sign3A_32 = arith.cmpi sgt, %jit3A_22, %sign3A_31 : i32
    %sign3A_33 = arith.extui %sign3A_32 : i1 to i32
    %sign3A_34 = arith.constant 0 : i32
    %sign3A_35 = arith.cmpi slt, %jit3A_22, %sign3A_34 : i32
    %sign3A_36 = arith.extui %sign3A_35 : i1 to i32
    %sign3A_37 = arith.subi %sign3A_33, %sign3A_36 : i32
    %ne3A_38 = arith.cmpi ne, %sign3A_30, %sign3A_37 : i32
    %rem3A_39 = arith.remsi %sub3A_21, %jit3A_22 : i32
    %ne3A_40 = arith.constant 0 : i32
    %ne3A_41 = arith.cmpi ne, %rem3A_39, %ne3A_40 : i32
    %and3A_42 = arith.andi %ne3A_38, %ne3A_41 : i1
    %sub3A_43 = arith.constant 1 : i32
    %sub3A_44 = arith.subi %div3A_23, %sub3A_43 : i32
    %select_n3A_45 = arith.select %and3A_42, %sub3A_44, %div3A_23 : i32
    %sub3A_46 = arith.constant 1 : i32
    %sub3A_47 = arith.subi %select_n3A_45, %sub3A_46 : i32
    %max3A = arith.maxsi %select_n3A, %sub3A_47 : i32
    %lt3A = arith.cmpi slt, %arg0, %select_n3A : i32
    %gt3A = arith.cmpi sgt, %arg0, %max3A : i32
    %jit3A_48 = arith.constant 7 : i32
    %select_n3A_49 = arith.select %gt3A, %jit3A_48, %arg0 : i32
    %jit3A_50 = arith.constant 0 : i32
    %select_n3A_51 = arith.select %lt3A, %jit3A_50, %select_n3A_49 : i32
    %c0_i32 = arith.constant 0 : i32
    return %select_n3A_51, %arg1 : i32, i32
  }
}

module attributes {stable_mosaic.version = 14 : i64} {
  func.func @_fin_body(%arg0: i32, %arg1: i32, %arg2: memref<2xi32, #tpu.memory_space<smem>>, %arg3: memref<256x2048xf32, #tpu.memory_space<vmem>>, %arg4: memref<256x2048xf32, #tpu.memory_space<vmem>>, %arg5: memref<256x1024xf32, #tpu.memory_space<vmem>>, %arg6: memref<1024x2048xf32, #tpu.memory_space<vmem>>, %arg7: memref<1x1024xf32, #tpu.memory_space<vmem>>, %arg8: memref<256x1024xf32, #tpu.memory_space<vmem>>) attributes {dimension_semantics = [#tpu.dimension_semantics<parallel>, #tpu.dimension_semantics<parallel>], iteration_bounds = array<i64: 16, 2>, scalar_prefetch = 1 : i64, scratch_operands = 0 : i64, tpu.core_type = #tpu.core_type<tc>, window_params = [{transform_indices = @transform_0, window_bounds = array<i64: 256, 2048>}, {transform_indices = @transform_1, window_bounds = array<i64: 256, 2048>}, {transform_indices = @transform_2, window_bounds = array<i64: 256, 1024>}, {transform_indices = @transform_3, window_bounds = array<i64: 1024, 2048>}, {transform_indices = @transform_4, window_bounds = array<i64: 1, 1024>}, {transform_indices = @transform_5, window_bounds = array<i64: 256, 1024>}]} {
    %get3A = arith.constant 0 : index
    %get3A_0 = memref.load %arg2[%get3A] : memref<2xi32, #tpu.memory_space<smem>>
    %get3A_1 = arith.constant 1 : index
    %get3A_2 = memref.load %arg2[%get3A_1] : memref<2xi32, #tpu.memory_space<smem>>
    %mul3A = arith.constant 256 : i32
    %mul3A_3 = arith.muli %arg0, %mul3A : i32
    %iota3A = tpu.iota {dimensions = array<i32: 0>} : vector<256x1xi32>
    %add3A = vector.broadcast %mul3A_3 : i32 to vector<256x1xi32>
    %add3A_4 = arith.addi %add3A, %iota3A : vector<256x1xi32>
    %mul3A_5 = arith.constant 256 : i32
    %mul3A_6 = arith.muli %arg0, %mul3A_5 : i32
    %add3A_7 = arith.constant 256 : i32
    %add3A_8 = arith.addi %mul3A_6, %add3A_7 : i32
    %gt3A = arith.cmpi sgt, %add3A_8, %get3A_0 : i32
    %convert_element_type3A = arith.extui %gt3A : i1 to i32
    %cond3A = arith.constant 0 : i32
    %cond3A_9 = arith.cmpi ne, %convert_element_type3A, %cond3A : i32
    scf.if %cond3A_9 {
      %lt3A = vector.broadcast %get3A_2 : i32 to vector<256x1xi32>
      %lt3A_14 = arith.cmpi slt, %add3A_4, %lt3A : vector<256x1xi32>
      %get3A_15 = arith.constant 0 : index
      %get3A_16 = arith.constant 0 : index
      %get3A_17 = vector.load %arg3[%get3A_15, %get3A_16] : memref<256x2048xf32, #tpu.memory_space<vmem>>, vector<256x2048xf32>
      %get3A_18 = arith.constant 0 : index
      %get3A_19 = arith.constant 0 : index
      %get3A_20 = vector.load %arg4[%get3A_18, %get3A_19] : memref<256x2048xf32, #tpu.memory_space<vmem>>, vector<256x2048xf32>
      %broadcast_in_dim3A = vector.shape_cast %lt3A_14 : vector<256x1xi1> to vector<256x1xi1>
      %broadcast_in_dim3A_21 = vector.broadcast %broadcast_in_dim3A : vector<256x1xi1> to vector<256x2048xi1>
      %select_n3A = arith.select %broadcast_in_dim3A_21, %get3A_17, %get3A_20 : vector<256x2048xi1>, vector<256x2048xf32>
      %convert_element_type3A_22 = arith.truncf %select_n3A : vector<256x2048xf32> to vector<256x2048xbf16>
      %get3A_23 = arith.constant 0 : index
      %get3A_24 = arith.constant 0 : index
      %get3A_25 = vector.load %arg6[%get3A_23, %get3A_24] : memref<1024x2048xf32, #tpu.memory_space<vmem>>, vector<1024x2048xf32>
      %convert_element_type3A_26 = arith.truncf %get3A_25 : vector<1024x2048xf32> to vector<1024x2048xbf16>
      %dot_general3A = arith.constant dense<0.000000e+00> : vector<256x1024xf32>
      %dot_general3A_27 = tpu.matmul %convert_element_type3A_22, %convert_element_type3A_26, %dot_general3A {dimension_numbers = #tpu.dot_dimension_numbers<[1], [1], [0], [0], [0, 0, 1, 0], [], []>, transpose_lhs_hint = false} : vector<256x2048xbf16>, vector<1024x2048xbf16>, vector<256x1024xf32> -> vector<256x1024xf32>
      %get3A_28 = arith.constant 0 : index
      %get3A_29 = arith.constant 0 : index
      %get3A_30 = vector.load %arg7[%get3A_28, %get3A_29] : memref<1x1024xf32, #tpu.memory_space<vmem>>, vector<1x1024xf32>
      %add3A_31 = vector.broadcast %get3A_30 : vector<1x1024xf32> to vector<256x1024xf32>
      %add3A_32 = arith.addf %dot_general3A_27, %add3A_31 : vector<256x1024xf32>
      %mul3A_33 = arith.constant 5.000000e-01 : f32
      %mul3A_34 = vector.broadcast %mul3A_33 : f32 to vector<256x1024xf32>
      %mul3A_35 = arith.mulf %mul3A_34, %add3A_32 : vector<256x1024xf32>
      %sqrt3A = arith.constant 2.000000e+00 : f32
      %sqrt3A_36 = math.sqrt %sqrt3A : f32
      %div3A = arith.constant 1.000000e+00 : f32
      %div3A_37 = arith.divf %div3A, %sqrt3A_36 : f32
      %mul3A_38 = vector.broadcast %div3A_37 : f32 to vector<256x1024xf32>
      %mul3A_39 = arith.mulf %add3A_32, %mul3A_38 : vector<256x1024xf32>
      %erf3A = math.erf %mul3A_39 : vector<256x1024xf32>
      %add3A_40 = arith.constant 1.000000e+00 : f32
      %add3A_41 = vector.broadcast %add3A_40 : f32 to vector<256x1024xf32>
      %add3A_42 = arith.addf %add3A_41, %erf3A : vector<256x1024xf32>
      %mul3A_43 = arith.mulf %mul3A_35, %add3A_42 : vector<256x1024xf32>
      %lt3A_44 = vector.broadcast %get3A_0 : i32 to vector<256x1xi32>
      %lt3A_45 = arith.cmpi slt, %add3A_4, %lt3A_44 : vector<256x1xi32>
      %get3A_46 = arith.constant 0 : index
      %get3A_47 = arith.constant 0 : index
      %get3A_48 = vector.load %arg5[%get3A_46, %get3A_47] : memref<256x1024xf32, #tpu.memory_space<vmem>>, vector<256x1024xf32>
      %broadcast_in_dim3A_49 = vector.shape_cast %lt3A_45 : vector<256x1xi1> to vector<256x1xi1>
      %broadcast_in_dim3A_50 = vector.broadcast %broadcast_in_dim3A_49 : vector<256x1xi1> to vector<256x1024xi1>
      %select_n3A_51 = arith.select %broadcast_in_dim3A_50, %get3A_48, %mul3A_43 : vector<256x1024xi1>, vector<256x1024xf32>
      %swap3A = arith.constant 0 : index
      %swap3A_52 = arith.constant 0 : index
      %swap3A_53 = vector.load %arg8[%swap3A, %swap3A_52] : memref<256x1024xf32, #tpu.memory_space<vmem>>, vector<256x1024xf32>
      tpu.vector_store %arg8[%swap3A, %swap3A_52], %select_n3A_51 {strides = array<i32>} : memref<256x1024xf32, #tpu.memory_space<vmem>>, vector<256x1024xf32>,
    } else {
    }
    %not3A = arith.constant true
    %not3A_10 = arith.xori %gt3A, %not3A : i1
    %convert_element_type3A_11 = arith.extui %not3A_10 : i1 to i32
    %cond3A_12 = arith.constant 0 : i32
    %cond3A_13 = arith.cmpi ne, %convert_element_type3A_11, %cond3A_12 : i32
    scf.if %cond3A_13 {
      %get3A_14 = arith.constant 0 : index
      %get3A_15 = arith.constant 0 : index
      %get3A_16 = vector.load %arg5[%get3A_14, %get3A_15] : memref<256x1024xf32, #tpu.memory_space<vmem>>, vector<256x1024xf32>
      %swap3A = arith.constant 0 : index
      %swap3A_17 = arith.constant 0 : index
      %swap3A_18 = vector.load %arg8[%swap3A, %swap3A_17] : memref<256x1024xf32, #tpu.memory_space<vmem>>, vector<256x1024xf32>
      tpu.vector_store %arg8[%swap3A, %swap3A_17], %get3A_16 {strides = array<i32>} : memref<256x1024xf32, #tpu.memory_space<vmem>>, vector<256x1024xf32>,
    } else {
    }
    return
  }
  func.func @transform_0(%arg0: i32, %arg1: i32, %arg2: memref<2xi32, #tpu.memory_space<smem>>) -> (i32, i32) {
    %c0_i32 = arith.constant 0 : i32
    %c0_i32_0 = arith.constant 0 : i32
    return %arg0, %c0_i32 : i32, i32
  }
  func.func @transform_1(%arg0: i32, %arg1: i32, %arg2: memref<2xi32, #tpu.memory_space<smem>>) -> (i32, i32) {
    %c1_i32 = arith.constant 1 : i32
    %c0_i32 = arith.constant 0 : i32
    return %arg0, %c1_i32 : i32, i32
  }
  func.func @transform_2(%arg0: i32, %arg1: i32, %arg2: memref<2xi32, #tpu.memory_space<smem>>) -> (i32, i32) {
    %c0_i32 = arith.constant 0 : i32
    return %arg0, %arg1 : i32, i32
  }
  func.func @transform_3(%arg0: i32, %arg1: i32, %arg2: memref<2xi32, #tpu.memory_space<smem>>) -> (i32, i32) {
    %c0_i32 = arith.constant 0 : i32
    %c0_i32_0 = arith.constant 0 : i32
    return %arg1, %c0_i32 : i32, i32
  }
  func.func @transform_4(%arg0: i32, %arg1: i32, %arg2: memref<2xi32, #tpu.memory_space<smem>>) -> (i32, i32) {
    %c0_i32 = arith.constant 0 : i32
    %c0_i32_0 = arith.constant 0 : i32
    return %c0_i32, %arg1 : i32, i32
  }
  func.func @transform_5(%arg0: i32, %arg1: i32, %arg2: memref<2xi32, #tpu.memory_space<smem>>) -> (i32, i32) {
    %c0_i32 = arith.constant 0 : i32
    return %arg0, %arg1 : i32, i32
  }
}

</mosaic_0001>

<sc_bundles>
// kernel: gather_offload_async_start.1
scs
__scs_entry_jumppad:
0x0: {  	(pc) =	sbr.rel $0x88, $3  }
0x1: {  	(tag) =	ssettag $0x0;
	lr =	simm.s32 $0x1  }
0x2: {  	[smem:$0x3F87] =	sst lr;
	_ =	strace $0xD0000000  }
0x3: {  	_ = 	snop  }
0x4: {  	_ = 	snop  }
0x5: {  	_ = 	snop  }
0x6: {  	_ = 	snop  }
0x7: {  	_ = 	snop  }
__scs_overlays_trampoline_lowered:
0x8: {  	[smem:$0x3F96] =	sst s0  }
0x9: {  	[smem:$0x3F97] =	sst s1  }
0xa: {  	[smem:$0x3F98] =	sst s2  }
0xb: {  	[smem:$0x3F99] =	sst s3  }
0xc: {  	[smem:$0x3F9A] =	sst s4  }
0xd: {  	[smem:$0x3F9B] =	sst s5  }
0xe: {  	[smem:$0x3F9C] =	sst s6  }
0xf: {  	[smem:$0x3F9D] =	sst s7  }
0x10: {  	[smem:$0x3F9E] =	sst s8  }
0x11: {  	[smem:$0x3F9F] =	sst s9;
	s0 =	simm.s32 @!p0 $0x0  }
0x12: {  	s1 =	sld [smem:$0x3F85];
	s0 =	simm.s32 @p0 $0x1  }
0x13: {  	[smem:$0x3FA0] =	sst s0;
	s0 =	simm.s32 @!p1 $0x0  }
0x14: {  	s2 =	sld [smem:$0x3F84];
	s0 =	simm.s32 @p1 $0x1  }
0x15: {  	[smem:$0x3FA1] =	sst s0;
	s0 =	simm.s32 @!p2 $0x0  }
0x16: {  	s3 =	sld [smem:$0x3FDB];
	s0 =	simm.s32 @p2 $0x1  }
0x17: {  	s4 =	simm.s32 $0x1BF5;
	[smem:$0x3FA3] =	sst s0  }
0x18: {  	s0 =	sld [smem:$0x3F86];
	_ =	swait.ge [sflag:s4], $0x0  }
0x19: {  	s7 =	sld [smem:$0x3F87]  }
0x1a: {  	s8 =	sadd.s32 $0xFFFFE003, lr  }
0x1b: {  	s9 =	sadd.s32 $0xFFFFFEF7, lr;
	s5 =	simm.s32 $0xFFFFFFFF;
	p2 =	slt.u32 s8, $0xFFFFF086  }
0x1c: {  	p1 =	slt.u32 s9, $0xF7A;
	s5 =	simm.s32 @!p2 $0x0  }
0x1d: {  	s5 =	simm.s32 @p1 $0x1;
	p0 =	seq.s32 s7, s2  }
0x1e: {  	s7 =	smul.u32 @!p0 $0xF7A, s2;
	p2 =	seq.s32 @!p0 s5, $0x0  }
0x1f: {  	s9 =	smul.u32 $0xF7A, s1;
	s8 =	simm.s32 @!p0 $0x1BF5;
	p2 =	por !p2, p0  }
0x20: {  	[sflag:s8] =	ssyncset.s32 @!p0 $0xFFFFF086;
	s6 =	sadd.s32 @!p0 s3, s7;
	s7 =	simm.s32 @!p0 $0x108  }
0x21: {  	s3 =	sadd.s32 s3, s9;
	s6 =	sadd.s32 @!p0 $0x88, s6;
	s7 =	simm.s32 @p2 $0x1082  }
0x22: {  	[simem:s7], [sflag:s8] =	dma.local @!p0 [hbm:s6], $0xF7A  }
0x23: {  	s9 =	sor.u32 $0xD0000000, s2;
	s6 =	simm.s32 $0x108;
	_ =	swait.ge @!p0 [sflag:s8], $0x0  }
0x24: {  	s3 =	sadd.s32 $0x88, s3;
	s6 =	simm.s32 @!p1 $0x1082;
	[sflag:s4] =	ssyncset.s32 $0xFFFFF086  }
0x25: {  	[simem:s6], [sflag:s4] =	dma.local [hbm:s3], $0xF7A  }
0x26: {  	[smem:$0x3F87] =	sst s1;
	(tag) =	ssettag s2;
	_ =	strace s9  }
0x27: {  	s1 =	sld [smem:$0x3F97]  }
0x28: {  	s2 =	sld [smem:$0x3F98]  }
0x29: {  	s4 =	sld [smem:$0x3F9A]  }
0x2a: {  	p0 =	seq.s32 s5, $0x0;
	s5 =	sld [smem:$0x3F9B]  }
0x2b: {  	s6 =	sld [smem:$0x3F9C]  }
0x2c: {  	s7 =	sld [smem:$0x3F9D]  }
0x2d: {  	s3 =	simm.s32 $0x108;
	s8 =	sld [smem:$0x3F9E]  }
0x2e: {  	s3 =	simm.s32 @!p0 $0x1082;
	s9 =	sld [smem:$0x3F9F]  }
0x2f: {  	lr =	sadd.s32 s0, s3;
	s0 =	sld [smem:$0x3F96]  }
0x30: {  	s3 =	sld [smem:$0x3F99]  }
0x31: {  	[smem:$0x3FA2] =	sst s10  }
0x32: {  	s10 =	sld [smem:$0x3FA0];
	_ =	sdelay $0x3  }
0x33: {  	p0 =	seq.s32 s10, $0x1;
	s10 =	sld [smem:$0x3FA2];
	_ =	sdelay $0x3  }
0x34: {  	[smem:$0x3FA2] =	sst s10  }
0x35: {  	s10 =	sld [smem:$0x3FA1];
	_ =	sdelay $0x3  }
0x36: {  	p1 =	seq.s32 s10, $0x1;
	s10 =	sld [smem:$0x3FA2];
	_ =	sdelay $0x3  }
0x37: {  	[smem:$0x3FA2] =	sst s10  }
0x38: {  	s10 =	sld [smem:$0x3FA3]  }
0x39: {  	_ = 	snop;
	(pc) =	sbr.ind lr, $3  }
0x3a: {  	_ = 	snop  }
0x3b: {  	_ = 	snop  }
0x3c: {  	p2 =	seq.s32 s10, $0x1;
	s10 =	sld [smem:$0x3FA2]  }
0x3d: {  	_ =	shalt  }
0x3e: {  	_ =	shalt  }
0x3f: {  	_ =	shalt  }
0x40: {  	_ =	shalt  }
0x41: {  	_ =	shalt  }
0x42: {  	_ =	shalt  }
0x43: {  	_ =	shalt  }
0x44: {  	_ =	shalt  }
0x45: {  	_ =	shalt  }
0x46: {  	_ =	shalt  }
0x47: {  	_ =	shalt  }
0x48: {  	_ =	shalt  }
0x49: {  	_ =	shalt  }
0x4a: {  	_ =	shalt  }
0x4b: {  	_ =	shalt  }
0x4c: {  	_ =	shalt  }
0x4d: {  	_ =	shalt  }
0x4e: {  	_ =	shalt  }
0x4f: {  	_ =	shalt  }
0x50: {  	_ =	shalt  }
0x51: {  	_ =	shalt  }
0x52: {  	_ =	shalt  }
0x53: {  	_ =	shalt  }
0x54: {  	_ =	shalt  }
0x55: {  	_ =	shalt  }
0x56: {  	_ =	shalt  }
0x57: {  	_ =	shalt  }
0x58: {  	_ =	shalt  }
0x59: {  	_ =	shalt  }
0x5a: {  	_ =	shalt  }
0x5b: {  	_ =	shalt  }
0x5c: {  	_ =	shalt  }
0x5d: {  	_ =	shalt  }
0x5e: {  	_ =	shalt  }
0x5f: {  	_ =	shalt  }
0x60: {  	_ =	shalt  }
0x61: {  	_ =	shalt  }
0x62: {  	_ =	shalt  }
0x63: {  	_ =	shalt  }
0x64: {  	_ =	shalt  }
0x65: {  	_ =	shalt  }
0x66: {  	_ =	shalt  }
0x67: {  	_ =	shalt  }
0x68: {  	_ =	shalt  }
0x69: {  	_ =	shalt  }
0x6a: {  	_ =	shalt  }
0x6b: {  	_ =	shalt  }
0x6c: {  	_ =	shalt  }
0x6d: {  	_ =	shalt  }
0x6e: {  	_ =	shalt  }
0x6f: {  	_ =	shalt  }
0x70: {  	_ =	shalt  }
0x71: {  	_ =	shalt  }
0x72: {  	_ =	shalt  }
0x73: {  	_ =	shalt  }
0x74: {  	_ =	shalt  }
0x75: {  	_ =	shalt  }
0x76: {  	_ =	shalt  }
0x77: {  	_ =	shalt  }
0x78: {  	_ =	shalt  }
0x79: {  	_ =	shalt  }
0x7a: {  	_ =	shalt  }
0x7b: {  	_ =	shalt  }
0x7c: {  	_ =	shalt  }
0x7d: {  	_ =	shalt  }
0x7e: {  	_ =	shalt  }
0x7f: {  	_ =	shalt  }
0x80: {  	_ =	shalt  }
0x81: {  	_ =	shalt  }
0x82: {  	_ =	shalt  }
0x83: {  	_ =	shalt  }
0x84: {  	_ =	shalt  }
0x85: {  	_ =	shalt  }
0x86: {  	_ =	shalt  }
0x87: {  	_ =	shalt  }
.Lfunc_end0:
.L_simem_size_0:
called_computation.1_lowered:
.L_overlay_start_0:
0x88: {  	s2 =	sld [smem:$0x3FD9]  }
0x89: {  	s3 =	sld [smem:$0x3FFE];
	_ =	sdelay $0x1  }
0x8a: {  	s1 =	srdreg.scid  }
0x8b: {  	s0 =	sand.u32 $0x1, s1  }
0x8c: {  	s17 =	sshll.u32 s0, $0xA;
	s2 =	sadd.s32 s3, s2  }
0x8d: {  	s2 =	sadd.s32 s2, s17  }
0x8e: {  	[smem:$0x3FAE] =	sst s2  }
0x8f: {  	_ = 	snop  }
0x90: {  	(tm) =	ssettm $0x1  }
0x91: {  	s18 =	sld [smem:$0x3FFB];
	_ =	sdelay $0x3  }
0x92: {  	_ =	strace s18  }
0x93: {  	s2 =	sld [smem:$0x3FFC];
	_ =	sdelay $0x3  }
0x94: {  	_ =	strace s2  }
0x95: {  	s2 =	sld [smem:$0x3FFD];
	_ =	sdelay $0x3  }
0x96: {  	_ =	strace s2  }
0x97: {  	_ =	strace $0x8FFFFFFF  }
0x98: {  	s19 =	sld [smem:$0x3FDB];
	_ =	sdelay $0x1  }
0x99: {  	s20 =	simm.s32 $_scs_section_size  }
0x9a: {  	s4 =	simm.s32 $_size__tile_overlayer_lowered;
	s5 =	simm.s32 $_tile_overlayer_lowered  }
0x9b: {  	s6 =	simm.s32 $0x1BFF;
	s21 =	sshll.u32 s5, $0x1;
	s3 =	sadd.s32 s20, s19  }
0x9c: {  	s22 =	simm.s32 $0x0;
	s4 =	sshll.u32 s4, $0x1;
	s5 =	sadd.s32 s21, s3  }
0x9d: {  	[timem:s22], [sflag:s6] =	dma.local [hbm:s5], s4  }
0x9e: {  	_ =	swait.ge [sflag:s6], s4  }
0x9f: {  	s4 =	ssub.s32 $0x0, s4;
	[sflag:s6] =	ssyncset.done $0x0  }
0xa0: {  	[sflag:s6] =	ssyncadd.s32 s4;
	_ =	sdelay $0x1  }
0xa1: {  	s23 =	simm.s32 $0x1B8B  }
0xa2: {  	_ =	swait.ge [sflag:s23], $0x1  }
0xa3: {  	[sflag:s23] =	ssyncset.done $0x0  }
0xa4: {  	[sflag:s23] =	ssyncadd.s32 $0xFFFFFFFF  }
0xa5: {  	s4 =	sld [smem:$0x0]  }
0xa6: {  	s5 =	sand.u32 $0xFFFFFFFE, s1  }
0xa7: {  	p0 =	sne.s32 s1, s5  }
0xa8: {  	s5 =	sshll.u32 @p0 s5, $0xE  }
0xa9: {  	s5 =	sadd.s32 @p0 $0x11B8D, s5;
	s6 =	sshll.u32 @p0 s4, $0x11  }
0xaa: {  	s5 =	sor.u32 @p0 s6, s5  }
0xab: {  	[sflag:s5] =	ssyncadd.remote.s32 @p0 $0x1;
	_ =	sdelay $0x1  }
0xac: {  	s5 =	simm.s32 @p0 $0x1B8D  }
0xad: {  	_ =	swait.eq @p0 [sflag:s5], $0x1  }
0xae: {  	[sflag:s5] =	ssyncadd.s32 @p0 $0xFFFFFFFF  }
0xaf: {  	s6 =	sshll.u32 @!p0 s1, $0xE  }
0xb0: {  	s6 =	sor.u32 @!p0 $0x4000, s6;
	s5 =	simm.s32 @!p0 $0x1B8D  }
0xb1: {  	s4 =	sshll.u32 @!p0 s4, $0x11;
	s6 =	sadd.s32 @!p0 $0x11B8D, s6;
	_ =	swait.eq @!p0 [sflag:s5], $0x1  }
0xb2: {  	s4 =	sor.u32 @!p0 s4, s6;
	[sflag:s5] =	ssyncadd.s32 @!p0 $0xFFFFFFFF  }
0xb3: {  	s25 =	simm.s32 $0x1B8E;
	s24 =	sld [smem:$0x3FFE];
	[sflag:s4] =	ssyncadd.remote.s32 @!p0 $0x1  }
0xb4: {  	s26 =	simm.s32 $execute0_lowered;
	[smem:$0x3FD2] =	sst s25  }
0xb5: {  	s5 =	sshll.u32 s26, $0x1;
	_ =	strace $0x80000049;
	[dreg:$0x1] =	wrdreg $0xFFFFFFFF  }
0xb6: {  	s28 =	simm.s32 $_size_execute0_lowered;
	s3 =	sadd.s32 s3, s5;
	[dreg:$0x0] =	wrdreg $0x0  }
0xb7: {  	s5 =	sshll.u32 s28, $0x1;
	[dreg:$0x2] =	wrdreg s3  }
0xb8: {  	[dreg:$0x3] =	wrdreg s5  }
0xb9: {  	[dreg:$0x4] =	wrdreg $0xC0  }
0xba: {  	_ =	task [dreg:s22], $0x5FFFF  }
0xbb: {  	[dreg:$0x1] =	wrdreg $0xFFFFFFFF  }
0xbc: {  	[dreg:$0x0] =	wrdreg $0x60  }
0xbd: {  	[dreg:$0x2] =	wrdreg s24  }
0xbe: {  	[dreg:$0x3] =	wrdreg $0xA  }
0xbf: {  	_ =	task.clear_ibuf [dreg:s22], $0x4FFFF;
	_ =	strace $0x90000049  }
0xc0: {  	s29 =	simm.s32 $0xA;
	_ =	strace $0x8000004B  }
0xc1: {  	_ =	swait.ge [sflag:s29], $0x1  }
0xc2: {  	[sflag:s29] =	ssyncadd.s32 $0xFFFFFFFF  }
0xc3: {  	_ =	strace $0x9000004B  }
0xc4: {  	_ =	sfence  }
0xc5: {  	s30 =	sld [smem:$0x0];
	_ =	sdelay $0x2  }
0xc6: {  	s31 =	sshll.u32 s1, $0xD;
	s1 =	sshrl.u32 s1, $0x2  }
0xc7: {  	s4 =	sand.u32 $0x4000, s31;
	s1 =	sadd.s32 s1, s30  }
0xc8: {  	s0 =	sor.u32 s4, s0;
	s1 =	sshll.u32 s1, $0x11  }
0xc9: {  	s0 =	sor.u32 s1, s0  }
0xca: {  	s0 =	sadd.s32 $0x8F2B, s0  }
0xcb: {  	[sflag:s0] =	ssyncadd.remote.s32 $0x1  }
0xcc: {  	_ =	sfence.sel $0xFFFF  }
0xcd: {  	[dreg:$0x0] =	wrdreg $0xFFFFFFFF;
	(pc) =	sbr.abs _section_cstart, $3  }
0xce: {  	[dreg:$0x1] =	wrdreg $0xFFFFFFFF  }
0xcf: {  	_ =	task.clear_ibuf [dreg:s22], $0x2FFFF;
	_ =	strace $0x9FFFFFFF  }
0xd0: {  	(tm) =	ssettm $0x7FFFFFFF  }
0xd1: {  	_ =	shalt  }
tec
execute0_lowered:
.L_overlay_start_1:
0x0: {  	(tag) =	ssettag $0x1  }
0x1: {  	s7 =	rddreg [dreg:$0x0]  }
0x2: {  	s0 =	rddreg [dreg:$0x1];
	_ =	strace $0x8000004A  }
0x3: {  	s1 =	srdreg.scid;
	s4 =	simm.s32 $0x1;
	s9 =	simm.s32 $0x3  }
0x4: {  	s12 =	simm.s32 $0x0;
	s10 =	simm.s32 $0x0;
	s5 =	sshll.u32 s1, $0x4  }
.Ltmp0:
0x5: {  	s1 =	stileid.u32;
	s5 =	sand.u32 $0x10, s5;
	(pc) =	sbr.rel .LBB2_1-.Ltmp0, $4  }
0x6: {  	s2 =	sadd.s32 $0x201200, s7;
	s3 =	sadd.s32 $0x211200, s7;
	s6 =	sor.u32 s1, s5  }
0x7: {  	[sflag:s4] =	ssyncpa.u1 $0x0;
	s5 =	simm.s32 $0x2;
	s6 =	sshll.u32 s6, $0x7  }
0x8: {  	s7 =	sadd.s32 $0x411800, s7;
	[sflag:s5] =	ssyncpa.u1 $0x0;
	s8 =	sadd.s32 $0x80, s6  }
0x9: {  	vm0 =	vmmov $0xff;
	vm1 =	vcmask $0x3F20;
	[sflag:s9] =	ssyncpa.u1 $0x0;
	s9 =	simm.s32 $0x80;
	s11 =	smov.u32 s6  }
.LBB2_9:
0xa: {  	p0 =	seq.s32 s10, $0x2  }
.Ltmp1:
0xb: {  	_ = 	snop;
	(pc) =	sbr.rel @p0 .LBB2_11-.Ltmp1, $1  }
0xc: {  	_ =	sdelay $0x3  }
.LBB2_10:
0xd: {  	s12 =	sadd.s32 $0x80, s11  }
0xe: {  	s13 =	smov.u32 s6;
	p0 =	slt.s32 s12, s8  }
0xf: {  	s13 =	smov.u32 @p0 s12  }
0x10: {  	s10 =	sadd.s32 $0x1, s10;
	s12 =	smov.u32 s11;
	s11 =	smov.u32 s13  }
.LBB2_1:
0x11: {  	p0 =	sne.s32 s10, $0x0  }
.Ltmp2:
0x12: {  	_ = 	snop;
	(pc) =	sbr.rel @!p0 .LBB2_2-.Ltmp2, $1  }
0x13: {  	_ =	sdelay $0x3  }
0x14: {  	s13 =	sand.u32 $0x1, s10  }
0x15: {  	p0 =	seq.s32 s13, $0x0  }
.Ltmp3:
0x16: {  	_ = 	snop;
	(pc) =	sbr.rel @p0 .LBB2_9-.Ltmp3, $1  }
0x17: {  	_ =	sdelay $0x3  }
0x18: {  	_ =	swait.ge [sflag:s5], $0x80  }
0x19: {  	[sflag:s5] =	ssyncset.done $0x0  }
0x1a: {  	s13 =	simm.s32 $0x0;
	[sflag:s5] =	ssyncadd.s32 $0xFFFFFF80  }
0x1b: {  	v0 =	vld.msk [tilespmem:s13+$0x80 ss:$0x1], $0xffff;
	_ =	sdelay $0x4  }
0x1c: {  	vm2 =	vgt.s32 v0, $0x0  }
0x1d: {  	v0 =	vnsel vm2, $0x0, v0  }
0x1e: {  	v0 =	vmin.u32 v0, $0xFFF  }
0x1f: {  	v0 =	vshll.u32 v0, $0x4;
	_ =	sdelay $0x3  }
0x20: {  	s13 =	simm.s32 $0x4100  }
0x21: {  	[tilespmem:s13], [sflag:$0x1] =	stream.indirect_vreg.gather [hbm:s2], $0x80, v0, vm0, $0x38;
	[tilespmem:$0x8100] =	vst v63  }
0x22: {  	s14 =	simm.s32 $0x4500;
	s31 =	simm.s32 $0x10  }
0x23: {  	[tilespmem:s14], [sflag:$0x1] =	stream.indirect_vreg.gather [hbm:s2], $0x80, v0, vm1, $0x38;
	[tilespmem:$0x8100] =	vst v63  }
0x24: {  	s14 =	simm.s32 $0x80;
	v0 =	vld.msk [tilespmem:s31+$0x80 ss:$0x1], $0xffff  }
.LBB2_5:
0x25: {  	p0 =	sne.s32 s14, $0x1C0;
	_ =	sdelay $0x4  }
0x26: {  	vm2 =	vgt.s32 v0, $0x0  }
0x27: {  	v0 =	vnsel vm2, $0x0, v0  }
0x28: {  	v0 =	vmin.u32 v0, $0xFFF  }
0x29: {  	v0 =	vshll.u32 v0, $0x4;
	_ =	sdelay $0x3  }
.Ltmp4:
0x2a: {  	s13 =	sadd.s32 $0x800, s13;
	(pc) =	sbr.rel @p0 .LBB2_5-.Ltmp4, $4  }
0x2b: {  	[tilespmem:s13], [sflag:$0x1] =	stream.indirect_vreg.gather [hbm:s2], $0x80, v0, vm0, $0x38;
	[tilespmem:$0x8100] =	vst v63  }
0x2c: {  	s15 =	sshra.s32 s14, $0x2;
	s16 =	sadd.s32 $0x400, s13  }
0x2d: {  	[tilespmem:s16], [sflag:$0x1] =	stream.indirect_vreg.gather [hbm:s2], $0x80, v0, vm1, $0x38;
	[tilespmem:$0x8100] =	vst v63  }
0x2e: {  	s14 =	sadd.s32 $0x40, s14;
	v0 =	vld.msk [tilespmem:s15+$0x80 ss:$0x1], $0xffff  }
0x2f: {  	_ =	sdelay $0x3  }
0x30: {  	vm2 =	vgt.s32 v0, $0x0  }
0x31: {  	v0 =	vnsel vm2, $0x0, v0  }
0x32: {  	v0 =	vmin.u32 v0, $0xFFF  }
0x33: {  	v0 =	vshll.u32 v0, $0x4;
	_ =	sdelay $0x3  }
0x34: {  	s13 =	sadd.s32 $0x800, s13  }
0x35: {  	[tilespmem:s13], [sflag:$0x1] =	stream.indirect_vreg.gather [hbm:s2], $0x80, v0, vm0, $0x38;
	[tilespmem:$0x8100] =	vst v63  }
0x36: {  	s13 =	sadd.s32 $0x400, s13  }
0x37: {  	[tilespmem:s13], [sflag:$0x1] =	stream.indirect_vreg.gather [hbm:s2], $0x80, v0, vm1, $0x38;
	[tilespmem:$0x8100] =	vst v63  }
0x38: {  	s12 =	sshll.u32 s12, $0x4;
	s14 =	simm.s32 $0x80;
	_ =	swait.ge [sflag:s4], $0x4000  }
0x39: {  	s15 =	simm.s32 $0x4500;
	s12 =	sadd.s32 s12, s7;
	[sflag:s4] =	ssyncset.done $0x0  }
0x3a: {  	s16 =	sadd.s32 $0x0, s12;
	s13 =	simm.s32 $0x4100;
	[sflag:s4] =	ssyncadd.s32 $0xFFFFC000  }
.LBB2_7:
0x3b: {  	[hbm:s16] =	stream.linear.scatter [tilespmem:s13], [sflag:$0x3], $0x400, $0x38;
	[tilespmem:$0x8100] =	vst v63  }
0x3c: {  	s16 =	smov.u32 s14;
	s13 =	smov.u32 s15;
	p0 =	sne.s32 s14, $0x780  }
.Ltmp5:
0x3d: {  	s14 =	sadd.s32 $0x80, s14;
	(pc) =	sbr.rel @p0 .LBB2_7-.Ltmp5, $2  }
0x3e: {  	_ =	sdelay $0x2  }
0x3f: {  	s15 =	sadd.s32 $0x400, s15;
	s16 =	sadd.s32 s16, s12  }
.Ltmp6:
0x40: {  	(pc) =	sbr.rel .LBB2_9-.Ltmp6, $2  }
0x41: {  	_ =	sdelay $0x2  }
0x42: {  	[hbm:s16] =	stream.linear.scatter [tilespmem:s13], [sflag:$0x3], $0x400, $0x38;
	[tilespmem:$0x8100] =	vst v63  }
.LBB2_2:
.Ltmp7:
0x43: {  	(pc) =	sbr.rel .LBB2_10-.Ltmp7, $4  }
0x44: {  	_ = 	snop  }
0x45: {  	s12 =	sshrl.u32 s11, $0x3  }
0x46: {  	s13 =	sand.u32 $0x7, s11;
	s12 =	sadd.s32 s3, s12  }
0x47: {  	[tilespmem:s9], [sflag:$0x2] =	stream.linear.gather [hbm4b:s12+s13], $0x80, $0x38;
	[tilespmem:$0x8100] =	vst v63  }
.LBB2_11:
0x48: {  	s2 =	simm.s32 $0x3  }
0x49: {  	_ =	swait.ge [sflag:s2], $0x4000  }
0x4a: {  	[sflag:s2] =	ssyncset.done $0x0  }
0x4b: {  	[sflag:s2] =	ssyncadd.s32 $0xFFFFC000  }
0x4c: {  	_ =	sfence.sel $0x180000  }
0x4d: {  	s3 =	simm.s32 $0x2;
	[bflag:$0x0] =	sbarrier.arrive $0xFFFF  }
0x4e: {  	[sflag:s3] =	ssyncpa.u1 $0x1  }
0x4f: {  	s31 =	simm.s32 $0x1;
	[sflag:s2] =	ssyncpa.u1 $0x1  }
0x50: {  	[sflag:s31] =	ssyncpa.u1 $0x1  }
0x51: {  	p0 =	sne.s32 s1, $0x0;
	_ =	strace $0x9000004A  }
0x52: {  	s0 =	sadd.s32 @!p0 $0x100000, s0;
	[bflag:$0x2] =	sbarrier.arrive $0xFFFF  }
0x53: {  	[sflag:s0] =	ssyncadd.tile.s32 @!p0 $0x1;
	_ =	shalt  }
.Lfunc_end2:
_tile_overlayer_lowered:
.L_overlay_start_2:
0x54: {  	(tag) =	ssettag $0x2  }
0x55: {  	s0 =	rddreg [dreg:$0x0];
	s2 =	stileid.u32  }
0x56: {  	s1 =	rddreg [dreg:$0x1];
	p0 =	sne.s32 s2, $0x0  }
0x57: {  	s3 =	rddreg [dreg:$0x2];
	[bflag:$0x3] =	sbarrier.arrive $0xFFFF;
	s2 =	simm.s32 @!p0 $0x1C01  }
0x58: {  	[timem:s3], [sflag:s2] =	dma.local @!p0 [hbm:s0], s1  }
0x59: {  	s0 =	simm.s32 @!p0 $0x1  }
0x5a: {  	_ =	swait.ge @!p0 [sflag:s0], s1  }
0x5b: {  	s1 =	ssub.s32 @!p0 $0x0, s1;
	[sflag:s0] =	ssyncset.done @!p0 $0x0  }
0x5c: {  	[sflag:s0] =	ssyncadd.s32 @!p0 s1  }
0x5d: {  	[bflag:$0x3] =	sbarrier.arrive $0xFFFF  }
0x5e: {  	_ =	shalt  }

// kernel: gather_offload_async_start.2
scs
__scs_entry_jumppad:
0x0: {  	(pc) =	sbr.rel $0x88, $3  }
0x1: {  	(tag) =	ssettag $0x0;
	lr =	simm.s32 $0x1  }
0x2: {  	[smem:$0x3F87] =	sst lr;
	_ =	strace $0xD0000000  }
0x3: {  	_ = 	snop  }
0x4: {  	_ = 	snop  }
0x5: {  	_ = 	snop  }
0x6: {  	_ = 	snop  }
0x7: {  	_ = 	snop  }
__scs_overlays_trampoline_lowered:
0x8: {  	[smem:$0x3F96] =	sst s0  }
0x9: {  	[smem:$0x3F97] =	sst s1  }
0xa: {  	[smem:$0x3F98] =	sst s2  }
0xb: {  	[smem:$0x3F99] =	sst s3  }
0xc: {  	[smem:$0x3F9A] =	sst s4  }
0xd: {  	[smem:$0x3F9B] =	sst s5  }
0xe: {  	[smem:$0x3F9C] =	sst s6  }
0xf: {  	[smem:$0x3F9D] =	sst s7  }
0x10: {  	[smem:$0x3F9E] =	sst s8  }
0x11: {  	[smem:$0x3F9F] =	sst s9;
	s0 =	simm.s32 @!p0 $0x0  }
0x12: {  	s1 =	sld [smem:$0x3F85];
	s0 =	simm.s32 @p0 $0x1  }
0x13: {  	[smem:$0x3FA0] =	sst s0;
	s0 =	simm.s32 @!p1 $0x0  }
0x14: {  	s2 =	sld [smem:$0x3F84];
	s0 =	simm.s32 @p1 $0x1  }
0x15: {  	[smem:$0x3FA1] =	sst s0;
	s0 =	simm.s32 @!p2 $0x0  }
0x16: {  	s3 =	sld [smem:$0x3FDB];
	s0 =	simm.s32 @p2 $0x1  }
0x17: {  	s4 =	simm.s32 $0x1BF5;
	[smem:$0x3FA3] =	sst s0  }
0x18: {  	s0 =	sld [smem:$0x3F86];
	_ =	swait.ge [sflag:s4], $0x0  }
0x19: {  	s7 =	sld [smem:$0x3F87]  }
0x1a: {  	s8 =	sadd.s32 $0xFFFFE003, lr  }
0x1b: {  	s9 =	sadd.s32 $0xFFFFFEF7, lr;
	s5 =	simm.s32 $0xFFFFFFFF;
	p2 =	slt.u32 s8, $0xFFFFF086  }
0x1c: {  	p1 =	slt.u32 s9, $0xF7A;
	s5 =	simm.s32 @!p2 $0x0  }
0x1d: {  	s5 =	simm.s32 @p1 $0x1;
	p0 =	seq.s32 s7, s2  }
0x1e: {  	s7 =	smul.u32 @!p0 $0xF7A, s2;
	p2 =	seq.s32 @!p0 s5, $0x0  }
0x1f: {  	s9 =	smul.u32 $0xF7A, s1;
	s8 =	simm.s32 @!p0 $0x1BF5;
	p2 =	por !p2, p0  }
0x20: {  	[sflag:s8] =	ssyncset.s32 @!p0 $0xFFFFF086;
	s6 =	sadd.s32 @!p0 s3, s7;
	s7 =	simm.s32 @!p0 $0x108  }
0x21: {  	s3 =	sadd.s32 s3, s9;
	s6 =	sadd.s32 @!p0 $0x88, s6;
	s7 =	simm.s32 @p2 $0x1082  }
0x22: {  	[simem:s7], [sflag:s8] =	dma.local @!p0 [hbm:s6], $0xF7A  }
0x23: {  	s9 =	sor.u32 $0xD0000000, s2;
	s6 =	simm.s32 $0x108;
	_ =	swait.ge @!p0 [sflag:s8], $0x0  }
0x24: {  	s3 =	sadd.s32 $0x88, s3;
	s6 =	simm.s32 @!p1 $0x1082;
	[sflag:s4] =	ssyncset.s32 $0xFFFFF086  }
0x25: {  	[simem:s6], [sflag:s4] =	dma.local [hbm:s3], $0xF7A  }
0x26: {  	[smem:$0x3F87] =	sst s1;
	(tag) =	ssettag s2;
	_ =	strace s9  }
0x27: {  	s1 =	sld [smem:$0x3F97]  }
0x28: {  	s2 =	sld [smem:$0x3F98]  }
0x29: {  	s4 =	sld [smem:$0x3F9A]  }
0x2a: {  	p0 =	seq.s32 s5, $0x0;
	s5 =	sld [smem:$0x3F9B]  }
0x2b: {  	s6 =	sld [smem:$0x3F9C]  }
0x2c: {  	s7 =	sld [smem:$0x3F9D]  }
0x2d: {  	s3 =	simm.s32 $0x108;
	s8 =	sld [smem:$0x3F9E]  }
0x2e: {  	s3 =	simm.s32 @!p0 $0x1082;
	s9 =	sld [smem:$0x3F9F]  }
0x2f: {  	lr =	sadd.s32 s0, s3;
	s0 =	sld [smem:$0x3F96]  }
0x30: {  	s3 =	sld [smem:$0x3F99]  }
0x31: {  	[smem:$0x3FA2] =	sst s10  }
0x32: {  	s10 =	sld [smem:$0x3FA0];
	_ =	sdelay $0x3  }
0x33: {  	p0 =	seq.s32 s10, $0x1;
	s10 =	sld [smem:$0x3FA2];
	_ =	sdelay $0x3  }
0x34: {  	[smem:$0x3FA2] =	sst s10  }
0x35: {  	s10 =	sld [smem:$0x3FA1];
	_ =	sdelay $0x3  }
0x36: {  	p1 =	seq.s32 s10, $0x1;
	s10 =	sld [smem:$0x3FA2];
	_ =	sdelay $0x3  }
0x37: {  	[smem:$0x3FA2] =	sst s10  }
0x38: {  	s10 =	sld [smem:$0x3FA3]  }
0x39: {  	_ = 	snop;
	(pc) =	sbr.ind lr, $3  }
0x3a: {  	_ = 	snop  }
0x3b: {  	_ = 	snop  }
0x3c: {  	p2 =	seq.s32 s10, $0x1;
	s10 =	sld [smem:$0x3FA2]  }
0x3d: {  	_ =	shalt  }
0x3e: {  	_ =	shalt  }
0x3f: {  	_ =	shalt  }
0x40: {  	_ =	shalt  }
0x41: {  	_ =	shalt  }
0x42: {  	_ =	shalt  }
0x43: {  	_ =	shalt  }
0x44: {  	_ =	shalt  }
0x45: {  	_ =	shalt  }
0x46: {  	_ =	shalt  }
0x47: {  	_ =	shalt  }
0x48: {  	_ =	shalt  }
0x49: {  	_ =	shalt  }
0x4a: {  	_ =	shalt  }
0x4b: {  	_ =	shalt  }
0x4c: {  	_ =	shalt  }
0x4d: {  	_ =	shalt  }
0x4e: {  	_ =	shalt  }
0x4f: {  	_ =	shalt  }
0x50: {  	_ =	shalt  }
0x51: {  	_ =	shalt  }
0x52: {  	_ =	shalt  }
0x53: {  	_ =	shalt  }
0x54: {  	_ =	shalt  }
0x55: {  	_ =	shalt  }
0x56: {  	_ =	shalt  }
0x57: {  	_ =	shalt  }
0x58: {  	_ =	shalt  }
0x59: {  	_ =	shalt  }
0x5a: {  	_ =	shalt  }
0x5b: {  	_ =	shalt  }
0x5c: {  	_ =	shalt  }
0x5d: {  	_ =	shalt  }
0x5e: {  	_ =	shalt  }
0x5f: {  	_ =	shalt  }
0x60: {  	_ =	shalt  }
0x61: {  	_ =	shalt  }
0x62: {  	_ =	shalt  }
0x63: {  	_ =	shalt  }
0x64: {  	_ =	shalt  }
0x65: {  	_ =	shalt  }
0x66: {  	_ =	shalt  }
0x67: {  	_ =	shalt  }
0x68: {  	_ =	shalt  }
0x69: {  	_ =	shalt  }
0x6a: {  	_ =	shalt  }
0x6b: {  	_ =	shalt  }
0x6c: {  	_ =	shalt  }
0x6d: {  	_ =	shalt  }
0x6e: {  	_ =	shalt  }
0x6f: {  	_ =	shalt  }
0x70: {  	_ =	shalt  }
0x71: {  	_ =	shalt  }
0x72: {  	_ =	shalt  }
0x73: {  	_ =	shalt  }
0x74: {  	_ =	shalt  }
0x75: {  	_ =	shalt  }
0x76: {  	_ =	shalt  }
0x77: {  	_ =	shalt  }
0x78: {  	_ =	shalt  }
0x79: {  	_ =	shalt  }
0x7a: {  	_ =	shalt  }
0x7b: {  	_ =	shalt  }
0x7c: {  	_ =	shalt  }
0x7d: {  	_ =	shalt  }
0x7e: {  	_ =	shalt  }
0x7f: {  	_ =	shalt  }
0x80: {  	_ =	shalt  }
0x81: {  	_ =	shalt  }
0x82: {  	_ =	shalt  }
0x83: {  	_ =	shalt  }
0x84: {  	_ =	shalt  }
0x85: {  	_ =	shalt  }
0x86: {  	_ =	shalt  }
0x87: {  	_ =	shalt  }
.Lfunc_end0:
.L_simem_size_0:
called_computation.2_lowered:
.L_overlay_start_0:
0x88: {  	s2 =	sld [smem:$0x3FD9]  }
0x89: {  	s3 =	sld [smem:$0x3FFE];
	_ =	sdelay $0x1  }
0x8a: {  	s1 =	srdreg.scid  }
0x8b: {  	s0 =	sand.u32 $0x1, s1  }
0x8c: {  	s17 =	sshll.u32 s0, $0xA;
	s2 =	sadd.s32 s3, s2  }
0x8d: {  	s2 =	sadd.s32 s2, s17  }
0x8e: {  	[smem:$0x3FAE] =	sst s2  }
0x8f: {  	_ = 	snop  }
0x90: {  	s2 =	sld [smem:$0x3FD0];
	(tm) =	ssettm $0x1  }
0x91: {  	s18 =	sld [smem:$0x3FFB];
	_ =	sdelay $0x3  }
0x92: {  	_ =	strace s18  }
0x93: {  	s3 =	sld [smem:$0x3FFC];
	_ =	sdelay $0x3  }
0x94: {  	_ =	strace s3  }
0x95: {  	s3 =	sld [smem:$0x3FFD];
	_ =	sdelay $0x3  }
0x96: {  	_ =	strace s3  }
0x97: {  	_ =	strace $0x8FFFFFFF  }
0x98: {  	s19 =	sld [smem:$0x3FDB];
	_ =	sdelay $0x1  }
0x99: {  	s4 =	simm.s32 $_scs_section_size  }
0x9a: {  	s5 =	simm.s32 $_size__tile_overlayer_lowered;
	s6 =	simm.s32 $_tile_overlayer_lowered  }
0x9b: {  	s22 =	simm.s32 $0x1BFF;
	s21 =	sshll.u32 s6, $0x1;
	s3 =	sadd.s32 s4, s19  }
0x9c: {  	s7 =	simm.s32 $0x0;
	s20 =	sshll.u32 s5, $0x1;
	s5 =	sadd.s32 s21, s3  }
0x9d: {  	[timem:s7], [sflag:s22] =	dma.local [hbm:s5], s20  }
0x9e: {  	_ =	swait.ge [sflag:s22], s20  }
0x9f: {  	s4 =	ssub.s32 $0x0, s20;
	[sflag:s22] =	ssyncset.done $0x0  }
0xa0: {  	[sflag:s22] =	ssyncadd.s32 s4;
	_ =	sdelay $0x1  }
0xa1: {  	s23 =	simm.s32 $0x1B8B  }
0xa2: {  	_ =	swait.ge [sflag:s23], $0x1  }
0xa3: {  	[sflag:s23] =	ssyncset.done $0x0  }
0xa4: {  	s25 =	simm.s32 $0x1B8E;
	s24 =	sld [smem:$0x3FFE];
	[sflag:s23] =	ssyncadd.s32 $0xFFFFFFFF  }
0xa5: {  	s26 =	simm.s32 $execute0_lowered;
	[smem:$0x3FD2] =	sst s25  }
0xa6: {  	s5 =	sshll.u32 s26, $0x1;
	_ =	strace $0x8000004C;
	[dreg:$0x1] =	wrdreg $0xFFFFFFFF  }
0xa7: {  	s28 =	simm.s32 $_size_execute0_lowered;
	s3 =	sadd.s32 s3, s5;
	[dreg:$0x0] =	wrdreg $0x0  }
0xa8: {  	s5 =	sshll.u32 s28, $0x1;
	[dreg:$0x2] =	wrdreg s3  }
0xa9: {  	[dreg:$0x3] =	wrdreg s5  }
0xaa: {  	[dreg:$0x4] =	wrdreg $0xC0  }
0xab: {  	_ =	task [dreg:s7], $0x5FFFF  }
0xac: {  	[dreg:$0x1] =	wrdreg $0xFFFFFFFF  }
0xad: {  	[dreg:$0x0] =	wrdreg $0x60  }
0xae: {  	[dreg:$0x2] =	wrdreg s24  }
0xaf: {  	[dreg:$0x3] =	wrdreg s2  }
0xb0: {  	[dreg:$0x4] =	wrdreg $0x9  }
0xb1: {  	_ =	task.clear_ibuf [dreg:s7], $0x5FFFF;
	_ =	strace $0x9000004C  }
0xb2: {  	s29 =	simm.s32 $0x9;
	_ =	strace $0x8000004E  }
0xb3: {  	_ =	swait.ge [sflag:s29], $0x1  }
0xb4: {  	[sflag:s29] =	ssyncadd.s32 $0xFFFFFFFF  }
0xb5: {  	_ =	strace $0x9000004E  }
0xb6: {  	_ =	sfence  }
0xb7: {  	s30 =	sld [smem:$0x0];
	_ =	sdelay $0x2  }
0xb8: {  	s31 =	sshll.u32 s1, $0xD;
	s1 =	sshrl.u32 s1, $0x2  }
0xb9: {  	s3 =	sand.u32 $0x4000, s31;
	s1 =	sadd.s32 s1, s30  }
0xba: {  	s0 =	sor.u32 s3, s0;
	s1 =	sshll.u32 s1, $0x11  }
0xbb: {  	s0 =	sor.u32 s1, s0  }
0xbc: {  	s0 =	sadd.s32 $0x8F2B, s0  }
0xbd: {  	[sflag:s0] =	ssyncadd.remote.s32 $0x1  }
0xbe: {  	_ =	sfence.sel $0xFFFF  }
0xbf: {  	[dreg:$0x0] =	wrdreg $0xFFFFFFFF;
	(pc) =	sbr.abs _section_cstart, $3  }
0xc0: {  	[dreg:$0x1] =	wrdreg $0xFFFFFFFF  }
0xc1: {  	_ =	task.clear_ibuf [dreg:s7], $0x2FFFF;
	_ =	strace $0x9FFFFFFF  }
0xc2: {  	(tm) =	ssettm $0x7FFFFFFF  }
0xc3: {  	_ =	shalt  }
tec
execute0_lowered:
.L_overlay_start_1:
0x0: {  	(tag) =	ssettag $0x1  }
0x1: {  	s7 =	rddreg [dreg:$0x0]  }
0x2: {  	s2 =	rddreg [dreg:$0x1]  }
0x3: {  	s0 =	rddreg [dreg:$0x2]  }
0x4: {  	s1 =	srdreg.scid;
	_ =	strace $0x8000004D;
	s4 =	simm.s32 $0x1  }
0x5: {  	s9 =	simm.s32 $0x3;
	s11 =	simm.s32 $0x0;
	s5 =	sshll.u32 s1, $0x4  }
.Ltmp0:
0x6: {  	s1 =	stileid.u32;
	s5 =	sand.u32 $0x10, s5;
	(pc) =	sbr.rel .LBB2_1-.Ltmp0, $4  }
0x7: {  	p0 =	por $0x0, $0x0;
	s3 =	sadd.s32 $0xE00, s7;
	s6 =	sor.u32 s1, s5  }
0x8: {  	[sflag:s4] =	ssyncpa.u1 $0x0;
	s5 =	simm.s32 $0x2;
	s6 =	sshll.u32 s6, $0x7  }
0x9: {  	s7 =	sadd.s32 $0x421800, s7;
	[sflag:s5] =	ssyncpa.u1 $0x0;
	s8 =	sadd.s32 $0x80, s6  }
0xa: {  	vm0 =	vmmov $0xff;
	vm1 =	vcmask $0x3F20;
	[sflag:s9] =	ssyncpa.u1 $0x0;
	s10 =	smov.u32 s6;
	s9 =	simm.s32 $0x0  }
.LBB2_5:
0xb: {  	p1 =	slt.u32 s9, $0x2;
	s11 =	sadd.s32 $0x10, s10  }
0xc: {  	s13 =	smov.u32 s6;
	s9 =	sadd.s32 $0x1, s9;
	p2 =	slt.s32 s11, s8  }
0xd: {  	s13 =	smov.u32 @p2 s11;
	p2 =	sne.s32 s9, $0xA  }
.Ltmp1:
0xe: {  	_ = 	snop;
	(pc) =	sbr.rel @!p2 .LBB2_6-.Ltmp1, $4  }
0xf: {  	s12 =	simm.s32 @!p1 $0x3  }
0x10: {  	_ =	swait.ge @!p1 [sflag:s12], $0x8000  }
0x11: {  	p0 =	por !p0, !p0;
	[sflag:s12] =	ssyncset.done @!p1 $0x0  }
0x12: {  	s11 =	smov.u32 s10;
	s10 =	smov.u32 s13;
	[sflag:s12] =	ssyncadd.s32 @!p1 $0xFFFF8000  }
.LBB2_1:
0x13: {  	p1 =	sgt.u32 s9, $0x7  }
0x14: {  	s12 =	sxor.u32 @!p1 $0xFFFFFFFF, s9  }
0x15: {  	s13 =	sshrl.u32 @!p1 s10, $0x3;
	s12 =	sshll.u32 @!p1 s12, $0x4  }
0x16: {  	s14 =	sand.u32 @!p1 $0x7, s10;
	s13 =	sadd.s32 @!p1 s7, s13;
	s12 =	sand.u32 @!p1 $0x10, s12  }
0x17: {  	[tilespmem:s12], [sflag:$0x2] =	stream.linear.gather @!p1 [hbm4b:s13+s14], $0x10, $0x38;
	[tilespmem:$0x10020] =	vst v63  }
0x18: {  	p1 =	seq.s32 s9, $0x0  }
0x19: {  	p2 =	seq.s32 @!p1 s9, $0x9  }
0x1a: {  	p1 =	por p1, p2  }
.Ltmp2:
0x1b: {  	_ = 	snop;
	(pc) =	sbr.rel @p1 .LBB2_5-.Ltmp2, $1  }
0x1c: {  	_ =	sdelay $0x3  }
0x1d: {  	_ =	swait.ge [sflag:s5], $0x10  }
0x1e: {  	s12 =	sand.u32 $0x1, s9;
	[sflag:s5] =	ssyncset.done $0x0  }
0x1f: {  	s13 =	sshll.u32 s12, $0x4;
	[sflag:s5] =	ssyncadd.s32 $0xFFFFFFF0  }
0x20: {  	v0 =	vld.msk [tilespmem:s13+$0x0 ss:$0x1], $0xffff;
	_ =	sdelay $0x4  }
0x21: {  	vm2 =	vgt.s32 v0, $0x0  }
0x22: {  	v0 =	vnsel vm2, $0x0, v0  }
0x23: {  	v0 =	vmin.u32 v0, $0xFFF  }
0x24: {  	v1 =	vshll.u32 v0, $0x8;
	v0 =	vshll.u32 v0, $0x4  }
0x25: {  	v1 =	vand.u32 $0xFF800, v1;
	v0 =	vand.u32 $0x70, v0  }
0x26: {  	s13 =	simm.s32 $0x1;
	v0 =	vor.u32 v0, v1  }
0x27: {  	s13 =	simm.s32 @!p0 $0x0  }
0x28: {  	s13 =	sshll.u32 s13, $0xF  }
0x29: {  	s14 =	sor.u32 $0x20, s13  }
0x2a: {  	s12 =	sshll.u32 s12, $0xF;
	s16 =	sadd.s32 $0x0, s14  }
0x2b: {  	[tilespmem:s16], [sflag:$0x1] =	stream.indirect_vreg.gather [hbm:s3], $0x80, v0, vm0, $0x38;
	[tilespmem:$0x10020] =	vst v63  }
0x2c: {  	s15 =	simm.s32 $0x1000;
	s13 =	sor.u32 $0x20, s12;
	v1 =	vadd.s32 $0x80, v0;
	s16 =	sadd.s32 $0x4000, s16  }
.LBB2_3:
0x2d: {  	[tilespmem:s16], [sflag:$0x1] =	stream.indirect_vreg.gather [hbm:s3], $0x80, v0, vm1, $0x38;
	[tilespmem:$0x10020] =	vst v63  }
0x2e: {  	v0 =	vmov v1;
	s16 =	smov.u32 s15;
	p1 =	sne.s32 s15, $0xF000  }
.Ltmp3:
0x2f: {  	s15 =	sadd.s32 $0x1000, s15;
	(pc) =	sbr.rel @p1 .LBB2_3-.Ltmp3, $4  }
0x30: {  	s16 =	sshra.s32 s16, $0x2  }
0x31: {  	s16 =	sadd.s32 s16, s14  }
0x32: {  	[tilespmem:s16], [sflag:$0x1] =	stream.indirect_vreg.gather [hbm:s3], $0x80, v1, vm0, $0x38;
	[tilespmem:$0x10020] =	vst v63  }
0x33: {  	s16 =	sadd.s32 $0x4000, s16;
	v1 =	vadd.s32 $0x80, v1  }
0x34: {  	_ =	sdelay $0x3  }
0x35: {  	[tilespmem:s16], [sflag:$0x1] =	stream.indirect_vreg.gather [hbm:s3], $0x80, v0, vm1, $0x38;
	[tilespmem:$0x10020] =	vst v63  }
0x36: {  	s14 =	sshll.u32 s11, $0x4;
	s31 =	sshll.u32 s11, $0x8  }
0x37: {  	_ =	swait.ge [sflag:s4], $0x8000;
	s14 =	sand.u32 $0x70, s14;
	s11 =	sand.u32 $0xFFFFF800, s31  }
.Ltmp4:
0x38: {  	[sflag:s4] =	ssyncset.done $0x0;
	s14 =	sadd.s32 s2, s14;
	(pc) =	sbr.rel .LBB2_5-.Ltmp4, $4  }
0x39: {  	[sflag:s4] =	ssyncadd.s32 $0xFFFF8000;
	s11 =	sadd.s32 s11, s14  }
0x3a: {  	[hbm:s11] =	stream.linear.scatter [tilespmem:s13], [sflag:$0x3], $0x4000, $0x38;
	[tilespmem:$0x10020] =	vst v63  }
0x3b: {  	s12 =	sadd.s32 $0x4020, s12;
	s11 =	sadd.s32 $0x800, s11  }
0x3c: {  	[hbm:s11] =	stream.linear.scatter [tilespmem:s12], [sflag:$0x3], $0x4000, $0x38;
	[tilespmem:$0x10020] =	vst v63  }
.LBB2_6:
0x3d: {  	_ =	sfence.sel $0x180000  }
0x3e: {  	s2 =	simm.s32 $0x2;
	[bflag:$0x0] =	sbarrier.arrive $0xFFFF  }
0x3f: {  	s30 =	simm.s32 $0x3;
	[sflag:s2] =	ssyncpa.u1 $0x1  }
0x40: {  	s31 =	simm.s32 $0x1;
	[sflag:s30] =	ssyncpa.u1 $0x1  }
0x41: {  	[sflag:s31] =	ssyncpa.u1 $0x1  }
0x42: {  	p0 =	sne.s32 s1, $0x0;
	_ =	strace $0x9000004D  }
0x43: {  	s0 =	sadd.s32 @!p0 $0x100000, s0;
	[bflag:$0x2] =	sbarrier.arrive $0xFFFF  }
0x44: {  	[sflag:s0] =	ssyncadd.tile.s32 @!p0 $0x1;
	_ =	shalt  }
.Lfunc_end2:
_tile_overlayer_lowered:
.L_overlay_start_2:
0x45: {  	(tag) =	ssettag $0x2  }
0x46: {  	s0 =	rddreg [dreg:$0x0];
	s2 =	stileid.u32  }
0x47: {  	s1 =	rddreg [dreg:$0x1];
	p0 =	sne.s32 s2, $0x0  }
0x48: {  	s3 =	rddreg [dreg:$0x2];
	[bflag:$0x3] =	sbarrier.arrive $0xFFFF;
	s2 =	simm.s32 @!p0 $0x1C01  }
0x49: {  	[timem:s3], [sflag:s2] =	dma.local @!p0 [hbm:s0], s1  }
0x4a: {  	s0 =	simm.s32 @!p0 $0x1  }
0x4b: {  	_ =	swait.ge @!p0 [sflag:s0], s1  }
0x4c: {  	s1 =	ssub.s32 @!p0 $0x0, s1;
	[sflag:s0] =	ssyncset.done @!p0 $0x0  }
0x4d: {  	[sflag:s0] =	ssyncadd.s32 @!p0 s1  }
0x4e: {  	[bflag:$0x3] =	sbarrier.arrive $0xFFFF  }
0x4f: {  	_ =	shalt  }

// kernel: gather_offload_async_start
scs
__scs_entry_jumppad:
0x0: {  	(pc) =	sbr.rel $0x88, $3  }
0x1: {  	(tag) =	ssettag $0x0;
	lr =	simm.s32 $0x1  }
0x2: {  	[smem:$0x3F87] =	sst lr;
	_ =	strace $0xD0000000  }
0x3: {  	_ = 	snop  }
0x4: {  	_ = 	snop  }
0x5: {  	_ = 	snop  }
0x6: {  	_ = 	snop  }
0x7: {  	_ = 	snop  }
__scs_overlays_trampoline_lowered:
0x8: {  	[smem:$0x3F96] =	sst s0  }
0x9: {  	[smem:$0x3F97] =	sst s1  }
0xa: {  	[smem:$0x3F98] =	sst s2  }
0xb: {  	[smem:$0x3F99] =	sst s3  }
0xc: {  	[smem:$0x3F9A] =	sst s4  }
0xd: {  	[smem:$0x3F9B] =	sst s5  }
0xe: {  	[smem:$0x3F9C] =	sst s6  }
0xf: {  	[smem:$0x3F9D] =	sst s7  }
0x10: {  	[smem:$0x3F9E] =	sst s8  }
0x11: {  	[smem:$0x3F9F] =	sst s9;
	s0 =	simm.s32 @!p0 $0x0  }
0x12: {  	s1 =	sld [smem:$0x3F85];
	s0 =	simm.s32 @p0 $0x1  }
0x13: {  	[smem:$0x3FA0] =	sst s0;
	s0 =	simm.s32 @!p1 $0x0  }
0x14: {  	s2 =	sld [smem:$0x3F84];
	s0 =	simm.s32 @p1 $0x1  }
0x15: {  	[smem:$0x3FA1] =	sst s0;
	s0 =	simm.s32 @!p2 $0x0  }
0x16: {  	s3 =	sld [smem:$0x3FDB];
	s0 =	simm.s32 @p2 $0x1  }
0x17: {  	s4 =	simm.s32 $0x1BF5;
	[smem:$0x3FA3] =	sst s0  }
0x18: {  	s0 =	sld [smem:$0x3F86];
	_ =	swait.ge [sflag:s4], $0x0  }
0x19: {  	s7 =	sld [smem:$0x3F87]  }
0x1a: {  	s8 =	sadd.s32 $0xFFFFE003, lr  }
0x1b: {  	s9 =	sadd.s32 $0xFFFFFEF7, lr;
	s5 =	simm.s32 $0xFFFFFFFF;
	p2 =	slt.u32 s8, $0xFFFFF086  }
0x1c: {  	p1 =	slt.u32 s9, $0xF7A;
	s5 =	simm.s32 @!p2 $0x0  }
0x1d: {  	s5 =	simm.s32 @p1 $0x1;
	p0 =	seq.s32 s7, s2  }
0x1e: {  	s7 =	smul.u32 @!p0 $0xF7A, s2;
	p2 =	seq.s32 @!p0 s5, $0x0  }
0x1f: {  	s9 =	smul.u32 $0xF7A, s1;
	s8 =	simm.s32 @!p0 $0x1BF5;
	p2 =	por !p2, p0  }
0x20: {  	[sflag:s8] =	ssyncset.s32 @!p0 $0xFFFFF086;
	s6 =	sadd.s32 @!p0 s3, s7;
	s7 =	simm.s32 @!p0 $0x108  }
0x21: {  	s3 =	sadd.s32 s3, s9;
	s6 =	sadd.s32 @!p0 $0x88, s6;
	s7 =	simm.s32 @p2 $0x1082  }
0x22: {  	[simem:s7], [sflag:s8] =	dma.local @!p0 [hbm:s6], $0xF7A  }
0x23: {  	s9 =	sor.u32 $0xD0000000, s2;
	s6 =	simm.s32 $0x108;
	_ =	swait.ge @!p0 [sflag:s8], $0x0  }
0x24: {  	s3 =	sadd.s32 $0x88, s3;
	s6 =	simm.s32 @!p1 $0x1082;
	[sflag:s4] =	ssyncset.s32 $0xFFFFF086  }
0x25: {  	[simem:s6], [sflag:s4] =	dma.local [hbm:s3], $0xF7A  }
0x26: {  	[smem:$0x3F87] =	sst s1;
	(tag) =	ssettag s2;
	_ =	strace s9  }
0x27: {  	s1 =	sld [smem:$0x3F97]  }
0x28: {  	s2 =	sld [smem:$0x3F98]  }
0x29: {  	s4 =	sld [smem:$0x3F9A]  }
0x2a: {  	p0 =	seq.s32 s5, $0x0;
	s5 =	sld [smem:$0x3F9B]  }
0x2b: {  	s6 =	sld [smem:$0x3F9C]  }
0x2c: {  	s7 =	sld [smem:$0x3F9D]  }
0x2d: {  	s3 =	simm.s32 $0x108;
	s8 =	sld [smem:$0x3F9E]  }
0x2e: {  	s3 =	simm.s32 @!p0 $0x1082;
	s9 =	sld [smem:$0x3F9F]  }
0x2f: {  	lr =	sadd.s32 s0, s3;
	s0 =	sld [smem:$0x3F96]  }
0x30: {  	s3 =	sld [smem:$0x3F99]  }
0x31: {  	[smem:$0x3FA2] =	sst s10  }
0x32: {  	s10 =	sld [smem:$0x3FA0];
	_ =	sdelay $0x3  }
0x33: {  	p0 =	seq.s32 s10, $0x1;
	s10 =	sld [smem:$0x3FA2];
	_ =	sdelay $0x3  }
0x34: {  	[smem:$0x3FA2] =	sst s10  }
0x35: {  	s10 =	sld [smem:$0x3FA1];
	_ =	sdelay $0x3  }
0x36: {  	p1 =	seq.s32 s10, $0x1;
	s10 =	sld [smem:$0x3FA2];
	_ =	sdelay $0x3  }
0x37: {  	[smem:$0x3FA2] =	sst s10  }
0x38: {  	s10 =	sld [smem:$0x3FA3]  }
0x39: {  	_ = 	snop;
	(pc) =	sbr.ind lr, $3  }
0x3a: {  	_ = 	snop  }
0x3b: {  	_ = 	snop  }
0x3c: {  	p2 =	seq.s32 s10, $0x1;
	s10 =	sld [smem:$0x3FA2]  }
0x3d: {  	_ =	shalt  }
0x3e: {  	_ =	shalt  }
0x3f: {  	_ =	shalt  }
0x40: {  	_ =	shalt  }
0x41: {  	_ =	shalt  }
0x42: {  	_ =	shalt  }
0x43: {  	_ =	shalt  }
0x44: {  	_ =	shalt  }
0x45: {  	_ =	shalt  }
0x46: {  	_ =	shalt  }
0x47: {  	_ =	shalt  }
0x48: {  	_ =	shalt  }
0x49: {  	_ =	shalt  }
0x4a: {  	_ =	shalt  }
0x4b: {  	_ =	shalt  }
0x4c: {  	_ =	shalt  }
0x4d: {  	_ =	shalt  }
0x4e: {  	_ =	shalt  }
0x4f: {  	_ =	shalt  }
0x50: {  	_ =	shalt  }
0x51: {  	_ =	shalt  }
0x52: {  	_ =	shalt  }
0x53: {  	_ =	shalt  }
0x54: {  	_ =	shalt  }
0x55: {  	_ =	shalt  }
0x56: {  	_ =	shalt  }
0x57: {  	_ =	shalt  }
0x58: {  	_ =	shalt  }
0x59: {  	_ =	shalt  }
0x5a: {  	_ =	shalt  }
0x5b: {  	_ =	shalt  }
0x5c: {  	_ =	shalt  }
0x5d: {  	_ =	shalt  }
0x5e: {  	_ =	shalt  }
0x5f: {  	_ =	shalt  }
0x60: {  	_ =	shalt  }
0x61: {  	_ =	shalt  }
0x62: {  	_ =	shalt  }
0x63: {  	_ =	shalt  }
0x64: {  	_ =	shalt  }
0x65: {  	_ =	shalt  }
0x66: {  	_ =	shalt  }
0x67: {  	_ =	shalt  }
0x68: {  	_ =	shalt  }
0x69: {  	_ =	shalt  }
0x6a: {  	_ =	shalt  }
0x6b: {  	_ =	shalt  }
0x6c: {  	_ =	shalt  }
0x6d: {  	_ =	shalt  }
0x6e: {  	_ =	shalt  }
0x6f: {  	_ =	shalt  }
0x70: {  	_ =	shalt  }
0x71: {  	_ =	shalt  }
0x72: {  	_ =	shalt  }
0x73: {  	_ =	shalt  }
0x74: {  	_ =	shalt  }
0x75: {  	_ =	shalt  }
0x76: {  	_ =	shalt  }
0x77: {  	_ =	shalt  }
0x78: {  	_ =	shalt  }
0x79: {  	_ =	shalt  }
0x7a: {  	_ =	shalt  }
0x7b: {  	_ =	shalt  }
0x7c: {  	_ =	shalt  }
0x7d: {  	_ =	shalt  }
0x7e: {  	_ =	shalt  }
0x7f: {  	_ =	shalt  }
0x80: {  	_ =	shalt  }
0x81: {  	_ =	shalt  }
0x82: {  	_ =	shalt  }
0x83: {  	_ =	shalt  }
0x84: {  	_ =	shalt  }
0x85: {  	_ =	shalt  }
0x86: {  	_ =	shalt  }
0x87: {  	_ =	shalt  }
.Lfunc_end0:
.L_simem_size_0:
called_computation_lowered:
.L_overlay_start_0:
0x88: {  	s2 =	sld [smem:$0x3FD9]  }
0x89: {  	s3 =	sld [smem:$0x3FFE];
	_ =	sdelay $0x1  }
0x8a: {  	s1 =	srdreg.scid  }
0x8b: {  	s0 =	sand.u32 $0x1, s1  }
0x8c: {  	s16 =	sshll.u32 s0, $0xA;
	s2 =	sadd.s32 s3, s2  }
0x8d: {  	s2 =	sadd.s32 s2, s16  }
0x8e: {  	[smem:$0x3FAE] =	sst s2  }
0x8f: {  	_ = 	snop  }
0x90: {  	(tm) =	ssettm $0x1  }
0x91: {  	s17 =	sld [smem:$0x3FFB];
	_ =	sdelay $0x3  }
0x92: {  	_ =	strace s17  }
0x93: {  	s2 =	sld [smem:$0x3FFC];
	_ =	sdelay $0x3  }
0x94: {  	_ =	strace s2  }
0x95: {  	s2 =	sld [smem:$0x3FFD];
	_ =	sdelay $0x3  }
0x96: {  	_ =	strace s2  }
0x97: {  	_ =	strace $0x8FFFFFFF  }
0x98: {  	s18 =	sld [smem:$0x3FDB];
	_ =	sdelay $0x1  }
0x99: {  	s19 =	simm.s32 $_scs_section_size  }
0x9a: {  	s4 =	simm.s32 $_size__tile_overlayer_lowered;
	s5 =	simm.s32 $_tile_overlayer_lowered  }
0x9b: {  	s22 =	simm.s32 $0x1BFF;
	s21 =	sshll.u32 s5, $0x1;
	s2 =	sadd.s32 s19, s18  }
0x9c: {  	s6 =	simm.s32 $0x0;
	s20 =	sshll.u32 s4, $0x1;
	s4 =	sadd.s32 s21, s2  }
0x9d: {  	[timem:s6], [sflag:s22] =	dma.local [hbm:s4], s20  }
0x9e: {  	_ =	swait.ge [sflag:s22], s20  }
0x9f: {  	s3 =	ssub.s32 $0x0, s20;
	[sflag:s22] =	ssyncset.done $0x0  }
0xa0: {  	[sflag:s22] =	ssyncadd.s32 s3;
	_ =	sdelay $0x1  }
0xa1: {  	s23 =	simm.s32 $0x1B8B  }
0xa2: {  	_ =	swait.ge [sflag:s23], $0x1  }
0xa3: {  	[sflag:s23] =	ssyncset.done $0x0  }
0xa4: {  	s25 =	simm.s32 $0x1B8E;
	s24 =	sld [smem:$0x3FFE];
	[sflag:s23] =	ssyncadd.s32 $0xFFFFFFFF  }
0xa5: {  	s26 =	simm.s32 $execute0_lowered;
	[smem:$0x3FD2] =	sst s25  }
0xa6: {  	s4 =	sshll.u32 s26, $0x1;
	_ =	strace $0x80000046;
	[dreg:$0x1] =	wrdreg $0xFFFFFFFF  }
0xa7: {  	s28 =	simm.s32 $_size_execute0_lowered;
	s2 =	sadd.s32 s2, s4;
	[dreg:$0x0] =	wrdreg $0x0  }
0xa8: {  	s4 =	sshll.u32 s28, $0x1;
	[dreg:$0x2] =	wrdreg s2  }
0xa9: {  	[dreg:$0x3] =	wrdreg s4  }
0xaa: {  	[dreg:$0x4] =	wrdreg $0xC0  }
0xab: {  	_ =	task [dreg:s6], $0x5FFFF  }
0xac: {  	[dreg:$0x1] =	wrdreg $0xFFFFFFFF  }
0xad: {  	[dreg:$0x0] =	wrdreg $0x60  }
0xae: {  	[dreg:$0x2] =	wrdreg s24  }
0xaf: {  	[dreg:$0x3] =	wrdreg $0x9  }
0xb0: {  	_ =	task.clear_ibuf [dreg:s6], $0x4FFFF;
	_ =	strace $0x90000046  }
0xb1: {  	s29 =	simm.s32 $0x9;
	_ =	strace $0x80000048  }
0xb2: {  	_ =	swait.ge [sflag:s29], $0x1  }
0xb3: {  	[sflag:s29] =	ssyncadd.s32 $0xFFFFFFFF  }
0xb4: {  	_ =	strace $0x90000048  }
0xb5: {  	_ =	sfence  }
0xb6: {  	s30 =	sld [smem:$0x0];
	_ =	sdelay $0x2  }
0xb7: {  	s31 =	sshll.u32 s1, $0xD;
	s1 =	sshrl.u32 s1, $0x2  }
0xb8: {  	s3 =	sand.u32 $0x4000, s31;
	s1 =	sadd.s32 s1, s30  }
0xb9: {  	s0 =	sor.u32 s3, s0;
	s1 =	sshll.u32 s1, $0x11  }
0xba: {  	s0 =	sor.u32 s1, s0  }
0xbb: {  	s0 =	sadd.s32 $0x8F2B, s0  }
0xbc: {  	[sflag:s0] =	ssyncadd.remote.s32 $0x1  }
0xbd: {  	_ =	sfence.sel $0xFFFF  }
0xbe: {  	[dreg:$0x0] =	wrdreg $0xFFFFFFFF;
	(pc) =	sbr.abs _section_cstart, $3  }
0xbf: {  	[dreg:$0x1] =	wrdreg $0xFFFFFFFF  }
0xc0: {  	_ =	task.clear_ibuf [dreg:s6], $0x2FFFF;
	_ =	strace $0x9FFFFFFF  }
0xc1: {  	(tm) =	ssettm $0x7FFFFFFF  }
tec
execute0_lowered:
.L_overlay_start_1:
0x0: {  	(tag) =	ssettag $0x1  }
0x1: {  	s7 =	rddreg [dreg:$0x0]  }
0x2: {  	s0 =	rddreg [dreg:$0x1];
	_ =	strace $0x80000047  }
0x3: {  	s1 =	srdreg.scid;
	s4 =	simm.s32 $0x1;
	s9 =	simm.s32 $0x3  }
0x4: {  	s11 =	simm.s32 $0x0;
	p0 =	por $0x0, $0x0;
	s5 =	sshll.u32 s1, $0x4  }
.Ltmp0:
0x5: {  	s1 =	stileid.u32;
	s5 =	sand.u32 $0x10, s5;
	(pc) =	sbr.rel .LBB2_1-.Ltmp0, $4  }
0x6: {  	s2 =	sadd.s32 $0x1200, s7;
	s3 =	sadd.s32 $0x211200, s7;
	s6 =	sor.u32 s1, s5  }
0x7: {  	[sflag:s4] =	ssyncpa.u1 $0x0;
	s5 =	simm.s32 $0x2;
	s6 =	sshll.u32 s6, $0x7  }
0x8: {  	s7 =	sadd.s32 $0x211400, s7;
	[sflag:s5] =	ssyncpa.u1 $0x0;
	s8 =	sadd.s32 $0x80, s6  }
0x9: {  	vm0 =	vmmov $0xff;
	[sflag:s9] =	ssyncpa.u1 $0x0;
	s10 =	smov.u32 s6;
	s9 =	simm.s32 $0x0  }
.LBB2_5:
0xa: {  	p1 =	slt.u32 s9, $0x2;
	s11 =	sadd.s32 $0x8, s10  }
0xb: {  	s13 =	smov.u32 s6;
	s9 =	sadd.s32 $0x1, s9;
	p2 =	slt.s32 s11, s8  }
0xc: {  	s13 =	smov.u32 @p2 s11;
	p2 =	sne.s32 s9, $0x12  }
.Ltmp1:
0xd: {  	_ = 	snop;
	(pc) =	sbr.rel @!p2 .LBB2_6-.Ltmp1, $4  }
0xe: {  	s12 =	simm.s32 @!p1 $0x3  }
0xf: {  	_ =	swait.ge @!p1 [sflag:s12], $0x8000  }
0x10: {  	p0 =	por !p0, !p0;
	[sflag:s12] =	ssyncset.done @!p1 $0x0  }
0x11: {  	s11 =	smov.u32 s10;
	s10 =	smov.u32 s13;
	[sflag:s12] =	ssyncadd.s32 @!p1 $0xFFFF8000  }
.LBB2_1:
0x12: {  	p1 =	sgt.u32 s9, $0xF  }
0x13: {  	s12 =	sxor.u32 @!p1 $0xFFFFFFFF, s9  }
0x14: {  	s13 =	sshrl.u32 @!p1 s10, $0x3;
	s12 =	sshll.u32 @!p1 s12, $0x3  }
0x15: {  	s14 =	sand.u32 @!p1 $0x7, s10;
	s13 =	sadd.s32 @!p1 s3, s13;
	s12 =	sand.u32 @!p1 $0x8, s12  }
0x16: {  	[tilespmem:s12], [sflag:$0x2] =	stream.linear.gather @!p1 [hbm4b:s13+s14], $0x8, $0x38;
	[tilespmem:$0x10010] =	vst v63  }
0x17: {  	p1 =	seq.s32 s9, $0x0  }
0x18: {  	p2 =	seq.s32 @!p1 s9, $0x11  }
0x19: {  	p1 =	por p1, p2  }
.Ltmp2:
0x1a: {  	_ = 	snop;
	(pc) =	sbr.rel @p1 .LBB2_5-.Ltmp2, $1  }
0x1b: {  	_ =	sdelay $0x3  }
0x1c: {  	_ =	swait.ge [sflag:s5], $0x8  }
0x1d: {  	s12 =	sand.u32 $0x1, s9;
	[sflag:s5] =	ssyncset.done $0x0  }
0x1e: {  	s13 =	sshll.u32 s12, $0x3;
	[sflag:s5] =	ssyncadd.s32 $0xFFFFFFF8  }
0x1f: {  	v0 =	vld.msk [tilespmem:s13+$0x0 ss:$0x1], $0xff;
	_ =	sdelay $0x4  }
0x20: {  	vm1 =	vgt.s32 v0, $0x0  }
0x21: {  	v0 =	vnsel vm1, $0x0, v0  }
0x22: {  	v0 =	vmin.u32 v0, $0xFFF  }
0x23: {  	v1 =	vshll.u32 v0, $0x9;
	v0 =	vshll.u32 v0, $0x4  }
0x24: {  	v1 =	vand.u32 $0x1FF000, v1;
	v0 =	vand.u32 $0x70, v0  }
0x25: {  	s13 =	simm.s32 $0x1;
	v0 =	vor.u32 v0, v1  }
0x26: {  	s13 =	simm.s32 @!p0 $0x0  }
0x27: {  	s13 =	sshll.u32 s13, $0xF  }
0x28: {  	s12 =	sshll.u32 s12, $0xF;
	s13 =	sor.u32 $0x10, s13  }
0x29: {  	s14 =	simm.s32 $0x1000;
	s12 =	sor.u32 $0x10, s12;
	s15 =	sadd.s32 $0x0, s13  }
.LBB2_3:
0x2a: {  	[tilespmem:s15], [sflag:$0x1] =	stream.indirect_vreg.gather [hbm:s2], $0x80, v0, vm0, $0x38;
	[tilespmem:$0x10010] =	vst v63  }
0x2b: {  	v0 =	vadd.s32 $0x80, v0;
	s15 =	smov.u32 s14;
	p1 =	sne.s32 s14, $0x1F000  }
.Ltmp3:
0x2c: {  	s14 =	sadd.s32 $0x1000, s14;
	(pc) =	sbr.rel @p1 .LBB2_3-.Ltmp3, $3  }
0x2d: {  	_ =	sdelay $0x1  }
0x2e: {  	s15 =	sshra.s32 s15, $0x2  }
0x2f: {  	s15 =	sadd.s32 s15, s13  }
0x30: {  	_ =	sdelay $0x3  }
0x31: {  	[tilespmem:s15], [sflag:$0x1] =	stream.indirect_vreg.gather [hbm:s2], $0x80, v0, vm0, $0x38;
	[tilespmem:$0x10010] =	vst v63  }
.Ltmp4:
0x32: {  	s13 =	sshll.u32 s11, $0x4;
	(pc) =	sbr.rel .LBB2_5-.Ltmp4, $4  }
0x33: {  	s31 =	sshll.u32 s11, $0x9;
	_ =	swait.ge [sflag:s4], $0x8000;
	s13 =	sand.u32 $0x70, s13  }
0x34: {  	s11 =	sand.u32 $0xFFFFF000, s31;
	[sflag:s4] =	ssyncset.done $0x0;
	s13 =	sadd.s32 s7, s13  }
0x35: {  	[sflag:s4] =	ssyncadd.s32 $0xFFFF8000;
	s11 =	sadd.s32 s11, s13  }
0x36: {  	[hbm:s11] =	stream.linear.scatter [tilespmem:s12], [sflag:$0x3], $0x8000, $0x38;
	[tilespmem:$0x10010] =	vst v63  }
.LBB2_6:
0x37: {  	_ =	sfence.sel $0x180000  }
0x38: {  	s2 =	simm.s32 $0x2;
	[bflag:$0x0] =	sbarrier.arrive $0xFFFF  }
0x39: {  	s30 =	simm.s32 $0x3;
	[sflag:s2] =	ssyncpa.u1 $0x1  }
0x3a: {  	s31 =	simm.s32 $0x1;
	[sflag:s30] =	ssyncpa.u1 $0x1  }
0x3b: {  	[sflag:s31] =	ssyncpa.u1 $0x1  }
0x3c: {  	p0 =	sne.s32 s1, $0x0;
	_ =	strace $0x90000047  }
0x3d: {  	s0 =	sadd.s32 @!p0 $0x100000, s0;
	[bflag:$0x2] =	sbarrier.arrive $0xFFFF  }
0x3e: {  	[sflag:s0] =	ssyncadd.tile.s32 @!p0 $0x1;
	_ =	shalt  }
.Lfunc_end2:
_tile_overlayer_lowered:
.L_overlay_start_2:
0x3f: {  	(tag) =	ssettag $0x2  }
0x40: {  	s0 =	rddreg [dreg:$0x0];
	s2 =	stileid.u32  }
0x41: {  	s1 =	rddreg [dreg:$0x1];
	p0 =	sne.s32 s2, $0x0  }
0x42: {  	s3 =	rddreg [dreg:$0x2];
	[bflag:$0x3] =	sbarrier.arrive $0xFFFF;
	s2 =	simm.s32 @!p0 $0x1C01  }
0x43: {  	[timem:s3], [sflag:s2] =	dma.local @!p0 [hbm:s0], s1  }
0x44: {  	s0 =	simm.s32 @!p0 $0x1  }
0x45: {  	_ =	swait.ge @!p0 [sflag:s0], s1  }
0x46: {  	s1 =	ssub.s32 @!p0 $0x0, s1;
	[sflag:s0] =	ssyncset.done @!p0 $0x0  }
0x47: {  	[sflag:s0] =	ssyncadd.s32 @!p0 s1  }
0x48: {  	[bflag:$0x3] =	sbarrier.arrive $0xFFFF  }
0x49: {  	_ =	shalt  }

</sc_bundles>
